<compile_context>
chip_gen: v7x
topology: tpu7x:2x2x1
jax: 0.10.2.dev20260603
libtpu: 0.0.44.dev20260713+nightly
codegen_flags: <defaults>
</compile_context>

<pallas_src>
import jax
import jax.numpy as jnp
from jax import lax
from jax.experimental import pallas as pl
from jax.experimental.pallas import tpu as pltpu
from jax.experimental.pallas import tpu_sc as plsc

_N = 10000
_E = 320000
_D = 128
_G = 64
_C = 10

_NP = 10240
_B = 128
_NCORES = 2
_NSUB = 16
_NCH = 80
_NCHH = 40
_NF = 120
_NS = 40
_FAST = 0
_ECH = _NCORES * _NSUB * _NCH
_EPAD = _ECH * _B
_RPT = _NP // _NSUB
_RB = 1024
_GRID = _NP // _RB

_mesh = plsc.VectorSubcoreMesh(core_axis_name="c", subcore_axis_name="s",
                               num_cores=_NCORES, num_subcores=_NSUB)



def _scatter_body(g_hbm, src_hbm, dst_hbm, zeros_hbm, out_hbm,
                  src_v, dst_v, b0, b1, acc_sh, sem0, sem1):
    c = lax.axis_index("c")
    s = lax.axis_index("s")
    r0 = s * _RPT
    pltpu.sync_copy(zeros_hbm.at[pl.ds(r0, _RPT)], acc_sh.at[pl.ds(r0, _RPT)])
    plsc.subcore_barrier()

    nch = jnp.where(c == _FAST, _NF, _NS)
    base = jnp.where(c == _FAST, s * _NF, _NSUB * _NF + s * _NS)
    for st in range(_NF // _NCHH):

        @pl.when(st * _NCHH < nch)
        def _():
            cb = base + st * _NCHH
            pltpu.sync_copy(src_hbm.at[pl.ds(cb, _NCHH)], src_v)
            pltpu.sync_copy(dst_hbm.at[pl.ds(cb, _NCHH)], dst_v)
            pltpu.async_copy(g_hbm.at[src_v.at[0]], b0, sem0)

            def body(t, carry):
                j = t * 2
                pltpu.async_copy(g_hbm.at[src_v.at[j + 1]], b1, sem1)
                pltpu.make_async_copy(g_hbm.at[src_v.at[j]], b0, sem0).wait()
                pltpu.sync_copy(b0, acc_sh.at[dst_v.at[j]], add=True)

                @pl.when(j + 2 < _NCHH)
                def _():
                    pltpu.async_copy(g_hbm.at[src_v.at[j + 2]], b0, sem0)

                pltpu.make_async_copy(g_hbm.at[src_v.at[j + 1]], b1, sem1).wait()
                pltpu.sync_copy(b1, acc_sh.at[dst_v.at[j + 1]], add=True)
                return carry

            lax.fori_loop(0, _NCHH // 2, body, 0)

    plsc.subcore_barrier()
    pltpu.sync_copy(acc_sh.at[pl.ds(r0, _RPT)], out_hbm.at[c, pl.ds(r0, _RPT)])


_sc_scatter = pl.kernel(
    _scatter_body,
    out_type=jax.ShapeDtypeStruct((_NCORES, _NP, _D), jnp.float32),
    mesh=_mesh,
    scratch_types=[
        pltpu.VMEM((_NCHH, _B), jnp.int32),
        pltpu.VMEM((_NCHH, _B), jnp.int32),
        pltpu.VMEM((_B, _D), jnp.float32),
        pltpu.VMEM((_B, _D), jnp.float32),
        pltpu.VMEM_SHARED((_NP, _D), jnp.float32),
        pltpu.SemaphoreType.DMA,
        pltpu.SemaphoreType.DMA,
    ],
)



def _hist_body(dst_hbm, ones_hbm, zeros_hbm, out_hbm, dst_v, ones_v, acc_sh, sem):
    c = lax.axis_index("c")
    s = lax.axis_index("s")
    r0 = s * _RPT
    pltpu.sync_copy(zeros_hbm.at[pl.ds(r0, _RPT)], acc_sh.at[pl.ds(r0, _RPT)])
    pltpu.sync_copy(ones_hbm, ones_v)
    cb = c * (_NSUB * _NCH) + s * _NCH
    pltpu.sync_copy(dst_hbm.at[pl.ds(cb, _NCH)], dst_v)
    plsc.subcore_barrier()

    def body(t, carry):
        j = t * 4
        d0 = pltpu.async_copy(ones_v, acc_sh.at[dst_v.at[j]], sem, add=True)
        d1 = pltpu.async_copy(ones_v, acc_sh.at[dst_v.at[j + 1]], sem, add=True)
        d2 = pltpu.async_copy(ones_v, acc_sh.at[dst_v.at[j + 2]], sem, add=True)
        d3 = pltpu.async_copy(ones_v, acc_sh.at[dst_v.at[j + 3]], sem, add=True)
        d0.wait(); d1.wait(); d2.wait(); d3.wait()
        return carry

    lax.fori_loop(0, _NCH // 4, body, 0)
    plsc.subcore_barrier()
    pltpu.sync_copy(acc_sh.at[pl.ds(r0, _RPT)], out_hbm.at[c, pl.ds(r0, _RPT)])


_sc_hist = pl.kernel(
    _hist_body,
    out_type=jax.ShapeDtypeStruct((_NCORES, _NP, _D), jnp.float32),
    mesh=_mesh,
    scratch_types=[
        pltpu.VMEM((_NCH, _B), jnp.int32),
        pltpu.VMEM((_B, _D), jnp.float32),
        pltpu.VMEM_SHARED((_NP, _D), jnp.float32),
        pltpu.SemaphoreType.DMA,
    ],
)



def _tc_first_body(x_ref, w_ref, cnt_ref, g_ref, dis_ref):
    deg = cnt_ref[0][:, 0:1] + cnt_ref[1][:, 0:1] + 1.0
    dis = lax.rsqrt(deg)
    g_ref[...] = dis * jnp.dot(x_ref[...], w_ref[...],
                               preferred_element_type=jnp.float32)
    dis_ref[...] = dis


_tc_first = pl.pallas_call(
    _tc_first_body,
    grid=(_GRID,),
    in_specs=[
        pl.BlockSpec((_RB, _D), lambda i: (i, 0)),
        pl.BlockSpec((_D, _D), lambda i: (0, 0)),
        pl.BlockSpec((_NCORES, _RB, _D), lambda i: (0, i, 0)),
    ],
    out_specs=[
        pl.BlockSpec((_RB, _D), lambda i: (i, 0)),
        pl.BlockSpec((_RB, 1), lambda i: (i, 0)),
    ],
    out_shape=[
        jax.ShapeDtypeStruct((_NP, _D), jnp.float32),
        jax.ShapeDtypeStruct((_NP, 1), jnp.float32),
    ],
)


def _tc_mid_body(acc_ref, g_ref, dis_ref, b_ref, w_ref, gn_ref):
    dis = dis_ref[...]
    t = acc_ref[0] + acc_ref[1] + g_ref[...]
    h = jnp.maximum(dis * t + b_ref[...], 0.0)
    row = pl.program_id(0) * _RB + lax.broadcasted_iota(jnp.int32, (_RB, 1), 0)
    h = jnp.where(row < _N, h, 0.0)
    gn_ref[...] = dis * jnp.dot(h, w_ref[...],
                                preferred_element_type=jnp.float32)


_tc_mid = pl.pallas_call(
    _tc_mid_body,
    grid=(_GRID,),
    in_specs=[
        pl.BlockSpec((_NCORES, _RB, _D), lambda i: (0, i, 0)),
        pl.BlockSpec((_RB, _D), lambda i: (i, 0)),
        pl.BlockSpec((_RB, 1), lambda i: (i, 0)),
        pl.BlockSpec((1, _D), lambda i: (0, 0)),
        pl.BlockSpec((_D, _D), lambda i: (0, 0)),
    ],
    out_specs=pl.BlockSpec((_RB, _D), lambda i: (i, 0)),
    out_shape=jax.ShapeDtypeStruct((_NP, _D), jnp.float32),
)


def _tc_final_body(acc_ref, g_ref, dis_ref, b_ref, batch_ref,
                   lw1_ref, lb1_ref, lw2_ref, lb2_ref, out_ref,
                   sums_ref, counts_ref):
    i = pl.program_id(0)

    @pl.when(i == 0)
    def _():
        sums_ref[...] = jnp.zeros_like(sums_ref)
        counts_ref[...] = jnp.zeros_like(counts_ref)

    dis = dis_ref[...]
    t = acc_ref[0] + acc_ref[1] + g_ref[...]
    h = jnp.maximum(dis * t + b_ref[...], 0.0)
    gid = lax.broadcasted_iota(jnp.int32, (_G, _RB), 0)
    onehot_t = (batch_ref[...] == gid).astype(jnp.float32)
    sums_ref[...] += jnp.dot(onehot_t, h, preferred_element_type=jnp.float32)
    counts_ref[...] += jnp.dot(onehot_t, jnp.ones((_RB, 1), jnp.float32),
                               preferred_element_type=jnp.float32)

    @pl.when(i == _GRID - 1)
    def _():
        pooled = sums_ref[...] / jnp.maximum(counts_ref[...], 1.0)
        z = jnp.maximum(jnp.dot(pooled, lw1_ref[...],
                                preferred_element_type=jnp.float32)
                        + lb1_ref[...], 0.0)
        z = jnp.dot(z, lw2_ref[...],
                    preferred_element_type=jnp.float32) + lb2_ref[...]
        m = jnp.max(z, axis=1, keepdims=True)
        e = jnp.exp(z - m)
        lse = jnp.log(jnp.sum(e, axis=1, keepdims=True)) + m
        out_ref[...] = z - lse


_tc_final = pl.pallas_call(
    _tc_final_body,
    grid=(_GRID,),
    in_specs=[
        pl.BlockSpec((_NCORES, _RB, _D), lambda i: (0, i, 0)),
        pl.BlockSpec((_RB, _D), lambda i: (i, 0)),
        pl.BlockSpec((_RB, 1), lambda i: (i, 0)),
        pl.BlockSpec((1, _D), lambda i: (0, 0)),
        pl.BlockSpec((1, _RB), lambda i: (0, i)),
        pl.BlockSpec((_D, _D), lambda i: (0, 0)),
        pl.BlockSpec((1, _D), lambda i: (0, 0)),
        pl.BlockSpec((_D, _C), lambda i: (0, 0)),
        pl.BlockSpec((1, _C), lambda i: (0, 0)),
    ],
    out_specs=pl.BlockSpec((_G, _C), lambda i: (0, 0)),
    out_shape=jax.ShapeDtypeStruct((_G, _C), jnp.float32),
    scratch_shapes=[
        pltpu.VMEM((_G, _D), jnp.float32),
        pltpu.VMEM((_G, 1), jnp.float32),
    ],
)


def kernel(x, edge_index, batch, W1, b1, W2, b2, W3, b3, LW1, Lb1, LW2, Lb2):
    pad = jnp.full((_EPAD - _E,), _N, jnp.int32)
    src2 = jnp.concatenate([edge_index[0], pad]).reshape(_ECH, _B)
    dst2 = jnp.concatenate([edge_index[1], pad]).reshape(_ECH, _B)
    x_pad = jnp.pad(x, ((0, _NP - _N), (0, 0)))
    batch_pad = jnp.concatenate(
        [batch.astype(jnp.int32), jnp.full((_NP - _N,), _G, jnp.int32)]
    ).reshape(1, _NP)
    zeros = jnp.zeros((_NP, _D), jnp.float32)
    ones = jnp.ones((_B, _D), jnp.float32)

    cnt = _sc_hist(dst2, ones, zeros)
    g1, dis = _tc_first(x_pad, W1, cnt)
    acc1 = _sc_scatter(g1, src2, dst2, zeros)
    g2 = _tc_mid(acc1, g1, dis, b1.reshape(1, _D), W2)
    acc2 = _sc_scatter(g2, src2, dst2, zeros)
    g3 = _tc_mid(acc2, g2, dis, b2.reshape(1, _D), W3)
    acc3 = _sc_scatter(g3, src2, dst2, zeros)
    return _tc_final(acc3, g3, dis, b3.reshape(1, _D), batch_pad,
                     LW1, Lb1.reshape(1, _D), LW2, Lb2.reshape(1, _C))

# --- scband reference (transcript-rebuilt; emitter-appended) ---
"""Pipeline reference for scband-gcn-85452669321994 (READ-ONLY COPY).

The authoritative reference and input builder live on the scoring server;
editing this copy changes nothing except your own understanding.
"""

import jax, jax.numpy as jnp
import numpy as np

N = 10000
E = 320000
D = 128
H = 128
C = 10
G = 64

def _glorot(k, shape):
    lim = float(np.sqrt(6.0 / (shape[0] + shape[1])))
    return jax.random.uniform(k, shape, jnp.float32, -lim, lim)

def setup_inputs(seed: int = 0):
    key = jax.random.key(seed)
    ks = jax.random.split(key, 12)
    inp = {}
    inp['x'] = jax.random.normal(ks[0], (N, D), dtype=jnp.float32)
    inp['edge_index'] = jax.random.randint(ks[1], (2, E), 0, N, dtype=jnp.int32)
    inp['batch'] = jnp.sort(jax.random.randint(ks[2], (N,), 0, G, dtype=jnp.int32))
    inp['W1'] = _glorot(ks[3], (D, H)); inp['b1'] = jnp.zeros((H,), jnp.float32)
    inp['W2'] = _glorot(ks[4], (H, H)); inp['b2'] = jnp.zeros((H,), jnp.float32)
    inp['W3'] = _glorot(ks[5], (H, H)); inp['b3'] = jnp.zeros((H,), jnp.float32)
    inp['LW1'] = _glorot(ks[6], (H, H)); inp['Lb1'] = jnp.zeros((H,), jnp.float32)
    inp['LW2'] = _glorot(ks[7], (H, C)); inp['Lb2'] = jnp.zeros((C,), jnp.float32)
    return inp

def _gcn_conv(x, src, dst, deg_inv_sqrt, W, b):
    # GCNConv: x @ W, symmetric normalization, scatter-add aggregation, bias
    h = x @ W
    norm = deg_inv_sqrt[src] * deg_inv_sqrt[dst]
    msg = h[src] * norm[:, None]
    out = jnp.zeros_like(h).at[dst].add(msg)
    return out + b

def reference(x, edge_index, batch, W1, b1, W2, b2, W3, b3, LW1, Lb1, LW2, Lb2):
    # add self loops (GCNConv default)
    loop = jnp.arange(N, dtype=edge_index.dtype)
    src = jnp.concatenate([edge_index[0], loop])
    dst = jnp.concatenate([edge_index[1], loop])
    deg = jnp.zeros((N,), jnp.float32).at[dst].add(1.0)
    dis = jax.lax.rsqrt(deg)
    h = jax.nn.relu(_gcn_conv(x, src, dst, dis, W1, b1))
    h = jax.nn.relu(_gcn_conv(h, src, dst, dis, W2, b2))
    h = jax.nn.relu(_gcn_conv(h, src, dst, dis, W3, b3))
    # global_mean_pool over graph batch ids
    counts = jnp.zeros((G,), jnp.float32).at[batch].add(1.0)
    sums = jnp.zeros((G, H), jnp.float32).at[batch].add(h)
    pooled = sums / jnp.maximum(counts, 1.0)[:, None]
    z = jax.nn.relu(pooled @ LW1 + Lb1)
    # dropout is identity in eval mode
    z = z @ LW2 + Lb2
    return jax.nn.log_softmax(z, axis=-1)

if __name__ == "__main__":
    import jax
    _d = setup_inputs()
    print(jax.jit(kernel)(*tuple(_d.values())))

</pallas_src>

<mosaic_0001>
#map = affine_map<(d0, d1) -> (0, 0)>
#map1 = affine_map<(d0, d1) -> (0, 0, 0)>
module attributes {stable_mosaic.version = 14 : i64} {
  func.func @_hist_body(%arg0: i32, %arg1: i32, %arg2: memref<2560x128xi32, #tpu.memory_space<hbm>>, %arg3: memref<128x128xf32, #tpu.memory_space<hbm>>, %arg4: memref<10240x128xf32, #tpu.memory_space<hbm>>, %arg5: memref<2x10240x128xf32, #tpu.memory_space<hbm>>, %arg6: memref<80x128xi32, #tpu.memory_space<vmem>>, %arg7: memref<128x128xf32, #tpu.memory_space<vmem>>, %arg8: memref<10240x128xf32, #tpu.memory_space<vmem_shared>>, %arg9: memref<!tpu.dma_semaphore, #tpu.memory_space<semaphore_mem>>) attributes {dimension_semantics = [#tpu.dimension_semantics<core_parallel>, #tpu.dimension_semantics<subcore_parallel>], iteration_bounds = array<i64: 2, 16>, scalar_prefetch = 0 : i64, scratch_operands = 4 : i64, tpu.core_type = #tpu.core_type<sc_vector_subcore>, window_params = [{transform_indices = #map}, {transform_indices = #map}, {transform_indices = #map}, {transform_indices = #map1}]} {
    %mul3A = arith.constant 640 : i32
    %mul3A_0 = arith.muli %arg1, %mul3A : i32
    "tpu.region"() ({
      %run_scoped3A = tpu.sem_alloc : memref<!tpu.dma_semaphore, #tpu.memory_space<semaphore_mem>>
      %dma_start3A = arith.constant 0 : i32
      %dma_start3A_11 = tpu.memref_slice %arg8[%mul3A_0, %dma_start3A] : memref<10240x128xf32, #tpu.memory_space<vmem_shared>> -> memref<640x128xf32, #tpu.memory_space<vmem_shared>>
      %dma_start3A_12 = arith.constant 0 : i32
      %dma_start3A_13 = tpu.memref_slice %arg4[%mul3A_0, %dma_start3A_12] : memref<10240x128xf32, #tpu.memory_space<hbm>> -> memref<640x128xf32, #tpu.memory_space<hbm>>
      tpu.enqueue_dma source(%dma_start3A_13 : memref<640x128xf32, #tpu.memory_space<hbm>>) target(%dma_start3A_11 : memref<640x128xf32, #tpu.memory_space<vmem_shared>>) target_semaphore(%run_scoped3A : memref<!tpu.dma_semaphore, #tpu.memory_space<semaphore_mem>>)
      %dma_wait3A = arith.constant 0 : i32
      %dma_wait3A_14 = tpu.memref_slice %arg8[%mul3A_0, %dma_wait3A] : memref<10240x128xf32, #tpu.memory_space<vmem_shared>> -> memref<640x128xf32, #tpu.memory_space<vmem_shared>>
      %dma_wait3A_15 = arith.constant 0 : i32
      %dma_wait3A_16 = tpu.memref_slice %arg4[%mul3A_0, %dma_wait3A_15] : memref<10240x128xf32, #tpu.memory_space<hbm>> -> memref<640x128xf32, #tpu.memory_space<hbm>>
      tpu.wait_dma2 semaphore(%run_scoped3A : memref<!tpu.dma_semaphore, #tpu.memory_space<semaphore_mem>>) src(%dma_wait3A_16 : memref<640x128xf32, #tpu.memory_space<hbm>>) dst(%dma_wait3A_14 : memref<640x128xf32, #tpu.memory_space<vmem_shared>>)
      tpu.yield
    }) : () -> ()
    "tpu.region"() ({
      %run_scoped3A = tpu.sem_alloc : memref<!tpu.dma_semaphore, #tpu.memory_space<semaphore_mem>>
      tpu.enqueue_dma source(%arg3 : memref<128x128xf32, #tpu.memory_space<hbm>>) target(%arg7 : memref<128x128xf32, #tpu.memory_space<vmem>>) target_semaphore(%run_scoped3A : memref<!tpu.dma_semaphore, #tpu.memory_space<semaphore_mem>>)
      tpu.wait_dma2 semaphore(%run_scoped3A : memref<!tpu.dma_semaphore, #tpu.memory_space<semaphore_mem>>) src(%arg3 : memref<128x128xf32, #tpu.memory_space<hbm>>) dst(%arg7 : memref<128x128xf32, #tpu.memory_space<vmem>>)
      tpu.yield
    }) : () -> ()
    %mul3A_1 = arith.constant 1280 : i32
    %mul3A_2 = arith.muli %arg0, %mul3A_1 : i32
    %mul3A_3 = arith.constant 80 : i32
    %mul3A_4 = arith.muli %arg1, %mul3A_3 : i32
    %add3A = arith.addi %mul3A_2, %mul3A_4 : i32
    "tpu.region"() ({
      %run_scoped3A = tpu.sem_alloc : memref<!tpu.dma_semaphore, #tpu.memory_space<semaphore_mem>>
      %dma_start3A = arith.constant 0 : i32
      %dma_start3A_11 = tpu.memref_slice %arg2[%add3A, %dma_start3A] : memref<2560x128xi32, #tpu.memory_space<hbm>> -> memref<80x128xi32, #tpu.memory_space<hbm>>
      %dma_start3A_12 = arith.constant 0 : i32
      %dma_start3A_13 = tpu.memref_slice %arg2[%add3A, %dma_start3A_12] : memref<2560x128xi32, #tpu.memory_space<hbm>> -> memref<80x128xi32, #tpu.memory_space<hbm>>
      tpu.enqueue_dma source(%dma_start3A_13 : memref<80x128xi32, #tpu.memory_space<hbm>>) target(%arg6 : memref<80x128xi32, #tpu.memory_space<vmem>>) target_semaphore(%run_scoped3A : memref<!tpu.dma_semaphore, #tpu.memory_space<semaphore_mem>>)
      %dma_wait3A = arith.constant 0 : i32
      %dma_wait3A_14 = tpu.memref_slice %arg2[%add3A, %dma_wait3A] : memref<2560x128xi32, #tpu.memory_space<hbm>> -> memref<80x128xi32, #tpu.memory_space<hbm>>
      %dma_wait3A_15 = arith.constant 0 : i32
      %dma_wait3A_16 = tpu.memref_slice %arg2[%add3A, %dma_wait3A_15] : memref<2560x128xi32, #tpu.memory_space<hbm>> -> memref<80x128xi32, #tpu.memory_space<hbm>>
      tpu.wait_dma2 semaphore(%run_scoped3A : memref<!tpu.dma_semaphore, #tpu.memory_space<semaphore_mem>>) src(%dma_wait3A_16 : memref<80x128xi32, #tpu.memory_space<hbm>>) dst(%arg6 : memref<80x128xi32, #tpu.memory_space<vmem>>)
      tpu.yield
    }) : () -> ()
    %barrier3A = arith.constant 0 : index
    tpu.barrier barrier_id(%barrier3A)
    %scan3A = arith.constant 0 : i32
    %scan3A_5 = arith.constant 0 : i32
    %scan3A_6 = arith.constant 20 : i32
    %scan3A_7 = arith.addi %scan3A_5, %scan3A_6 : i32
    %scan3A_8 = arith.constant 1 : i32
    scf.for %scan3A_11 = %scan3A_5 to %scan3A_7 step %scan3A_8  : i32 {
      %mul3A_12 = arith.constant 4 : i32
      %mul3A_13 = arith.muli %scan3A_11, %mul3A_12 : i32
      %dma_start3A = arith.constant 0 : i32
      %dma_start3A_14 = tpu.memref_slice %arg6[%mul3A_13, %dma_start3A] : memref<80x128xi32, #tpu.memory_space<vmem>> -> memref<1x128xi32, #tpu.memory_space<vmem>>
      %dma_start3A_15 = tpu.memref_squeeze %dma_start3A_14 : memref<1x128xi32, #tpu.memory_space<vmem>> -> memref<128xi32, #tpu.memory_space<vmem>>
      %dma_start3A_16 = arith.constant 0 : i32
      %dma_start3A_17 = arith.constant 0 : i32
      %dma_start3A_18 = tpu.memref_slice %arg8[%dma_start3A_16, %dma_start3A_17] : memref<10240x128xf32, #tpu.memory_space<vmem_shared>> -> memref<10240x128xf32, #tpu.memory_space<vmem_shared>>
      tpu.enqueue_indirect_dma source(%arg7 : memref<128x128xf32, #tpu.memory_space<vmem>>) target(%dma_start3A_18 : memref<10240x128xf32, #tpu.memory_space<vmem_shared>>) offsets(%dma_start3A_15 : memref<128xi32, #tpu.memory_space<vmem>>) semaphore(%arg9 : memref<!tpu.dma_semaphore, #tpu.memory_space<semaphore_mem>>) {add = true}
      %add3A_19 = arith.constant 1 : i32
      %add3A_20 = arith.addi %mul3A_13, %add3A_19 : i32
      %dma_start3A_21 = arith.constant 0 : i32
      %dma_start3A_22 = tpu.memref_slice %arg6[%add3A_20, %dma_start3A_21] : memref<80x128xi32, #tpu.memory_space<vmem>> -> memref<1x128xi32, #tpu.memory_space<vmem>>
      %dma_start3A_23 = tpu.memref_squeeze %dma_start3A_22 : memref<1x128xi32, #tpu.memory_space<vmem>> -> memref<128xi32, #tpu.memory_space<vmem>>
      %dma_start3A_24 = arith.constant 0 : i32
      %dma_start3A_25 = arith.constant 0 : i32
      %dma_start3A_26 = tpu.memref_slice %arg8[%dma_start3A_24, %dma_start3A_25] : memref<10240x128xf32, #tpu.memory_space<vmem_shared>> -> memref<10240x128xf32, #tpu.memory_space<vmem_shared>>
      tpu.enqueue_indirect_dma source(%arg7 : memref<128x128xf32, #tpu.memory_space<vmem>>) target(%dma_start3A_26 : memref<10240x128xf32, #tpu.memory_space<vmem_shared>>) offsets(%dma_start3A_23 : memref<128xi32, #tpu.memory_space<vmem>>) semaphore(%arg9 : memref<!tpu.dma_semaphore, #tpu.memory_space<semaphore_mem>>) {add = true}
      %add3A_27 = arith.constant 2 : i32
      %add3A_28 = arith.addi %mul3A_13, %add3A_27 : i32
      %dma_start3A_29 = arith.constant 0 : i32
      %dma_start3A_30 = tpu.memref_slice %arg6[%add3A_28, %dma_start3A_29] : memref<80x128xi32, #tpu.memory_space<vmem>> -> memref<1x128xi32, #tpu.memory_space<vmem>>
      %dma_start3A_31 = tpu.memref_squeeze %dma_start3A_30 : memref<1x128xi32, #tpu.memory_space<vmem>> -> memref<128xi32, #tpu.memory_space<vmem>>
      %dma_start3A_32 = arith.constant 0 : i32
      %dma_start3A_33 = arith.constant 0 : i32
      %dma_start3A_34 = tpu.memref_slice %arg8[%dma_start3A_32, %dma_start3A_33] : memref<10240x128xf32, #tpu.memory_space<vmem_shared>> -> memref<10240x128xf32, #tpu.memory_space<vmem_shared>>
      tpu.enqueue_indirect_dma source(%arg7 : memref<128x128xf32, #tpu.memory_space<vmem>>) target(%dma_start3A_34 : memref<10240x128xf32, #tpu.memory_space<vmem_shared>>) offsets(%dma_start3A_31 : memref<128xi32, #tpu.memory_space<vmem>>) semaphore(%arg9 : memref<!tpu.dma_semaphore, #tpu.memory_space<semaphore_mem>>) {add = true}
      %add3A_35 = arith.constant 3 : i32
      %add3A_36 = arith.addi %mul3A_13, %add3A_35 : i32
      %dma_start3A_37 = arith.constant 0 : i32
      %dma_start3A_38 = tpu.memref_slice %arg6[%add3A_36, %dma_start3A_37] : memref<80x128xi32, #tpu.memory_space<vmem>> -> memref<1x128xi32, #tpu.memory_space<vmem>>
      %dma_start3A_39 = tpu.memref_squeeze %dma_start3A_38 : memref<1x128xi32, #tpu.memory_space<vmem>> -> memref<128xi32, #tpu.memory_space<vmem>>
      %dma_start3A_40 = arith.constant 0 : i32
      %dma_start3A_41 = arith.constant 0 : i32
      %dma_start3A_42 = tpu.memref_slice %arg8[%dma_start3A_40, %dma_start3A_41] : memref<10240x128xf32, #tpu.memory_space<vmem_shared>> -> memref<10240x128xf32, #tpu.memory_space<vmem_shared>>
      tpu.enqueue_indirect_dma source(%arg7 : memref<128x128xf32, #tpu.memory_space<vmem>>) target(%dma_start3A_42 : memref<10240x128xf32, #tpu.memory_space<vmem_shared>>) offsets(%dma_start3A_39 : memref<128xi32, #tpu.memory_space<vmem>>) semaphore(%arg9 : memref<!tpu.dma_semaphore, #tpu.memory_space<semaphore_mem>>) {add = true}
      %dma_wait3A = arith.constant 0 : i32
      %dma_wait3A_43 = tpu.memref_slice %arg6[%mul3A_13, %dma_wait3A] : memref<80x128xi32, #tpu.memory_space<vmem>> -> memref<1x128xi32, #tpu.memory_space<vmem>>
      %dma_wait3A_44 = tpu.memref_squeeze %dma_wait3A_43 : memref<1x128xi32, #tpu.memory_space<vmem>> -> memref<128xi32, #tpu.memory_space<vmem>>
      %dma_wait3A_45 = arith.constant 0 : i32
      %dma_wait3A_46 = arith.constant 0 : i32
      %dma_wait3A_47 = tpu.memref_slice %arg8[%dma_wait3A_45, %dma_wait3A_46] : memref<10240x128xf32, #tpu.memory_space<vmem_shared>> -> memref<10240x128xf32, #tpu.memory_space<vmem_shared>>
      tpu.wait_indirect_dma semaphore(%arg9 : memref<!tpu.dma_semaphore, #tpu.memory_space<semaphore_mem>>) src(%arg7 : memref<128x128xf32, #tpu.memory_space<vmem>>) dst(%dma_wait3A_47 : memref<10240x128xf32, #tpu.memory_space<vmem_shared>>)
      %dma_wait3A_48 = arith.constant 0 : i32
      %dma_wait3A_49 = tpu.memref_slice %arg6[%add3A_20, %dma_wait3A_48] : memref<80x128xi32, #tpu.memory_space<vmem>> -> memref<1x128xi32, #tpu.memory_space<vmem>>
      %dma_wait3A_50 = tpu.memref_squeeze %dma_wait3A_49 : memref<1x128xi32, #tpu.memory_space<vmem>> -> memref<128xi32, #tpu.memory_space<vmem>>
      %dma_wait3A_51 = arith.constant 0 : i32
      %dma_wait3A_52 = arith.constant 0 : i32
      %dma_wait3A_53 = tpu.memref_slice %arg8[%dma_wait3A_51, %dma_wait3A_52] : memref<10240x128xf32, #tpu.memory_space<vmem_shared>> -> memref<10240x128xf32, #tpu.memory_space<vmem_shared>>
      tpu.wait_indirect_dma semaphore(%arg9 : memref<!tpu.dma_semaphore, #tpu.memory_space<semaphore_mem>>) src(%arg7 : memref<128x128xf32, #tpu.memory_space<vmem>>) dst(%dma_wait3A_53 : memref<10240x128xf32, #tpu.memory_space<vmem_shared>>)
      %dma_wait3A_54 = arith.constant 0 : i32
      %dma_wait3A_55 = tpu.memref_slice %arg6[%add3A_28, %dma_wait3A_54] : memref<80x128xi32, #tpu.memory_space<vmem>> -> memref<1x128xi32, #tpu.memory_space<vmem>>
      %dma_wait3A_56 = tpu.memref_squeeze %dma_wait3A_55 : memref<1x128xi32, #tpu.memory_space<vmem>> -> memref<128xi32, #tpu.memory_space<vmem>>
      %dma_wait3A_57 = arith.constant 0 : i32
      %dma_wait3A_58 = arith.constant 0 : i32
      %dma_wait3A_59 = tpu.memref_slice %arg8[%dma_wait3A_57, %dma_wait3A_58] : memref<10240x128xf32, #tpu.memory_space<vmem_shared>> -> memref<10240x128xf32, #tpu.memory_space<vmem_shared>>
      tpu.wait_indirect_dma semaphore(%arg9 : memref<!tpu.dma_semaphore, #tpu.memory_space<semaphore_mem>>) src(%arg7 : memref<128x128xf32, #tpu.memory_space<vmem>>) dst(%dma_wait3A_59 : memref<10240x128xf32, #tpu.memory_space<vmem_shared>>)
      %dma_wait3A_60 = arith.constant 0 : i32
      %dma_wait3A_61 = tpu.memref_slice %arg6[%add3A_36, %dma_wait3A_60] : memref<80x128xi32, #tpu.memory_space<vmem>> -> memref<1x128xi32, #tpu.memory_space<vmem>>
      %dma_wait3A_62 = tpu.memref_squeeze %dma_wait3A_61 : memref<1x128xi32, #tpu.memory_space<vmem>> -> memref<128xi32, #tpu.memory_space<vmem>>
      %dma_wait3A_63 = arith.constant 0 : i32
      %dma_wait3A_64 = arith.constant 0 : i32
      %dma_wait3A_65 = tpu.memref_slice %arg8[%dma_wait3A_63, %dma_wait3A_64] : memref<10240x128xf32, #tpu.memory_space<vmem_shared>> -> memref<10240x128xf32, #tpu.memory_space<vmem_shared>>
      tpu.wait_indirect_dma semaphore(%arg9 : memref<!tpu.dma_semaphore, #tpu.memory_space<semaphore_mem>>) src(%arg7 : memref<128x128xf32, #tpu.memory_space<vmem>>) dst(%dma_wait3A_65 : memref<10240x128xf32, #tpu.memory_space<vmem_shared>>)
    }
    %scan3A_9 = arith.constant 20 : i32
    %barrier3A_10 = arith.constant 0 : index
    tpu.barrier barrier_id(%barrier3A_10)
    "tpu.region"() ({
      %run_scoped3A = tpu.sem_alloc : memref<!tpu.dma_semaphore, #tpu.memory_space<semaphore_mem>>
      %dma_start3A = arith.constant 0 : i32
      %dma_start3A_11 = tpu.memref_slice %arg5[%arg0, %mul3A_0, %dma_start3A] : memref<2x10240x128xf32, #tpu.memory_space<hbm>> -> memref<1x640x128xf32, #tpu.memory_space<hbm>>
      %dma_start3A_12 = tpu.memref_squeeze %dma_start3A_11 : memref<1x640x128xf32, #tpu.memory_space<hbm>> -> memref<640x128xf32, #tpu.memory_space<hbm>>
      %dma_start3A_13 = arith.constant 0 : i32
      %dma_start3A_14 = tpu.memref_slice %arg8[%mul3A_0, %dma_start3A_13] : memref<10240x128xf32, #tpu.memory_space<vmem_shared>> -> memref<640x128xf32, #tpu.memory_space<vmem_shared>>
      tpu.enqueue_dma source(%dma_start3A_14 : memref<640x128xf32, #tpu.memory_space<vmem_shared>>) target(%dma_start3A_12 : memref<640x128xf32, #tpu.memory_space<hbm>>) target_semaphore(%run_scoped3A : memref<!tpu.dma_semaphore, #tpu.memory_space<semaphore_mem>>)
      %dma_wait3A = arith.constant 0 : i32
      %dma_wait3A_15 = tpu.memref_slice %arg5[%arg0, %mul3A_0, %dma_wait3A] : memref<2x10240x128xf32, #tpu.memory_space<hbm>> -> memref<1x640x128xf32, #tpu.memory_space<hbm>>
      %dma_wait3A_16 = tpu.memref_squeeze %dma_wait3A_15 : memref<1x640x128xf32, #tpu.memory_space<hbm>> -> memref<640x128xf32, #tpu.memory_space<hbm>>
      %dma_wait3A_17 = arith.constant 0 : i32
      %dma_wait3A_18 = tpu.memref_slice %arg8[%mul3A_0, %dma_wait3A_17] : memref<10240x128xf32, #tpu.memory_space<vmem_shared>> -> memref<640x128xf32, #tpu.memory_space<vmem_shared>>
      tpu.wait_dma2 semaphore(%run_scoped3A : memref<!tpu.dma_semaphore, #tpu.memory_space<semaphore_mem>>) src(%dma_wait3A_18 : memref<640x128xf32, #tpu.memory_space<vmem_shared>>) dst(%dma_wait3A_16 : memref<640x128xf32, #tpu.memory_space<hbm>>)
      tpu.yield
    }) : () -> ()
    return
  }
}

#map = affine_map<(d0, d1) -> (0, 0)>
#map1 = affine_map<(d0, d1) -> (0, 0, 0)>
module attributes {stable_mosaic.version = 14 : i64} {
  func.func @_scatter_body(%arg0: i32, %arg1: i32, %arg2: memref<10240x128xf32, #tpu.memory_space<hbm>>, %arg3: memref<2560x128xi32, #tpu.memory_space<hbm>>, %arg4: memref<2560x128xi32, #tpu.memory_space<hbm>>, %arg5: memref<10240x128xf32, #tpu.memory_space<hbm>>, %arg6: memref<2x10240x128xf32, #tpu.memory_space<hbm>>, %arg7: memref<40x128xi32, #tpu.memory_space<vmem>>, %arg8: memref<40x128xi32, #tpu.memory_space<vmem>>, %arg9: memref<128x128xf32, #tpu.memory_space<vmem>>, %arg10: memref<128x128xf32, #tpu.memory_space<vmem>>, %arg11: memref<10240x128xf32, #tpu.memory_space<vmem_shared>>, %arg12: memref<!tpu.dma_semaphore, #tpu.memory_space<semaphore_mem>>, %arg13: memref<!tpu.dma_semaphore, #tpu.memory_space<semaphore_mem>>) attributes {dimension_semantics = [#tpu.dimension_semantics<core_parallel>, #tpu.dimension_semantics<subcore_parallel>], iteration_bounds = array<i64: 2, 16>, scalar_prefetch = 0 : i64, scratch_operands = 7 : i64, tpu.core_type = #tpu.core_type<sc_vector_subcore>, window_params = [{transform_indices = #map}, {transform_indices = #map}, {transform_indices = #map}, {transform_indices = #map}, {transform_indices = #map1}]} {
    %mul3A = arith.constant 640 : i32
    %mul3A_0 = arith.muli %arg1, %mul3A : i32
    "tpu.region"() ({
      %run_scoped3A = tpu.sem_alloc : memref<!tpu.dma_semaphore, #tpu.memory_space<semaphore_mem>>
      %dma_start3A = arith.constant 0 : i32
      %dma_start3A_24 = tpu.memref_slice %arg11[%mul3A_0, %dma_start3A] : memref<10240x128xf32, #tpu.memory_space<vmem_shared>> -> memref<640x128xf32, #tpu.memory_space<vmem_shared>>
      %dma_start3A_25 = arith.constant 0 : i32
      %dma_start3A_26 = tpu.memref_slice %arg5[%mul3A_0, %dma_start3A_25] : memref<10240x128xf32, #tpu.memory_space<hbm>> -> memref<640x128xf32, #tpu.memory_space<hbm>>
      tpu.enqueue_dma source(%dma_start3A_26 : memref<640x128xf32, #tpu.memory_space<hbm>>) target(%dma_start3A_24 : memref<640x128xf32, #tpu.memory_space<vmem_shared>>) target_semaphore(%run_scoped3A : memref<!tpu.dma_semaphore, #tpu.memory_space<semaphore_mem>>)
      %dma_wait3A = arith.constant 0 : i32
      %dma_wait3A_27 = tpu.memref_slice %arg11[%mul3A_0, %dma_wait3A] : memref<10240x128xf32, #tpu.memory_space<vmem_shared>> -> memref<640x128xf32, #tpu.memory_space<vmem_shared>>
      %dma_wait3A_28 = arith.constant 0 : i32
      %dma_wait3A_29 = tpu.memref_slice %arg5[%mul3A_0, %dma_wait3A_28] : memref<10240x128xf32, #tpu.memory_space<hbm>> -> memref<640x128xf32, #tpu.memory_space<hbm>>
      tpu.wait_dma2 semaphore(%run_scoped3A : memref<!tpu.dma_semaphore, #tpu.memory_space<semaphore_mem>>) src(%dma_wait3A_29 : memref<640x128xf32, #tpu.memory_space<hbm>>) dst(%dma_wait3A_27 : memref<640x128xf32, #tpu.memory_space<vmem_shared>>)
      tpu.yield
    }) : () -> ()
    %barrier3A = arith.constant 0 : index
    tpu.barrier barrier_id(%barrier3A)
    %eq3A = arith.constant 0 : i32
    %eq3A_1 = arith.cmpi eq, %arg0, %eq3A : i32
    %jit3A = arith.constant 120 : i32
    %jit3A_2 = arith.constant 40 : i32
    %select_n3A = arith.select %eq3A_1, %jit3A, %jit3A_2 : i32
    %eq3A_3 = arith.constant 0 : i32
    %eq3A_4 = arith.cmpi eq, %arg0, %eq3A_3 : i32
    %mul3A_5 = arith.constant 120 : i32
    %mul3A_6 = arith.muli %arg1, %mul3A_5 : i32
    %mul3A_7 = arith.constant 40 : i32
    %mul3A_8 = arith.muli %arg1, %mul3A_7 : i32
    %add3A = arith.constant 1920 : i32
    %add3A_9 = arith.addi %add3A, %mul3A_8 : i32
    %select_n3A_10 = arith.select %eq3A_4, %mul3A_6, %add3A_9 : i32
    %gt3A = arith.constant 0 : i32
    %gt3A_11 = arith.cmpi sgt, %select_n3A, %gt3A : i32
    %convert_element_type3A = arith.extui %gt3A_11 : i1 to i32
    %cond3A = arith.constant 0 : i32
    %cond3A_12 = arith.cmpi ne, %convert_element_type3A, %cond3A : i32
    scf.if %cond3A_12 {
      %add3A_24 = arith.constant 0 : i32
      %add3A_25 = arith.addi %select_n3A_10, %add3A_24 : i32
      "tpu.region"() ({
        %run_scoped3A = tpu.sem_alloc : memref<!tpu.dma_semaphore, #tpu.memory_space<semaphore_mem>>
        %dma_start3A_37 = arith.constant 0 : i32
        %dma_start3A_38 = tpu.memref_slice %arg3[%add3A_25, %dma_start3A_37] : memref<2560x128xi32, #tpu.memory_space<hbm>> -> memref<40x128xi32, #tpu.memory_space<hbm>>
        %dma_start3A_39 = arith.constant 0 : i32
        %dma_start3A_40 = tpu.memref_slice %arg3[%add3A_25, %dma_start3A_39] : memref<2560x128xi32, #tpu.memory_space<hbm>> -> memref<40x128xi32, #tpu.memory_space<hbm>>
        tpu.enqueue_dma source(%dma_start3A_40 : memref<40x128xi32, #tpu.memory_space<hbm>>) target(%arg7 : memref<40x128xi32, #tpu.memory_space<vmem>>) target_semaphore(%run_scoped3A : memref<!tpu.dma_semaphore, #tpu.memory_space<semaphore_mem>>)
        %dma_wait3A = arith.constant 0 : i32
        %dma_wait3A_41 = tpu.memref_slice %arg3[%add3A_25, %dma_wait3A] : memref<2560x128xi32, #tpu.memory_space<hbm>> -> memref<40x128xi32, #tpu.memory_space<hbm>>
        %dma_wait3A_42 = arith.constant 0 : i32
        %dma_wait3A_43 = tpu.memref_slice %arg3[%add3A_25, %dma_wait3A_42] : memref<2560x128xi32, #tpu.memory_space<hbm>> -> memref<40x128xi32, #tpu.memory_space<hbm>>
        tpu.wait_dma2 semaphore(%run_scoped3A : memref<!tpu.dma_semaphore, #tpu.memory_space<semaphore_mem>>) src(%dma_wait3A_43 : memref<40x128xi32, #tpu.memory_space<hbm>>) dst(%arg7 : memref<40x128xi32, #tpu.memory_space<vmem>>)
        tpu.yield
      }) : () -> ()
      "tpu.region"() ({
        %run_scoped3A = tpu.sem_alloc : memref<!tpu.dma_semaphore, #tpu.memory_space<semaphore_mem>>
        %dma_start3A_37 = arith.constant 0 : i32
        %dma_start3A_38 = tpu.memref_slice %arg4[%add3A_25, %dma_start3A_37] : memref<2560x128xi32, #tpu.memory_space<hbm>> -> memref<40x128xi32, #tpu.memory_space<hbm>>
        %dma_start3A_39 = arith.constant 0 : i32
        %dma_start3A_40 = tpu.memref_slice %arg4[%add3A_25, %dma_start3A_39] : memref<2560x128xi32, #tpu.memory_space<hbm>> -> memref<40x128xi32, #tpu.memory_space<hbm>>
        tpu.enqueue_dma source(%dma_start3A_40 : memref<40x128xi32, #tpu.memory_space<hbm>>) target(%arg8 : memref<40x128xi32, #tpu.memory_space<vmem>>) target_semaphore(%run_scoped3A : memref<!tpu.dma_semaphore, #tpu.memory_space<semaphore_mem>>)
        %dma_wait3A = arith.constant 0 : i32
        %dma_wait3A_41 = tpu.memref_slice %arg4[%add3A_25, %dma_wait3A] : memref<2560x128xi32, #tpu.memory_space<hbm>> -> memref<40x128xi32, #tpu.memory_space<hbm>>
        %dma_wait3A_42 = arith.constant 0 : i32
        %dma_wait3A_43 = tpu.memref_slice %arg4[%add3A_25, %dma_wait3A_42] : memref<2560x128xi32, #tpu.memory_space<hbm>> -> memref<40x128xi32, #tpu.memory_space<hbm>>
        tpu.wait_dma2 semaphore(%run_scoped3A : memref<!tpu.dma_semaphore, #tpu.memory_space<semaphore_mem>>) src(%dma_wait3A_43 : memref<40x128xi32, #tpu.memory_space<hbm>>) dst(%arg8 : memref<40x128xi32, #tpu.memory_space<vmem>>)
        tpu.yield
      }) : () -> ()
      %dma_start3A = arith.constant 0 : i32
      %dma_start3A_26 = arith.constant 0 : i32
      %dma_start3A_27 = tpu.memref_slice %arg7[%dma_start3A, %dma_start3A_26] : memref<40x128xi32, #tpu.memory_space<vmem>> -> memref<1x128xi32, #tpu.memory_space<vmem>>
      %dma_start3A_28 = tpu.memref_squeeze %dma_start3A_27 : memref<1x128xi32, #tpu.memory_space<vmem>> -> memref<128xi32, #tpu.memory_space<vmem>>
      %dma_start3A_29 = arith.constant 0 : i32
      %dma_start3A_30 = arith.constant 0 : i32
      %dma_start3A_31 = tpu.memref_slice %arg2[%dma_start3A_29, %dma_start3A_30] : memref<10240x128xf32, #tpu.memory_space<hbm>> -> memref<10240x128xf32, #tpu.memory_space<hbm>>
      tpu.enqueue_indirect_dma source(%dma_start3A_31 : memref<10240x128xf32, #tpu.memory_space<hbm>>) target(%arg9 : memref<128x128xf32, #tpu.memory_space<vmem>>) offsets(%dma_start3A_28 : memref<128xi32, #tpu.memory_space<vmem>>) semaphore(%arg12 : memref<!tpu.dma_semaphore, #tpu.memory_space<semaphore_mem>>)
      %scan3A = arith.constant 0 : i32
      %scan3A_32 = arith.constant 0 : i32
      %scan3A_33 = arith.constant 20 : i32
      %scan3A_34 = arith.addi %scan3A_32, %scan3A_33 : i32
      %scan3A_35 = arith.constant 1 : i32
      scf.for %scan3A_37 = %scan3A_32 to %scan3A_34 step %scan3A_35  : i32 {
        %mul3A_38 = arith.constant 2 : i32
        %mul3A_39 = arith.muli %scan3A_37, %mul3A_38 : i32
        %add3A_40 = arith.constant 1 : i32
        %add3A_41 = arith.addi %mul3A_39, %add3A_40 : i32
        %dma_start3A_42 = arith.constant 0 : i32
        %dma_start3A_43 = tpu.memref_slice %arg7[%add3A_41, %dma_start3A_42] : memref<40x128xi32, #tpu.memory_space<vmem>> -> memref<1x128xi32, #tpu.memory_space<vmem>>
        %dma_start3A_44 = tpu.memref_squeeze %dma_start3A_43 : memref<1x128xi32, #tpu.memory_space<vmem>> -> memref<128xi32, #tpu.memory_space<vmem>>
        %dma_start3A_45 = arith.constant 0 : i32
        %dma_start3A_46 = arith.constant 0 : i32
        %dma_start3A_47 = tpu.memref_slice %arg2[%dma_start3A_45, %dma_start3A_46] : memref<10240x128xf32, #tpu.memory_space<hbm>> -> memref<10240x128xf32, #tpu.memory_space<hbm>>
        tpu.enqueue_indirect_dma source(%dma_start3A_47 : memref<10240x128xf32, #tpu.memory_space<hbm>>) target(%arg10 : memref<128x128xf32, #tpu.memory_space<vmem>>) offsets(%dma_start3A_44 : memref<128xi32, #tpu.memory_space<vmem>>) semaphore(%arg13 : memref<!tpu.dma_semaphore, #tpu.memory_space<semaphore_mem>>)
        %dma_wait3A = arith.constant 0 : i32
        %dma_wait3A_48 = tpu.memref_slice %arg7[%mul3A_39, %dma_wait3A] : memref<40x128xi32, #tpu.memory_space<vmem>> -> memref<1x128xi32, #tpu.memory_space<vmem>>
        %dma_wait3A_49 = tpu.memref_squeeze %dma_wait3A_48 : memref<1x128xi32, #tpu.memory_space<vmem>> -> memref<128xi32, #tpu.memory_space<vmem>>
        %dma_wait3A_50 = arith.constant 0 : i32
        %dma_wait3A_51 = arith.constant 0 : i32
        %dma_wait3A_52 = tpu.memref_slice %arg2[%dma_wait3A_50, %dma_wait3A_51] : memref<10240x128xf32, #tpu.memory_space<hbm>> -> memref<10240x128xf32, #tpu.memory_space<hbm>>
        tpu.wait_indirect_dma semaphore(%arg12 : memref<!tpu.dma_semaphore, #tpu.memory_space<semaphore_mem>>) src(%dma_wait3A_52 : memref<10240x128xf32, #tpu.memory_space<hbm>>) dst(%arg9 : memref<128x128xf32, #tpu.memory_space<vmem>>)
        "tpu.region"() ({
          %run_scoped3A = tpu.sem_alloc : memref<!tpu.dma_semaphore, #tpu.memory_space<semaphore_mem>>
          %dma_start3A_69 = arith.constant 0 : i32
          %dma_start3A_70 = tpu.memref_slice %arg8[%mul3A_39, %dma_start3A_69] : memref<40x128xi32, #tpu.memory_space<vmem>> -> memref<1x128xi32, #tpu.memory_space<vmem>>
          %dma_start3A_71 = tpu.memref_squeeze %dma_start3A_70 : memref<1x128xi32, #tpu.memory_space<vmem>> -> memref<128xi32, #tpu.memory_space<vmem>>
          %dma_start3A_72 = arith.constant 0 : i32
          %dma_start3A_73 = arith.constant 0 : i32
          %dma_start3A_74 = tpu.memref_slice %arg11[%dma_start3A_72, %dma_start3A_73] : memref<10240x128xf32, #tpu.memory_space<vmem_shared>> -> memref<10240x128xf32, #tpu.memory_space<vmem_shared>>
          tpu.enqueue_indirect_dma source(%arg9 : memref<128x128xf32, #tpu.memory_space<vmem>>) target(%dma_start3A_74 : memref<10240x128xf32, #tpu.memory_space<vmem_shared>>) offsets(%dma_start3A_71 : memref<128xi32, #tpu.memory_space<vmem>>) semaphore(%run_scoped3A : memref<!tpu.dma_semaphore, #tpu.memory_space<semaphore_mem>>) {add = true}
          %dma_wait3A_75 = arith.constant 0 : i32
          %dma_wait3A_76 = tpu.memref_slice %arg8[%mul3A_39, %dma_wait3A_75] : memref<40x128xi32, #tpu.memory_space<vmem>> -> memref<1x128xi32, #tpu.memory_space<vmem>>
          %dma_wait3A_77 = tpu.memref_squeeze %dma_wait3A_76 : memref<1x128xi32, #tpu.memory_space<vmem>> -> memref<128xi32, #tpu.memory_space<vmem>>
          %dma_wait3A_78 = arith.constant 0 : i32
          %dma_wait3A_79 = arith.constant 0 : i32
          %dma_wait3A_80 = tpu.memref_slice %arg11[%dma_wait3A_78, %dma_wait3A_79] : memref<10240x128xf32, #tpu.memory_space<vmem_shared>> -> memref<10240x128xf32, #tpu.memory_space<vmem_shared>>
          tpu.wait_indirect_dma semaphore(%run_scoped3A : memref<!tpu.dma_semaphore, #tpu.memory_space<semaphore_mem>>) src(%arg9 : memref<128x128xf32, #tpu.memory_space<vmem>>) dst(%dma_wait3A_80 : memref<10240x128xf32, #tpu.memory_space<vmem_shared>>)
          tpu.yield
        }) : () -> ()
        %add3A_53 = arith.constant 2 : i32
        %add3A_54 = arith.addi %mul3A_39, %add3A_53 : i32
        %lt3A = arith.constant 40 : i32
        %lt3A_55 = arith.cmpi slt, %add3A_54, %lt3A : i32
        %convert_element_type3A_56 = arith.extui %lt3A_55 : i1 to i32
        %cond3A_57 = arith.constant 0 : i32
        %cond3A_58 = arith.cmpi ne, %convert_element_type3A_56, %cond3A_57 : i32
        scf.if %cond3A_58 {
          %add3A_69 = arith.constant 2 : i32
          %add3A_70 = arith.addi %mul3A_39, %add3A_69 : i32
          %dma_start3A_71 = arith.constant 0 : i32
          %dma_start3A_72 = tpu.memref_slice %arg7[%add3A_70, %dma_start3A_71] : memref<40x128xi32, #tpu.memory_space<vmem>> -> memref<1x128xi32, #tpu.memory_space<vmem>>
          %dma_start3A_73 = tpu.memref_squeeze %dma_start3A_72 : memref<1x128xi32, #tpu.memory_space<vmem>> -> memref<128xi32, #tpu.memory_space<vmem>>
          %dma_start3A_74 = arith.constant 0 : i32
          %dma_start3A_75 = arith.constant 0 : i32
          %dma_start3A_76 = tpu.memref_slice %arg2[%dma_start3A_74, %dma_start3A_75] : memref<10240x128xf32, #tpu.memory_space<hbm>> -> memref<10240x128xf32, #tpu.memory_space<hbm>>
          tpu.enqueue_indirect_dma source(%dma_start3A_76 : memref<10240x128xf32, #tpu.memory_space<hbm>>) target(%arg9 : memref<128x128xf32, #tpu.memory_space<vmem>>) offsets(%dma_start3A_73 : memref<128xi32, #tpu.memory_space<vmem>>) semaphore(%arg12 : memref<!tpu.dma_semaphore, #tpu.memory_space<semaphore_mem>>)
        } else {
        }
        %add3A_59 = arith.constant 1 : i32
        %add3A_60 = arith.addi %mul3A_39, %add3A_59 : i32
        %dma_wait3A_61 = arith.constant 0 : i32
        %dma_wait3A_62 = tpu.memref_slice %arg7[%add3A_60, %dma_wait3A_61] : memref<40x128xi32, #tpu.memory_space<vmem>> -> memref<1x128xi32, #tpu.memory_space<vmem>>
        %dma_wait3A_63 = tpu.memref_squeeze %dma_wait3A_62 : memref<1x128xi32, #tpu.memory_space<vmem>> -> memref<128xi32, #tpu.memory_space<vmem>>
        %dma_wait3A_64 = arith.constant 0 : i32
        %dma_wait3A_65 = arith.constant 0 : i32
        %dma_wait3A_66 = tpu.memref_slice %arg2[%dma_wait3A_64, %dma_wait3A_65] : memref<10240x128xf32, #tpu.memory_space<hbm>> -> memref<10240x128xf32, #tpu.memory_space<hbm>>
        tpu.wait_indirect_dma semaphore(%arg13 : memref<!tpu.dma_semaphore, #tpu.memory_space<semaphore_mem>>) src(%dma_wait3A_66 : memref<10240x128xf32, #tpu.memory_space<hbm>>) dst(%arg10 : memref<128x128xf32, #tpu.memory_space<vmem>>)
        %add3A_67 = arith.constant 1 : i32
        %add3A_68 = arith.addi %mul3A_39, %add3A_67 : i32
        "tpu.region"() ({
          %run_scoped3A = tpu.sem_alloc : memref<!tpu.dma_semaphore, #tpu.memory_space<semaphore_mem>>
          %dma_start3A_69 = arith.constant 0 : i32
          %dma_start3A_70 = tpu.memref_slice %arg8[%add3A_68, %dma_start3A_69] : memref<40x128xi32, #tpu.memory_space<vmem>> -> memref<1x128xi32, #tpu.memory_space<vmem>>
          %dma_start3A_71 = tpu.memref_squeeze %dma_start3A_70 : memref<1x128xi32, #tpu.memory_space<vmem>> -> memref<128xi32, #tpu.memory_space<vmem>>
          %dma_start3A_72 = arith.constant 0 : i32
          %dma_start3A_73 = arith.constant 0 : i32
          %dma_start3A_74 = tpu.memref_slice %arg11[%dma_start3A_72, %dma_start3A_73] : memref<10240x128xf32, #tpu.memory_space<vmem_shared>> -> memref<10240x128xf32, #tpu.memory_space<vmem_shared>>
          tpu.enqueue_indirect_dma source(%arg10 : memref<128x128xf32, #tpu.memory_space<vmem>>) target(%dma_start3A_74 : memref<10240x128xf32, #tpu.memory_space<vmem_shared>>) offsets(%dma_start3A_71 : memref<128xi32, #tpu.memory_space<vmem>>) semaphore(%run_scoped3A : memref<!tpu.dma_semaphore, #tpu.memory_space<semaphore_mem>>) {add = true}
          %dma_wait3A_75 = arith.constant 0 : i32
          %dma_wait3A_76 = tpu.memref_slice %arg8[%add3A_68, %dma_wait3A_75] : memref<40x128xi32, #tpu.memory_space<vmem>> -> memref<1x128xi32, #tpu.memory_space<vmem>>
          %dma_wait3A_77 = tpu.memref_squeeze %dma_wait3A_76 : memref<1x128xi32, #tpu.memory_space<vmem>> -> memref<128xi32, #tpu.memory_space<vmem>>
          %dma_wait3A_78 = arith.constant 0 : i32
          %dma_wait3A_79 = arith.constant 0 : i32
          %dma_wait3A_80 = tpu.memref_slice %arg11[%dma_wait3A_78, %dma_wait3A_79] : memref<10240x128xf32, #tpu.memory_space<vmem_shared>> -> memref<10240x128xf32, #tpu.memory_space<vmem_shared>>
          tpu.wait_indirect_dma semaphore(%run_scoped3A : memref<!tpu.dma_semaphore, #tpu.memory_space<semaphore_mem>>) src(%arg10 : memref<128x128xf32, #tpu.memory_space<vmem>>) dst(%dma_wait3A_80 : memref<10240x128xf32, #tpu.memory_space<vmem_shared>>)
          tpu.yield
        }) : () -> ()
      }
      %scan3A_36 = arith.constant 20 : i32
    } else {
    }
    %gt3A_13 = arith.constant 40 : i32
    %gt3A_14 = arith.cmpi sgt, %select_n3A, %gt3A_13 : i32
    %convert_element_type3A_15 = arith.extui %gt3A_14 : i1 to i32
    %cond3A_16 = arith.constant 0 : i32
    %cond3A_17 = arith.cmpi ne, %convert_element_type3A_15, %cond3A_16 : i32
    scf.if %cond3A_17 {
      %add3A_24 = arith.constant 40 : i32
      %add3A_25 = arith.addi %select_n3A_10, %add3A_24 : i32
      "tpu.region"() ({
        %run_scoped3A = tpu.sem_alloc : memref<!tpu.dma_semaphore, #tpu.memory_space<semaphore_mem>>
        %dma_start3A_37 = arith.constant 0 : i32
        %dma_start3A_38 = tpu.memref_slice %arg3[%add3A_25, %dma_start3A_37] : memref<2560x128xi32, #tpu.memory_space<hbm>> -> memref<40x128xi32, #tpu.memory_space<hbm>>
        %dma_start3A_39 = arith.constant 0 : i32
        %dma_start3A_40 = tpu.memref_slice %arg3[%add3A_25, %dma_start3A_39] : memref<2560x128xi32, #tpu.memory_space<hbm>> -> memref<40x128xi32, #tpu.memory_space<hbm>>
        tpu.enqueue_dma source(%dma_start3A_40 : memref<40x128xi32, #tpu.memory_space<hbm>>) target(%arg7 : memref<40x128xi32, #tpu.memory_space<vmem>>) target_semaphore(%run_scoped3A : memref<!tpu.dma_semaphore, #tpu.memory_space<semaphore_mem>>)
        %dma_wait3A = arith.constant 0 : i32
        %dma_wait3A_41 = tpu.memref_slice %arg3[%add3A_25, %dma_wait3A] : memref<2560x128xi32, #tpu.memory_space<hbm>> -> memref<40x128xi32, #tpu.memory_space<hbm>>
        %dma_wait3A_42 = arith.constant 0 : i32
        %dma_wait3A_43 = tpu.memref_slice %arg3[%add3A_25, %dma_wait3A_42] : memref<2560x128xi32, #tpu.memory_space<hbm>> -> memref<40x128xi32, #tpu.memory_space<hbm>>
        tpu.wait_dma2 semaphore(%run_scoped3A : memref<!tpu.dma_semaphore, #tpu.memory_space<semaphore_mem>>) src(%dma_wait3A_43 : memref<40x128xi32, #tpu.memory_space<hbm>>) dst(%arg7 : memref<40x128xi32, #tpu.memory_space<vmem>>)
        tpu.yield
      }) : () -> ()
      "tpu.region"() ({
        %run_scoped3A = tpu.sem_alloc : memref<!tpu.dma_semaphore, #tpu.memory_space<semaphore_mem>>
        %dma_start3A_37 = arith.constant 0 : i32
        %dma_start3A_38 = tpu.memref_slice %arg4[%add3A_25, %dma_start3A_37] : memref<2560x128xi32, #tpu.memory_space<hbm>> -> memref<40x128xi32, #tpu.memory_space<hbm>>
        %dma_start3A_39 = arith.constant 0 : i32
        %dma_start3A_40 = tpu.memref_slice %arg4[%add3A_25, %dma_start3A_39] : memref<2560x128xi32, #tpu.memory_space<hbm>> -> memref<40x128xi32, #tpu.memory_space<hbm>>
        tpu.enqueue_dma source(%dma_start3A_40 : memref<40x128xi32, #tpu.memory_space<hbm>>) target(%arg8 : memref<40x128xi32, #tpu.memory_space<vmem>>) target_semaphore(%run_scoped3A : memref<!tpu.dma_semaphore, #tpu.memory_space<semaphore_mem>>)
        %dma_wait3A = arith.constant 0 : i32
        %dma_wait3A_41 = tpu.memref_slice %arg4[%add3A_25, %dma_wait3A] : memref<2560x128xi32, #tpu.memory_space<hbm>> -> memref<40x128xi32, #tpu.memory_space<hbm>>
        %dma_wait3A_42 = arith.constant 0 : i32
        %dma_wait3A_43 = tpu.memref_slice %arg4[%add3A_25, %dma_wait3A_42] : memref<2560x128xi32, #tpu.memory_space<hbm>> -> memref<40x128xi32, #tpu.memory_space<hbm>>
        tpu.wait_dma2 semaphore(%run_scoped3A : memref<!tpu.dma_semaphore, #tpu.memory_space<semaphore_mem>>) src(%dma_wait3A_43 : memref<40x128xi32, #tpu.memory_space<hbm>>) dst(%arg8 : memref<40x128xi32, #tpu.memory_space<vmem>>)
        tpu.yield
      }) : () -> ()
      %dma_start3A = arith.constant 0 : i32
      %dma_start3A_26 = arith.constant 0 : i32
      %dma_start3A_27 = tpu.memref_slice %arg7[%dma_start3A, %dma_start3A_26] : memref<40x128xi32, #tpu.memory_space<vmem>> -> memref<1x128xi32, #tpu.memory_space<vmem>>
      %dma_start3A_28 = tpu.memref_squeeze %dma_start3A_27 : memref<1x128xi32, #tpu.memory_space<vmem>> -> memref<128xi32, #tpu.memory_space<vmem>>
      %dma_start3A_29 = arith.constant 0 : i32
      %dma_start3A_30 = arith.constant 0 : i32
      %dma_start3A_31 = tpu.memref_slice %arg2[%dma_start3A_29, %dma_start3A_30] : memref<10240x128xf32, #tpu.memory_space<hbm>> -> memref<10240x128xf32, #tpu.memory_space<hbm>>
      tpu.enqueue_indirect_dma source(%dma_start3A_31 : memref<10240x128xf32, #tpu.memory_space<hbm>>) target(%arg9 : memref<128x128xf32, #tpu.memory_space<vmem>>) offsets(%dma_start3A_28 : memref<128xi32, #tpu.memory_space<vmem>>) semaphore(%arg12 : memref<!tpu.dma_semaphore, #tpu.memory_space<semaphore_mem>>)
      %scan3A = arith.constant 0 : i32
      %scan3A_32 = arith.constant 0 : i32
      %scan3A_33 = arith.constant 20 : i32
      %scan3A_34 = arith.addi %scan3A_32, %scan3A_33 : i32
      %scan3A_35 = arith.constant 1 : i32
      scf.for %scan3A_37 = %scan3A_32 to %scan3A_34 step %scan3A_35  : i32 {
        %mul3A_38 = arith.constant 2 : i32
        %mul3A_39 = arith.muli %scan3A_37, %mul3A_38 : i32
        %add3A_40 = arith.constant 1 : i32
        %add3A_41 = arith.addi %mul3A_39, %add3A_40 : i32
        %dma_start3A_42 = arith.constant 0 : i32
        %dma_start3A_43 = tpu.memref_slice %arg7[%add3A_41, %dma_start3A_42] : memref<40x128xi32, #tpu.memory_space<vmem>> -> memref<1x128xi32, #tpu.memory_space<vmem>>
        %dma_start3A_44 = tpu.memref_squeeze %dma_start3A_43 : memref<1x128xi32, #tpu.memory_space<vmem>> -> memref<128xi32, #tpu.memory_space<vmem>>
        %dma_start3A_45 = arith.constant 0 : i32
        %dma_start3A_46 = arith.constant 0 : i32
        %dma_start3A_47 = tpu.memref_slice %arg2[%dma_start3A_45, %dma_start3A_46] : memref<10240x128xf32, #tpu.memory_space<hbm>> -> memref<10240x128xf32, #tpu.memory_space<hbm>>
        tpu.enqueue_indirect_dma source(%dma_start3A_47 : memref<10240x128xf32, #tpu.memory_space<hbm>>) target(%arg10 : memref<128x128xf32, #tpu.memory_space<vmem>>) offsets(%dma_start3A_44 : memref<128xi32, #tpu.memory_space<vmem>>) semaphore(%arg13 : memref<!tpu.dma_semaphore, #tpu.memory_space<semaphore_mem>>)
        %dma_wait3A = arith.constant 0 : i32
        %dma_wait3A_48 = tpu.memref_slice %arg7[%mul3A_39, %dma_wait3A] : memref<40x128xi32, #tpu.memory_space<vmem>> -> memref<1x128xi32, #tpu.memory_space<vmem>>
        %dma_wait3A_49 = tpu.memref_squeeze %dma_wait3A_48 : memref<1x128xi32, #tpu.memory_space<vmem>> -> memref<128xi32, #tpu.memory_space<vmem>>
        %dma_wait3A_50 = arith.constant 0 : i32
        %dma_wait3A_51 = arith.constant 0 : i32
        %dma_wait3A_52 = tpu.memref_slice %arg2[%dma_wait3A_50, %dma_wait3A_51] : memref<10240x128xf32, #tpu.memory_space<hbm>> -> memref<10240x128xf32, #tpu.memory_space<hbm>>
        tpu.wait_indirect_dma semaphore(%arg12 : memref<!tpu.dma_semaphore, #tpu.memory_space<semaphore_mem>>) src(%dma_wait3A_52 : memref<10240x128xf32, #tpu.memory_space<hbm>>) dst(%arg9 : memref<128x128xf32, #tpu.memory_space<vmem>>)
        "tpu.region"() ({
          %run_scoped3A = tpu.sem_alloc : memref<!tpu.dma_semaphore, #tpu.memory_space<semaphore_mem>>
          %dma_start3A_69 = arith.constant 0 : i32
          %dma_start3A_70 = tpu.memref_slice %arg8[%mul3A_39, %dma_start3A_69] : memref<40x128xi32, #tpu.memory_space<vmem>> -> memref<1x128xi32, #tpu.memory_space<vmem>>
          %dma_start3A_71 = tpu.memref_squeeze %dma_start3A_70 : memref<1x128xi32, #tpu.memory_space<vmem>> -> memref<128xi32, #tpu.memory_space<vmem>>
          %dma_start3A_72 = arith.constant 0 : i32
          %dma_start3A_73 = arith.constant 0 : i32
          %dma_start3A_74 = tpu.memref_slice %arg11[%dma_start3A_72, %dma_start3A_73] : memref<10240x128xf32, #tpu.memory_space<vmem_shared>> -> memref<10240x128xf32, #tpu.memory_space<vmem_shared>>
          tpu.enqueue_indirect_dma source(%arg9 : memref<128x128xf32, #tpu.memory_space<vmem>>) target(%dma_start3A_74 : memref<10240x128xf32, #tpu.memory_space<vmem_shared>>) offsets(%dma_start3A_71 : memref<128xi32, #tpu.memory_space<vmem>>) semaphore(%run_scoped3A : memref<!tpu.dma_semaphore, #tpu.memory_space<semaphore_mem>>) {add = true}
          %dma_wait3A_75 = arith.constant 0 : i32
          %dma_wait3A_76 = tpu.memref_slice %arg8[%mul3A_39, %dma_wait3A_75] : memref<40x128xi32, #tpu.memory_space<vmem>> -> memref<1x128xi32, #tpu.memory_space<vmem>>
          %dma_wait3A_77 = tpu.memref_squeeze %dma_wait3A_76 : memref<1x128xi32, #tpu.memory_space<vmem>> -> memref<128xi32, #tpu.memory_space<vmem>>
          %dma_wait3A_78 = arith.constant 0 : i32
          %dma_wait3A_79 = arith.constant 0 : i32
          %dma_wait3A_80 = tpu.memref_slice %arg11[%dma_wait3A_78, %dma_wait3A_79] : memref<10240x128xf32, #tpu.memory_space<vmem_shared>> -> memref<10240x128xf32, #tpu.memory_space<vmem_shared>>
          tpu.wait_indirect_dma semaphore(%run_scoped3A : memref<!tpu.dma_semaphore, #tpu.memory_space<semaphore_mem>>) src(%arg9 : memref<128x128xf32, #tpu.memory_space<vmem>>) dst(%dma_wait3A_80 : memref<10240x128xf32, #tpu.memory_space<vmem_shared>>)
          tpu.yield
        }) : () -> ()
        %add3A_53 = arith.constant 2 : i32
        %add3A_54 = arith.addi %mul3A_39, %add3A_53 : i32
        %lt3A = arith.constant 40 : i32
        %lt3A_55 = arith.cmpi slt, %add3A_54, %lt3A : i32
        %convert_element_type3A_56 = arith.extui %lt3A_55 : i1 to i32
        %cond3A_57 = arith.constant 0 : i32
        %cond3A_58 = arith.cmpi ne, %convert_element_type3A_56, %cond3A_57 : i32
        scf.if %cond3A_58 {
          %add3A_69 = arith.constant 2 : i32
          %add3A_70 = arith.addi %mul3A_39, %add3A_69 : i32
          %dma_start3A_71 = arith.constant 0 : i32
          %dma_start3A_72 = tpu.memref_slice %arg7[%add3A_70, %dma_start3A_71] : memref<40x128xi32, #tpu.memory_space<vmem>> -> memref<1x128xi32, #tpu.memory_space<vmem>>
          %dma_start3A_73 = tpu.memref_squeeze %dma_start3A_72 : memref<1x128xi32, #tpu.memory_space<vmem>> -> memref<128xi32, #tpu.memory_space<vmem>>
          %dma_start3A_74 = arith.constant 0 : i32
          %dma_start3A_75 = arith.constant 0 : i32
          %dma_start3A_76 = tpu.memref_slice %arg2[%dma_start3A_74, %dma_start3A_75] : memref<10240x128xf32, #tpu.memory_space<hbm>> -> memref<10240x128xf32, #tpu.memory_space<hbm>>
          tpu.enqueue_indirect_dma source(%dma_start3A_76 : memref<10240x128xf32, #tpu.memory_space<hbm>>) target(%arg9 : memref<128x128xf32, #tpu.memory_space<vmem>>) offsets(%dma_start3A_73 : memref<128xi32, #tpu.memory_space<vmem>>) semaphore(%arg12 : memref<!tpu.dma_semaphore, #tpu.memory_space<semaphore_mem>>)
        } else {
        }
        %add3A_59 = arith.constant 1 : i32
        %add3A_60 = arith.addi %mul3A_39, %add3A_59 : i32
        %dma_wait3A_61 = arith.constant 0 : i32
        %dma_wait3A_62 = tpu.memref_slice %arg7[%add3A_60, %dma_wait3A_61] : memref<40x128xi32, #tpu.memory_space<vmem>> -> memref<1x128xi32, #tpu.memory_space<vmem>>
        %dma_wait3A_63 = tpu.memref_squeeze %dma_wait3A_62 : memref<1x128xi32, #tpu.memory_space<vmem>> -> memref<128xi32, #tpu.memory_space<vmem>>
        %dma_wait3A_64 = arith.constant 0 : i32
        %dma_wait3A_65 = arith.constant 0 : i32
        %dma_wait3A_66 = tpu.memref_slice %arg2[%dma_wait3A_64, %dma_wait3A_65] : memref<10240x128xf32, #tpu.memory_space<hbm>> -> memref<10240x128xf32, #tpu.memory_space<hbm>>
        tpu.wait_indirect_dma semaphore(%arg13 : memref<!tpu.dma_semaphore, #tpu.memory_space<semaphore_mem>>) src(%dma_wait3A_66 : memref<10240x128xf32, #tpu.memory_space<hbm>>) dst(%arg10 : memref<128x128xf32, #tpu.memory_space<vmem>>)
        %add3A_67 = arith.constant 1 : i32
        %add3A_68 = arith.addi %mul3A_39, %add3A_67 : i32
        "tpu.region"() ({
          %run_scoped3A = tpu.sem_alloc : memref<!tpu.dma_semaphore, #tpu.memory_space<semaphore_mem>>
          %dma_start3A_69 = arith.constant 0 : i32
          %dma_start3A_70 = tpu.memref_slice %arg8[%add3A_68, %dma_start3A_69] : memref<40x128xi32, #tpu.memory_space<vmem>> -> memref<1x128xi32, #tpu.memory_space<vmem>>
          %dma_start3A_71 = tpu.memref_squeeze %dma_start3A_70 : memref<1x128xi32, #tpu.memory_space<vmem>> -> memref<128xi32, #tpu.memory_space<vmem>>
          %dma_start3A_72 = arith.constant 0 : i32
          %dma_start3A_73 = arith.constant 0 : i32
          %dma_start3A_74 = tpu.memref_slice %arg11[%dma_start3A_72, %dma_start3A_73] : memref<10240x128xf32, #tpu.memory_space<vmem_shared>> -> memref<10240x128xf32, #tpu.memory_space<vmem_shared>>
          tpu.enqueue_indirect_dma source(%arg10 : memref<128x128xf32, #tpu.memory_space<vmem>>) target(%dma_start3A_74 : memref<10240x128xf32, #tpu.memory_space<vmem_shared>>) offsets(%dma_start3A_71 : memref<128xi32, #tpu.memory_space<vmem>>) semaphore(%run_scoped3A : memref<!tpu.dma_semaphore, #tpu.memory_space<semaphore_mem>>) {add = true}
          %dma_wait3A_75 = arith.constant 0 : i32
          %dma_wait3A_76 = tpu.memref_slice %arg8[%add3A_68, %dma_wait3A_75] : memref<40x128xi32, #tpu.memory_space<vmem>> -> memref<1x128xi32, #tpu.memory_space<vmem>>
          %dma_wait3A_77 = tpu.memref_squeeze %dma_wait3A_76 : memref<1x128xi32, #tpu.memory_space<vmem>> -> memref<128xi32, #tpu.memory_space<vmem>>
          %dma_wait3A_78 = arith.constant 0 : i32
          %dma_wait3A_79 = arith.constant 0 : i32
          %dma_wait3A_80 = tpu.memref_slice %arg11[%dma_wait3A_78, %dma_wait3A_79] : memref<10240x128xf32, #tpu.memory_space<vmem_shared>> -> memref<10240x128xf32, #tpu.memory_space<vmem_shared>>
          tpu.wait_indirect_dma semaphore(%run_scoped3A : memref<!tpu.dma_semaphore, #tpu.memory_space<semaphore_mem>>) src(%arg10 : memref<128x128xf32, #tpu.memory_space<vmem>>) dst(%dma_wait3A_80 : memref<10240x128xf32, #tpu.memory_space<vmem_shared>>)
          tpu.yield
        }) : () -> ()
      }
      %scan3A_36 = arith.constant 20 : i32
    } else {
    }
    %gt3A_18 = arith.constant 80 : i32
    %gt3A_19 = arith.cmpi sgt, %select_n3A, %gt3A_18 : i32
    %convert_element_type3A_20 = arith.extui %gt3A_19 : i1 to i32
    %cond3A_21 = arith.constant 0 : i32
    %cond3A_22 = arith.cmpi ne, %convert_element_type3A_20, %cond3A_21 : i32
    scf.if %cond3A_22 {
      %add3A_24 = arith.constant 80 : i32
      %add3A_25 = arith.addi %select_n3A_10, %add3A_24 : i32
      "tpu.region"() ({
        %run_scoped3A = tpu.sem_alloc : memref<!tpu.dma_semaphore, #tpu.memory_space<semaphore_mem>>
        %dma_start3A_37 = arith.constant 0 : i32
        %dma_start3A_38 = tpu.memref_slice %arg3[%add3A_25, %dma_start3A_37] : memref<2560x128xi32, #tpu.memory_space<hbm>> -> memref<40x128xi32, #tpu.memory_space<hbm>>
        %dma_start3A_39 = arith.constant 0 : i32
        %dma_start3A_40 = tpu.memref_slice %arg3[%add3A_25, %dma_start3A_39] : memref<2560x128xi32, #tpu.memory_space<hbm>> -> memref<40x128xi32, #tpu.memory_space<hbm>>
        tpu.enqueue_dma source(%dma_start3A_40 : memref<40x128xi32, #tpu.memory_space<hbm>>) target(%arg7 : memref<40x128xi32, #tpu.memory_space<vmem>>) target_semaphore(%run_scoped3A : memref<!tpu.dma_semaphore, #tpu.memory_space<semaphore_mem>>)
        %dma_wait3A = arith.constant 0 : i32
        %dma_wait3A_41 = tpu.memref_slice %arg3[%add3A_25, %dma_wait3A] : memref<2560x128xi32, #tpu.memory_space<hbm>> -> memref<40x128xi32, #tpu.memory_space<hbm>>
        %dma_wait3A_42 = arith.constant 0 : i32
        %dma_wait3A_43 = tpu.memref_slice %arg3[%add3A_25, %dma_wait3A_42] : memref<2560x128xi32, #tpu.memory_space<hbm>> -> memref<40x128xi32, #tpu.memory_space<hbm>>
        tpu.wait_dma2 semaphore(%run_scoped3A : memref<!tpu.dma_semaphore, #tpu.memory_space<semaphore_mem>>) src(%dma_wait3A_43 : memref<40x128xi32, #tpu.memory_space<hbm>>) dst(%arg7 : memref<40x128xi32, #tpu.memory_space<vmem>>)
        tpu.yield
      }) : () -> ()
      "tpu.region"() ({
        %run_scoped3A = tpu.sem_alloc : memref<!tpu.dma_semaphore, #tpu.memory_space<semaphore_mem>>
        %dma_start3A_37 = arith.constant 0 : i32
        %dma_start3A_38 = tpu.memref_slice %arg4[%add3A_25, %dma_start3A_37] : memref<2560x128xi32, #tpu.memory_space<hbm>> -> memref<40x128xi32, #tpu.memory_space<hbm>>
        %dma_start3A_39 = arith.constant 0 : i32
        %dma_start3A_40 = tpu.memref_slice %arg4[%add3A_25, %dma_start3A_39] : memref<2560x128xi32, #tpu.memory_space<hbm>> -> memref<40x128xi32, #tpu.memory_space<hbm>>
        tpu.enqueue_dma source(%dma_start3A_40 : memref<40x128xi32, #tpu.memory_space<hbm>>) target(%arg8 : memref<40x128xi32, #tpu.memory_space<vmem>>) target_semaphore(%run_scoped3A : memref<!tpu.dma_semaphore, #tpu.memory_space<semaphore_mem>>)
        %dma_wait3A = arith.constant 0 : i32
        %dma_wait3A_41 = tpu.memref_slice %arg4[%add3A_25, %dma_wait3A] : memref<2560x128xi32, #tpu.memory_space<hbm>> -> memref<40x128xi32, #tpu.memory_space<hbm>>
        %dma_wait3A_42 = arith.constant 0 : i32
        %dma_wait3A_43 = tpu.memref_slice %arg4[%add3A_25, %dma_wait3A_42] : memref<2560x128xi32, #tpu.memory_space<hbm>> -> memref<40x128xi32, #tpu.memory_space<hbm>>
        tpu.wait_dma2 semaphore(%run_scoped3A : memref<!tpu.dma_semaphore, #tpu.memory_space<semaphore_mem>>) src(%dma_wait3A_43 : memref<40x128xi32, #tpu.memory_space<hbm>>) dst(%arg8 : memref<40x128xi32, #tpu.memory_space<vmem>>)
        tpu.yield
      }) : () -> ()
      %dma_start3A = arith.constant 0 : i32
      %dma_start3A_26 = arith.constant 0 : i32
      %dma_start3A_27 = tpu.memref_slice %arg7[%dma_start3A, %dma_start3A_26] : memref<40x128xi32, #tpu.memory_space<vmem>> -> memref<1x128xi32, #tpu.memory_space<vmem>>
      %dma_start3A_28 = tpu.memref_squeeze %dma_start3A_27 : memref<1x128xi32, #tpu.memory_space<vmem>> -> memref<128xi32, #tpu.memory_space<vmem>>
      %dma_start3A_29 = arith.constant 0 : i32
      %dma_start3A_30 = arith.constant 0 : i32
      %dma_start3A_31 = tpu.memref_slice %arg2[%dma_start3A_29, %dma_start3A_30] : memref<10240x128xf32, #tpu.memory_space<hbm>> -> memref<10240x128xf32, #tpu.memory_space<hbm>>
      tpu.enqueue_indirect_dma source(%dma_start3A_31 : memref<10240x128xf32, #tpu.memory_space<hbm>>) target(%arg9 : memref<128x128xf32, #tpu.memory_space<vmem>>) offsets(%dma_start3A_28 : memref<128xi32, #tpu.memory_space<vmem>>) semaphore(%arg12 : memref<!tpu.dma_semaphore, #tpu.memory_space<semaphore_mem>>)
      %scan3A = arith.constant 0 : i32
      %scan3A_32 = arith.constant 0 : i32
      %scan3A_33 = arith.constant 20 : i32
      %scan3A_34 = arith.addi %scan3A_32, %scan3A_33 : i32
      %scan3A_35 = arith.constant 1 : i32
      scf.for %scan3A_37 = %scan3A_32 to %scan3A_34 step %scan3A_35  : i32 {
        %mul3A_38 = arith.constant 2 : i32
        %mul3A_39 = arith.muli %scan3A_37, %mul3A_38 : i32
        %add3A_40 = arith.constant 1 : i32
        %add3A_41 = arith.addi %mul3A_39, %add3A_40 : i32
        %dma_start3A_42 = arith.constant 0 : i32
        %dma_start3A_43 = tpu.memref_slice %arg7[%add3A_41, %dma_start3A_42] : memref<40x128xi32, #tpu.memory_space<vmem>> -> memref<1x128xi32, #tpu.memory_space<vmem>>
        %dma_start3A_44 = tpu.memref_squeeze %dma_start3A_43 : memref<1x128xi32, #tpu.memory_space<vmem>> -> memref<128xi32, #tpu.memory_space<vmem>>
        %dma_start3A_45 = arith.constant 0 : i32
        %dma_start3A_46 = arith.constant 0 : i32
        %dma_start3A_47 = tpu.memref_slice %arg2[%dma_start3A_45, %dma_start3A_46] : memref<10240x128xf32, #tpu.memory_space<hbm>> -> memref<10240x128xf32, #tpu.memory_space<hbm>>
        tpu.enqueue_indirect_dma source(%dma_start3A_47 : memref<10240x128xf32, #tpu.memory_space<hbm>>) target(%arg10 : memref<128x128xf32, #tpu.memory_space<vmem>>) offsets(%dma_start3A_44 : memref<128xi32, #tpu.memory_space<vmem>>) semaphore(%arg13 : memref<!tpu.dma_semaphore, #tpu.memory_space<semaphore_mem>>)
        %dma_wait3A = arith.constant 0 : i32
        %dma_wait3A_48 = tpu.memref_slice %arg7[%mul3A_39, %dma_wait3A] : memref<40x128xi32, #tpu.memory_space<vmem>> -> memref<1x128xi32, #tpu.memory_space<vmem>>
        %dma_wait3A_49 = tpu.memref_squeeze %dma_wait3A_48 : memref<1x128xi32, #tpu.memory_space<vmem>> -> memref<128xi32, #tpu.memory_space<vmem>>
        %dma_wait3A_50 = arith.constant 0 : i32
        %dma_wait3A_51 = arith.constant 0 : i32
        %dma_wait3A_52 = tpu.memref_slice %arg2[%dma_wait3A_50, %dma_wait3A_51] : memref<10240x128xf32, #tpu.memory_space<hbm>> -> memref<10240x128xf32, #tpu.memory_space<hbm>>
        tpu.wait_indirect_dma semaphore(%arg12 : memref<!tpu.dma_semaphore, #tpu.memory_space<semaphore_mem>>) src(%dma_wait3A_52 : memref<10240x128xf32, #tpu.memory_space<hbm>>) dst(%arg9 : memref<128x128xf32, #tpu.memory_space<vmem>>)
        "tpu.region"() ({
          %run_scoped3A = tpu.sem_alloc : memref<!tpu.dma_semaphore, #tpu.memory_space<semaphore_mem>>
          %dma_start3A_69 = arith.constant 0 : i32
          %dma_start3A_70 = tpu.memref_slice %arg8[%mul3A_39, %dma_start3A_69] : memref<40x128xi32, #tpu.memory_space<vmem>> -> memref<1x128xi32, #tpu.memory_space<vmem>>
          %dma_start3A_71 = tpu.memref_squeeze %dma_start3A_70 : memref<1x128xi32, #tpu.memory_space<vmem>> -> memref<128xi32, #tpu.memory_space<vmem>>
          %dma_start3A_72 = arith.constant 0 : i32
          %dma_start3A_73 = arith.constant 0 : i32
          %dma_start3A_74 = tpu.memref_slice %arg11[%dma_start3A_72, %dma_start3A_73] : memref<10240x128xf32, #tpu.memory_space<vmem_shared>> -> memref<10240x128xf32, #tpu.memory_space<vmem_shared>>
          tpu.enqueue_indirect_dma source(%arg9 : memref<128x128xf32, #tpu.memory_space<vmem>>) target(%dma_start3A_74 : memref<10240x128xf32, #tpu.memory_space<vmem_shared>>) offsets(%dma_start3A_71 : memref<128xi32, #tpu.memory_space<vmem>>) semaphore(%run_scoped3A : memref<!tpu.dma_semaphore, #tpu.memory_space<semaphore_mem>>) {add = true}
          %dma_wait3A_75 = arith.constant 0 : i32
          %dma_wait3A_76 = tpu.memref_slice %arg8[%mul3A_39, %dma_wait3A_75] : memref<40x128xi32, #tpu.memory_space<vmem>> -> memref<1x128xi32, #tpu.memory_space<vmem>>
          %dma_wait3A_77 = tpu.memref_squeeze %dma_wait3A_76 : memref<1x128xi32, #tpu.memory_space<vmem>> -> memref<128xi32, #tpu.memory_space<vmem>>
          %dma_wait3A_78 = arith.constant 0 : i32
          %dma_wait3A_79 = arith.constant 0 : i32
          %dma_wait3A_80 = tpu.memref_slice %arg11[%dma_wait3A_78, %dma_wait3A_79] : memref<10240x128xf32, #tpu.memory_space<vmem_shared>> -> memref<10240x128xf32, #tpu.memory_space<vmem_shared>>
          tpu.wait_indirect_dma semaphore(%run_scoped3A : memref<!tpu.dma_semaphore, #tpu.memory_space<semaphore_mem>>) src(%arg9 : memref<128x128xf32, #tpu.memory_space<vmem>>) dst(%dma_wait3A_80 : memref<10240x128xf32, #tpu.memory_space<vmem_shared>>)
          tpu.yield
        }) : () -> ()
        %add3A_53 = arith.constant 2 : i32
        %add3A_54 = arith.addi %mul3A_39, %add3A_53 : i32
        %lt3A = arith.constant 40 : i32
        %lt3A_55 = arith.cmpi slt, %add3A_54, %lt3A : i32
        %convert_element_type3A_56 = arith.extui %lt3A_55 : i1 to i32
        %cond3A_57 = arith.constant 0 : i32
        %cond3A_58 = arith.cmpi ne, %convert_element_type3A_56, %cond3A_57 : i32
        scf.if %cond3A_58 {
          %add3A_69 = arith.constant 2 : i32
          %add3A_70 = arith.addi %mul3A_39, %add3A_69 : i32
          %dma_start3A_71 = arith.constant 0 : i32
          %dma_start3A_72 = tpu.memref_slice %arg7[%add3A_70, %dma_start3A_71] : memref<40x128xi32, #tpu.memory_space<vmem>> -> memref<1x128xi32, #tpu.memory_space<vmem>>
          %dma_start3A_73 = tpu.memref_squeeze %dma_start3A_72 : memref<1x128xi32, #tpu.memory_space<vmem>> -> memref<128xi32, #tpu.memory_space<vmem>>
          %dma_start3A_74 = arith.constant 0 : i32
          %dma_start3A_75 = arith.constant 0 : i32
          %dma_start3A_76 = tpu.memref_slice %arg2[%dma_start3A_74, %dma_start3A_75] : memref<10240x128xf32, #tpu.memory_space<hbm>> -> memref<10240x128xf32, #tpu.memory_space<hbm>>
          tpu.enqueue_indirect_dma source(%dma_start3A_76 : memref<10240x128xf32, #tpu.memory_space<hbm>>) target(%arg9 : memref<128x128xf32, #tpu.memory_space<vmem>>) offsets(%dma_start3A_73 : memref<128xi32, #tpu.memory_space<vmem>>) semaphore(%arg12 : memref<!tpu.dma_semaphore, #tpu.memory_space<semaphore_mem>>)
        } else {
        }
        %add3A_59 = arith.constant 1 : i32
        %add3A_60 = arith.addi %mul3A_39, %add3A_59 : i32
        %dma_wait3A_61 = arith.constant 0 : i32
        %dma_wait3A_62 = tpu.memref_slice %arg7[%add3A_60, %dma_wait3A_61] : memref<40x128xi32, #tpu.memory_space<vmem>> -> memref<1x128xi32, #tpu.memory_space<vmem>>
        %dma_wait3A_63 = tpu.memref_squeeze %dma_wait3A_62 : memref<1x128xi32, #tpu.memory_space<vmem>> -> memref<128xi32, #tpu.memory_space<vmem>>
        %dma_wait3A_64 = arith.constant 0 : i32
        %dma_wait3A_65 = arith.constant 0 : i32
        %dma_wait3A_66 = tpu.memref_slice %arg2[%dma_wait3A_64, %dma_wait3A_65] : memref<10240x128xf32, #tpu.memory_space<hbm>> -> memref<10240x128xf32, #tpu.memory_space<hbm>>
        tpu.wait_indirect_dma semaphore(%arg13 : memref<!tpu.dma_semaphore, #tpu.memory_space<semaphore_mem>>) src(%dma_wait3A_66 : memref<10240x128xf32, #tpu.memory_space<hbm>>) dst(%arg10 : memref<128x128xf32, #tpu.memory_space<vmem>>)
        %add3A_67 = arith.constant 1 : i32
        %add3A_68 = arith.addi %mul3A_39, %add3A_67 : i32
        "tpu.region"() ({
          %run_scoped3A = tpu.sem_alloc : memref<!tpu.dma_semaphore, #tpu.memory_space<semaphore_mem>>
          %dma_start3A_69 = arith.constant 0 : i32
          %dma_start3A_70 = tpu.memref_slice %arg8[%add3A_68, %dma_start3A_69] : memref<40x128xi32, #tpu.memory_space<vmem>> -> memref<1x128xi32, #tpu.memory_space<vmem>>
          %dma_start3A_71 = tpu.memref_squeeze %dma_start3A_70 : memref<1x128xi32, #tpu.memory_space<vmem>> -> memref<128xi32, #tpu.memory_space<vmem>>
          %dma_start3A_72 = arith.constant 0 : i32
          %dma_start3A_73 = arith.constant 0 : i32
          %dma_start3A_74 = tpu.memref_slice %arg11[%dma_start3A_72, %dma_start3A_73] : memref<10240x128xf32, #tpu.memory_space<vmem_shared>> -> memref<10240x128xf32, #tpu.memory_space<vmem_shared>>
          tpu.enqueue_indirect_dma source(%arg10 : memref<128x128xf32, #tpu.memory_space<vmem>>) target(%dma_start3A_74 : memref<10240x128xf32, #tpu.memory_space<vmem_shared>>) offsets(%dma_start3A_71 : memref<128xi32, #tpu.memory_space<vmem>>) semaphore(%run_scoped3A : memref<!tpu.dma_semaphore, #tpu.memory_space<semaphore_mem>>) {add = true}
          %dma_wait3A_75 = arith.constant 0 : i32
          %dma_wait3A_76 = tpu.memref_slice %arg8[%add3A_68, %dma_wait3A_75] : memref<40x128xi32, #tpu.memory_space<vmem>> -> memref<1x128xi32, #tpu.memory_space<vmem>>
          %dma_wait3A_77 = tpu.memref_squeeze %dma_wait3A_76 : memref<1x128xi32, #tpu.memory_space<vmem>> -> memref<128xi32, #tpu.memory_space<vmem>>
          %dma_wait3A_78 = arith.constant 0 : i32
          %dma_wait3A_79 = arith.constant 0 : i32
          %dma_wait3A_80 = tpu.memref_slice %arg11[%dma_wait3A_78, %dma_wait3A_79] : memref<10240x128xf32, #tpu.memory_space<vmem_shared>> -> memref<10240x128xf32, #tpu.memory_space<vmem_shared>>
          tpu.wait_indirect_dma semaphore(%run_scoped3A : memref<!tpu.dma_semaphore, #tpu.memory_space<semaphore_mem>>) src(%arg10 : memref<128x128xf32, #tpu.memory_space<vmem>>) dst(%dma_wait3A_80 : memref<10240x128xf32, #tpu.memory_space<vmem_shared>>)
          tpu.yield
        }) : () -> ()
      }
      %scan3A_36 = arith.constant 20 : i32
    } else {
    }
    %barrier3A_23 = arith.constant 0 : index
    tpu.barrier barrier_id(%barrier3A_23)
    "tpu.region"() ({
      %run_scoped3A = tpu.sem_alloc : memref<!tpu.dma_semaphore, #tpu.memory_space<semaphore_mem>>
      %dma_start3A = arith.constant 0 : i32
      %dma_start3A_24 = tpu.memref_slice %arg6[%arg0, %mul3A_0, %dma_start3A] : memref<2x10240x128xf32, #tpu.memory_space<hbm>> -> memref<1x640x128xf32, #tpu.memory_space<hbm>>
      %dma_start3A_25 = tpu.memref_squeeze %dma_start3A_24 : memref<1x640x128xf32, #tpu.memory_space<hbm>> -> memref<640x128xf32, #tpu.memory_space<hbm>>
      %dma_start3A_26 = arith.constant 0 : i32
      %dma_start3A_27 = tpu.memref_slice %arg11[%mul3A_0, %dma_start3A_26] : memref<10240x128xf32, #tpu.memory_space<vmem_shared>> -> memref<640x128xf32, #tpu.memory_space<vmem_shared>>
      tpu.enqueue_dma source(%dma_start3A_27 : memref<640x128xf32, #tpu.memory_space<vmem_shared>>) target(%dma_start3A_25 : memref<640x128xf32, #tpu.memory_space<hbm>>) target_semaphore(%run_scoped3A : memref<!tpu.dma_semaphore, #tpu.memory_space<semaphore_mem>>)
      %dma_wait3A = arith.constant 0 : i32
      %dma_wait3A_28 = tpu.memref_slice %arg6[%arg0, %mul3A_0, %dma_wait3A] : memref<2x10240x128xf32, #tpu.memory_space<hbm>> -> memref<1x640x128xf32, #tpu.memory_space<hbm>>
      %dma_wait3A_29 = tpu.memref_squeeze %dma_wait3A_28 : memref<1x640x128xf32, #tpu.memory_space<hbm>> -> memref<640x128xf32, #tpu.memory_space<hbm>>
      %dma_wait3A_30 = arith.constant 0 : i32
      %dma_wait3A_31 = tpu.memref_slice %arg11[%mul3A_0, %dma_wait3A_30] : memref<10240x128xf32, #tpu.memory_space<vmem_shared>> -> memref<640x128xf32, #tpu.memory_space<vmem_shared>>
      tpu.wait_dma2 semaphore(%run_scoped3A : memref<!tpu.dma_semaphore, #tpu.memory_space<semaphore_mem>>) src(%dma_wait3A_31 : memref<640x128xf32, #tpu.memory_space<vmem_shared>>) dst(%dma_wait3A_29 : memref<640x128xf32, #tpu.memory_space<hbm>>)
      tpu.yield
    }) : () -> ()
    return
  }
}

#map = affine_map<(d0, d1) -> (0, 0)>
#map1 = affine_map<(d0, d1) -> (0, 0, 0)>
module attributes {stable_mosaic.version = 14 : i64} {
  func.func @_scatter_body(%arg0: i32, %arg1: i32, %arg2: memref<10240x128xf32, #tpu.memory_space<hbm>>, %arg3: memref<2560x128xi32, #tpu.memory_space<hbm>>, %arg4: memref<2560x128xi32, #tpu.memory_space<hbm>>, %arg5: memref<10240x128xf32, #tpu.memory_space<hbm>>, %arg6: memref<2x10240x128xf32, #tpu.memory_space<hbm>>, %arg7: memref<40x128xi32, #tpu.memory_space<vmem>>, %arg8: memref<40x128xi32, #tpu.memory_space<vmem>>, %arg9: memref<128x128xf32, #tpu.memory_space<vmem>>, %arg10: memref<128x128xf32, #tpu.memory_space<vmem>>, %arg11: memref<10240x128xf32, #tpu.memory_space<vmem_shared>>, %arg12: memref<!tpu.dma_semaphore, #tpu.memory_space<semaphore_mem>>, %arg13: memref<!tpu.dma_semaphore, #tpu.memory_space<semaphore_mem>>) attributes {dimension_semantics = [#tpu.dimension_semantics<core_parallel>, #tpu.dimension_semantics<subcore_parallel>], iteration_bounds = array<i64: 2, 16>, scalar_prefetch = 0 : i64, scratch_operands = 7 : i64, tpu.core_type = #tpu.core_type<sc_vector_subcore>, window_params = [{transform_indices = #map}, {transform_indices = #map}, {transform_indices = #map}, {transform_indices = #map}, {transform_indices = #map1}]} {
    %mul3A = arith.constant 640 : i32
    %mul3A_0 = arith.muli %arg1, %mul3A : i32
    "tpu.region"() ({
      %run_scoped3A = tpu.sem_alloc : memref<!tpu.dma_semaphore, #tpu.memory_space<semaphore_mem>>
      %dma_start3A = arith.constant 0 : i32
      %dma_start3A_24 = tpu.memref_slice %arg11[%mul3A_0, %dma_start3A] : memref<10240x128xf32, #tpu.memory_space<vmem_shared>> -> memref<640x128xf32, #tpu.memory_space<vmem_shared>>
      %dma_start3A_25 = arith.constant 0 : i32
      %dma_start3A_26 = tpu.memref_slice %arg5[%mul3A_0, %dma_start3A_25] : memref<10240x128xf32, #tpu.memory_space<hbm>> -> memref<640x128xf32, #tpu.memory_space<hbm>>
      tpu.enqueue_dma source(%dma_start3A_26 : memref<640x128xf32, #tpu.memory_space<hbm>>) target(%dma_start3A_24 : memref<640x128xf32, #tpu.memory_space<vmem_shared>>) target_semaphore(%run_scoped3A : memref<!tpu.dma_semaphore, #tpu.memory_space<semaphore_mem>>)
      %dma_wait3A = arith.constant 0 : i32
      %dma_wait3A_27 = tpu.memref_slice %arg11[%mul3A_0, %dma_wait3A] : memref<10240x128xf32, #tpu.memory_space<vmem_shared>> -> memref<640x128xf32, #tpu.memory_space<vmem_shared>>
      %dma_wait3A_28 = arith.constant 0 : i32
      %dma_wait3A_29 = tpu.memref_slice %arg5[%mul3A_0, %dma_wait3A_28] : memref<10240x128xf32, #tpu.memory_space<hbm>> -> memref<640x128xf32, #tpu.memory_space<hbm>>
      tpu.wait_dma2 semaphore(%run_scoped3A : memref<!tpu.dma_semaphore, #tpu.memory_space<semaphore_mem>>) src(%dma_wait3A_29 : memref<640x128xf32, #tpu.memory_space<hbm>>) dst(%dma_wait3A_27 : memref<640x128xf32, #tpu.memory_space<vmem_shared>>)
      tpu.yield
    }) : () -> ()
    %barrier3A = arith.constant 0 : index
    tpu.barrier barrier_id(%barrier3A)
    %eq3A = arith.constant 0 : i32
    %eq3A_1 = arith.cmpi eq, %arg0, %eq3A : i32
    %jit3A = arith.constant 120 : i32
    %jit3A_2 = arith.constant 40 : i32
    %select_n3A = arith.select %eq3A_1, %jit3A, %jit3A_2 : i32
    %eq3A_3 = arith.constant 0 : i32
    %eq3A_4 = arith.cmpi eq, %arg0, %eq3A_3 : i32
    %mul3A_5 = arith.constant 120 : i32
    %mul3A_6 = arith.muli %arg1, %mul3A_5 : i32
    %mul3A_7 = arith.constant 40 : i32
    %mul3A_8 = arith.muli %arg1, %mul3A_7 : i32
    %add3A = arith.constant 1920 : i32
    %add3A_9 = arith.addi %add3A, %mul3A_8 : i32
    %select_n3A_10 = arith.select %eq3A_4, %mul3A_6, %add3A_9 : i32
    %gt3A = arith.constant 0 : i32
    %gt3A_11 = arith.cmpi sgt, %select_n3A, %gt3A : i32
    %convert_element_type3A = arith.extui %gt3A_11 : i1 to i32
    %cond3A = arith.constant 0 : i32
    %cond3A_12 = arith.cmpi ne, %convert_element_type3A, %cond3A : i32
    scf.if %cond3A_12 {
      %add3A_24 = arith.constant 0 : i32
      %add3A_25 = arith.addi %select_n3A_10, %add3A_24 : i32
      "tpu.region"() ({
        %run_scoped3A = tpu.sem_alloc : memref<!tpu.dma_semaphore, #tpu.memory_space<semaphore_mem>>
        %dma_start3A_37 = arith.constant 0 : i32
        %dma_start3A_38 = tpu.memref_slice %arg3[%add3A_25, %dma_start3A_37] : memref<2560x128xi32, #tpu.memory_space<hbm>> -> memref<40x128xi32, #tpu.memory_space<hbm>>
        %dma_start3A_39 = arith.constant 0 : i32
        %dma_start3A_40 = tpu.memref_slice %arg3[%add3A_25, %dma_start3A_39] : memref<2560x128xi32, #tpu.memory_space<hbm>> -> memref<40x128xi32, #tpu.memory_space<hbm>>
        tpu.enqueue_dma source(%dma_start3A_40 : memref<40x128xi32, #tpu.memory_space<hbm>>) target(%arg7 : memref<40x128xi32, #tpu.memory_space<vmem>>) target_semaphore(%run_scoped3A : memref<!tpu.dma_semaphore, #tpu.memory_space<semaphore_mem>>)
        %dma_wait3A = arith.constant 0 : i32
        %dma_wait3A_41 = tpu.memref_slice %arg3[%add3A_25, %dma_wait3A] : memref<2560x128xi32, #tpu.memory_space<hbm>> -> memref<40x128xi32, #tpu.memory_space<hbm>>
        %dma_wait3A_42 = arith.constant 0 : i32
        %dma_wait3A_43 = tpu.memref_slice %arg3[%add3A_25, %dma_wait3A_42] : memref<2560x128xi32, #tpu.memory_space<hbm>> -> memref<40x128xi32, #tpu.memory_space<hbm>>
        tpu.wait_dma2 semaphore(%run_scoped3A : memref<!tpu.dma_semaphore, #tpu.memory_space<semaphore_mem>>) src(%dma_wait3A_43 : memref<40x128xi32, #tpu.memory_space<hbm>>) dst(%arg7 : memref<40x128xi32, #tpu.memory_space<vmem>>)
        tpu.yield
      }) : () -> ()
      "tpu.region"() ({
        %run_scoped3A = tpu.sem_alloc : memref<!tpu.dma_semaphore, #tpu.memory_space<semaphore_mem>>
        %dma_start3A_37 = arith.constant 0 : i32
        %dma_start3A_38 = tpu.memref_slice %arg4[%add3A_25, %dma_start3A_37] : memref<2560x128xi32, #tpu.memory_space<hbm>> -> memref<40x128xi32, #tpu.memory_space<hbm>>
        %dma_start3A_39 = arith.constant 0 : i32
        %dma_start3A_40 = tpu.memref_slice %arg4[%add3A_25, %dma_start3A_39] : memref<2560x128xi32, #tpu.memory_space<hbm>> -> memref<40x128xi32, #tpu.memory_space<hbm>>
        tpu.enqueue_dma source(%dma_start3A_40 : memref<40x128xi32, #tpu.memory_space<hbm>>) target(%arg8 : memref<40x128xi32, #tpu.memory_space<vmem>>) target_semaphore(%run_scoped3A : memref<!tpu.dma_semaphore, #tpu.memory_space<semaphore_mem>>)
        %dma_wait3A = arith.constant 0 : i32
        %dma_wait3A_41 = tpu.memref_slice %arg4[%add3A_25, %dma_wait3A] : memref<2560x128xi32, #tpu.memory_space<hbm>> -> memref<40x128xi32, #tpu.memory_space<hbm>>
        %dma_wait3A_42 = arith.constant 0 : i32
        %dma_wait3A_43 = tpu.memref_slice %arg4[%add3A_25, %dma_wait3A_42] : memref<2560x128xi32, #tpu.memory_space<hbm>> -> memref<40x128xi32, #tpu.memory_space<hbm>>
        tpu.wait_dma2 semaphore(%run_scoped3A : memref<!tpu.dma_semaphore, #tpu.memory_space<semaphore_mem>>) src(%dma_wait3A_43 : memref<40x128xi32, #tpu.memory_space<hbm>>) dst(%arg8 : memref<40x128xi32, #tpu.memory_space<vmem>>)
        tpu.yield
      }) : () -> ()
      %dma_start3A = arith.constant 0 : i32
      %dma_start3A_26 = arith.constant 0 : i32
      %dma_start3A_27 = tpu.memref_slice %arg7[%dma_start3A, %dma_start3A_26] : memref<40x128xi32, #tpu.memory_space<vmem>> -> memref<1x128xi32, #tpu.memory_space<vmem>>
      %dma_start3A_28 = tpu.memref_squeeze %dma_start3A_27 : memref<1x128xi32, #tpu.memory_space<vmem>> -> memref<128xi32, #tpu.memory_space<vmem>>
      %dma_start3A_29 = arith.constant 0 : i32
      %dma_start3A_30 = arith.constant 0 : i32
      %dma_start3A_31 = tpu.memref_slice %arg2[%dma_start3A_29, %dma_start3A_30] : memref<10240x128xf32, #tpu.memory_space<hbm>> -> memref<10240x128xf32, #tpu.memory_space<hbm>>
      tpu.enqueue_indirect_dma source(%dma_start3A_31 : memref<10240x128xf32, #tpu.memory_space<hbm>>) target(%arg9 : memref<128x128xf32, #tpu.memory_space<vmem>>) offsets(%dma_start3A_28 : memref<128xi32, #tpu.memory_space<vmem>>) semaphore(%arg12 : memref<!tpu.dma_semaphore, #tpu.memory_space<semaphore_mem>>)
      %scan3A = arith.constant 0 : i32
      %scan3A_32 = arith.constant 0 : i32
      %scan3A_33 = arith.constant 20 : i32
      %scan3A_34 = arith.addi %scan3A_32, %scan3A_33 : i32
      %scan3A_35 = arith.constant 1 : i32
      scf.for %scan3A_37 = %scan3A_32 to %scan3A_34 step %scan3A_35  : i32 {
        %mul3A_38 = arith.constant 2 : i32
        %mul3A_39 = arith.muli %scan3A_37, %mul3A_38 : i32
        %add3A_40 = arith.constant 1 : i32
        %add3A_41 = arith.addi %mul3A_39, %add3A_40 : i32
        %dma_start3A_42 = arith.constant 0 : i32
        %dma_start3A_43 = tpu.memref_slice %arg7[%add3A_41, %dma_start3A_42] : memref<40x128xi32, #tpu.memory_space<vmem>> -> memref<1x128xi32, #tpu.memory_space<vmem>>
        %dma_start3A_44 = tpu.memref_squeeze %dma_start3A_43 : memref<1x128xi32, #tpu.memory_space<vmem>> -> memref<128xi32, #tpu.memory_space<vmem>>
        %dma_start3A_45 = arith.constant 0 : i32
        %dma_start3A_46 = arith.constant 0 : i32
        %dma_start3A_47 = tpu.memref_slice %arg2[%dma_start3A_45, %dma_start3A_46] : memref<10240x128xf32, #tpu.memory_space<hbm>> -> memref<10240x128xf32, #tpu.memory_space<hbm>>
        tpu.enqueue_indirect_dma source(%dma_start3A_47 : memref<10240x128xf32, #tpu.memory_space<hbm>>) target(%arg10 : memref<128x128xf32, #tpu.memory_space<vmem>>) offsets(%dma_start3A_44 : memref<128xi32, #tpu.memory_space<vmem>>) semaphore(%arg13 : memref<!tpu.dma_semaphore, #tpu.memory_space<semaphore_mem>>)
        %dma_wait3A = arith.constant 0 : i32
        %dma_wait3A_48 = tpu.memref_slice %arg7[%mul3A_39, %dma_wait3A] : memref<40x128xi32, #tpu.memory_space<vmem>> -> memref<1x128xi32, #tpu.memory_space<vmem>>
        %dma_wait3A_49 = tpu.memref_squeeze %dma_wait3A_48 : memref<1x128xi32, #tpu.memory_space<vmem>> -> memref<128xi32, #tpu.memory_space<vmem>>
        %dma_wait3A_50 = arith.constant 0 : i32
        %dma_wait3A_51 = arith.constant 0 : i32
        %dma_wait3A_52 = tpu.memref_slice %arg2[%dma_wait3A_50, %dma_wait3A_51] : memref<10240x128xf32, #tpu.memory_space<hbm>> -> memref<10240x128xf32, #tpu.memory_space<hbm>>
        tpu.wait_indirect_dma semaphore(%arg12 : memref<!tpu.dma_semaphore, #tpu.memory_space<semaphore_mem>>) src(%dma_wait3A_52 : memref<10240x128xf32, #tpu.memory_space<hbm>>) dst(%arg9 : memref<128x128xf32, #tpu.memory_space<vmem>>)
        "tpu.region"() ({
          %run_scoped3A = tpu.sem_alloc : memref<!tpu.dma_semaphore, #tpu.memory_space<semaphore_mem>>
          %dma_start3A_69 = arith.constant 0 : i32
          %dma_start3A_70 = tpu.memref_slice %arg8[%mul3A_39, %dma_start3A_69] : memref<40x128xi32, #tpu.memory_space<vmem>> -> memref<1x128xi32, #tpu.memory_space<vmem>>
          %dma_start3A_71 = tpu.memref_squeeze %dma_start3A_70 : memref<1x128xi32, #tpu.memory_space<vmem>> -> memref<128xi32, #tpu.memory_space<vmem>>
          %dma_start3A_72 = arith.constant 0 : i32
          %dma_start3A_73 = arith.constant 0 : i32
          %dma_start3A_74 = tpu.memref_slice %arg11[%dma_start3A_72, %dma_start3A_73] : memref<10240x128xf32, #tpu.memory_space<vmem_shared>> -> memref<10240x128xf32, #tpu.memory_space<vmem_shared>>
          tpu.enqueue_indirect_dma source(%arg9 : memref<128x128xf32, #tpu.memory_space<vmem>>) target(%dma_start3A_74 : memref<10240x128xf32, #tpu.memory_space<vmem_shared>>) offsets(%dma_start3A_71 : memref<128xi32, #tpu.memory_space<vmem>>) semaphore(%run_scoped3A : memref<!tpu.dma_semaphore, #tpu.memory_space<semaphore_mem>>) {add = true}
          %dma_wait3A_75 = arith.constant 0 : i32
          %dma_wait3A_76 = tpu.memref_slice %arg8[%mul3A_39, %dma_wait3A_75] : memref<40x128xi32, #tpu.memory_space<vmem>> -> memref<1x128xi32, #tpu.memory_space<vmem>>
          %dma_wait3A_77 = tpu.memref_squeeze %dma_wait3A_76 : memref<1x128xi32, #tpu.memory_space<vmem>> -> memref<128xi32, #tpu.memory_space<vmem>>
          %dma_wait3A_78 = arith.constant 0 : i32
          %dma_wait3A_79 = arith.constant 0 : i32
          %dma_wait3A_80 = tpu.memref_slice %arg11[%dma_wait3A_78, %dma_wait3A_79] : memref<10240x128xf32, #tpu.memory_space<vmem_shared>> -> memref<10240x128xf32, #tpu.memory_space<vmem_shared>>
          tpu.wait_indirect_dma semaphore(%run_scoped3A : memref<!tpu.dma_semaphore, #tpu.memory_space<semaphore_mem>>) src(%arg9 : memref<128x128xf32, #tpu.memory_space<vmem>>) dst(%dma_wait3A_80 : memref<10240x128xf32, #tpu.memory_space<vmem_shared>>)
          tpu.yield
        }) : () -> ()
        %add3A_53 = arith.constant 2 : i32
        %add3A_54 = arith.addi %mul3A_39, %add3A_53 : i32
        %lt3A = arith.constant 40 : i32
        %lt3A_55 = arith.cmpi slt, %add3A_54, %lt3A : i32
        %convert_element_type3A_56 = arith.extui %lt3A_55 : i1 to i32
        %cond3A_57 = arith.constant 0 : i32
        %cond3A_58 = arith.cmpi ne, %convert_element_type3A_56, %cond3A_57 : i32
        scf.if %cond3A_58 {
          %add3A_69 = arith.constant 2 : i32
          %add3A_70 = arith.addi %mul3A_39, %add3A_69 : i32
          %dma_start3A_71 = arith.constant 0 : i32
          %dma_start3A_72 = tpu.memref_slice %arg7[%add3A_70, %dma_start3A_71] : memref<40x128xi32, #tpu.memory_space<vmem>> -> memref<1x128xi32, #tpu.memory_space<vmem>>
          %dma_start3A_73 = tpu.memref_squeeze %dma_start3A_72 : memref<1x128xi32, #tpu.memory_space<vmem>> -> memref<128xi32, #tpu.memory_space<vmem>>
          %dma_start3A_74 = arith.constant 0 : i32
          %dma_start3A_75 = arith.constant 0 : i32
          %dma_start3A_76 = tpu.memref_slice %arg2[%dma_start3A_74, %dma_start3A_75] : memref<10240x128xf32, #tpu.memory_space<hbm>> -> memref<10240x128xf32, #tpu.memory_space<hbm>>
          tpu.enqueue_indirect_dma source(%dma_start3A_76 : memref<10240x128xf32, #tpu.memory_space<hbm>>) target(%arg9 : memref<128x128xf32, #tpu.memory_space<vmem>>) offsets(%dma_start3A_73 : memref<128xi32, #tpu.memory_space<vmem>>) semaphore(%arg12 : memref<!tpu.dma_semaphore, #tpu.memory_space<semaphore_mem>>)
        } else {
        }
        %add3A_59 = arith.constant 1 : i32
        %add3A_60 = arith.addi %mul3A_39, %add3A_59 : i32
        %dma_wait3A_61 = arith.constant 0 : i32
        %dma_wait3A_62 = tpu.memref_slice %arg7[%add3A_60, %dma_wait3A_61] : memref<40x128xi32, #tpu.memory_space<vmem>> -> memref<1x128xi32, #tpu.memory_space<vmem>>
        %dma_wait3A_63 = tpu.memref_squeeze %dma_wait3A_62 : memref<1x128xi32, #tpu.memory_space<vmem>> -> memref<128xi32, #tpu.memory_space<vmem>>
        %dma_wait3A_64 = arith.constant 0 : i32
        %dma_wait3A_65 = arith.constant 0 : i32
        %dma_wait3A_66 = tpu.memref_slice %arg2[%dma_wait3A_64, %dma_wait3A_65] : memref<10240x128xf32, #tpu.memory_space<hbm>> -> memref<10240x128xf32, #tpu.memory_space<hbm>>
        tpu.wait_indirect_dma semaphore(%arg13 : memref<!tpu.dma_semaphore, #tpu.memory_space<semaphore_mem>>) src(%dma_wait3A_66 : memref<10240x128xf32, #tpu.memory_space<hbm>>) dst(%arg10 : memref<128x128xf32, #tpu.memory_space<vmem>>)
        %add3A_67 = arith.constant 1 : i32
        %add3A_68 = arith.addi %mul3A_39, %add3A_67 : i32
        "tpu.region"() ({
          %run_scoped3A = tpu.sem_alloc : memref<!tpu.dma_semaphore, #tpu.memory_space<semaphore_mem>>
          %dma_start3A_69 = arith.constant 0 : i32
          %dma_start3A_70 = tpu.memref_slice %arg8[%add3A_68, %dma_start3A_69] : memref<40x128xi32, #tpu.memory_space<vmem>> -> memref<1x128xi32, #tpu.memory_space<vmem>>
          %dma_start3A_71 = tpu.memref_squeeze %dma_start3A_70 : memref<1x128xi32, #tpu.memory_space<vmem>> -> memref<128xi32, #tpu.memory_space<vmem>>
          %dma_start3A_72 = arith.constant 0 : i32
          %dma_start3A_73 = arith.constant 0 : i32
          %dma_start3A_74 = tpu.memref_slice %arg11[%dma_start3A_72, %dma_start3A_73] : memref<10240x128xf32, #tpu.memory_space<vmem_shared>> -> memref<10240x128xf32, #tpu.memory_space<vmem_shared>>
          tpu.enqueue_indirect_dma source(%arg10 : memref<128x128xf32, #tpu.memory_space<vmem>>) target(%dma_start3A_74 : memref<10240x128xf32, #tpu.memory_space<vmem_shared>>) offsets(%dma_start3A_71 : memref<128xi32, #tpu.memory_space<vmem>>) semaphore(%run_scoped3A : memref<!tpu.dma_semaphore, #tpu.memory_space<semaphore_mem>>) {add = true}
          %dma_wait3A_75 = arith.constant 0 : i32
          %dma_wait3A_76 = tpu.memref_slice %arg8[%add3A_68, %dma_wait3A_75] : memref<40x128xi32, #tpu.memory_space<vmem>> -> memref<1x128xi32, #tpu.memory_space<vmem>>
          %dma_wait3A_77 = tpu.memref_squeeze %dma_wait3A_76 : memref<1x128xi32, #tpu.memory_space<vmem>> -> memref<128xi32, #tpu.memory_space<vmem>>
          %dma_wait3A_78 = arith.constant 0 : i32
          %dma_wait3A_79 = arith.constant 0 : i32
          %dma_wait3A_80 = tpu.memref_slice %arg11[%dma_wait3A_78, %dma_wait3A_79] : memref<10240x128xf32, #tpu.memory_space<vmem_shared>> -> memref<10240x128xf32, #tpu.memory_space<vmem_shared>>
          tpu.wait_indirect_dma semaphore(%run_scoped3A : memref<!tpu.dma_semaphore, #tpu.memory_space<semaphore_mem>>) src(%arg10 : memref<128x128xf32, #tpu.memory_space<vmem>>) dst(%dma_wait3A_80 : memref<10240x128xf32, #tpu.memory_space<vmem_shared>>)
          tpu.yield
        }) : () -> ()
      }
      %scan3A_36 = arith.constant 20 : i32
    } else {
    }
    %gt3A_13 = arith.constant 40 : i32
    %gt3A_14 = arith.cmpi sgt, %select_n3A, %gt3A_13 : i32
    %convert_element_type3A_15 = arith.extui %gt3A_14 : i1 to i32
    %cond3A_16 = arith.constant 0 : i32
    %cond3A_17 = arith.cmpi ne, %convert_element_type3A_15, %cond3A_16 : i32
    scf.if %cond3A_17 {
      %add3A_24 = arith.constant 40 : i32
      %add3A_25 = arith.addi %select_n3A_10, %add3A_24 : i32
      "tpu.region"() ({
        %run_scoped3A = tpu.sem_alloc : memref<!tpu.dma_semaphore, #tpu.memory_space<semaphore_mem>>
        %dma_start3A_37 = arith.constant 0 : i32
        %dma_start3A_38 = tpu.memref_slice %arg3[%add3A_25, %dma_start3A_37] : memref<2560x128xi32, #tpu.memory_space<hbm>> -> memref<40x128xi32, #tpu.memory_space<hbm>>
        %dma_start3A_39 = arith.constant 0 : i32
        %dma_start3A_40 = tpu.memref_slice %arg3[%add3A_25, %dma_start3A_39] : memref<2560x128xi32, #tpu.memory_space<hbm>> -> memref<40x128xi32, #tpu.memory_space<hbm>>
        tpu.enqueue_dma source(%dma_start3A_40 : memref<40x128xi32, #tpu.memory_space<hbm>>) target(%arg7 : memref<40x128xi32, #tpu.memory_space<vmem>>) target_semaphore(%run_scoped3A : memref<!tpu.dma_semaphore, #tpu.memory_space<semaphore_mem>>)
        %dma_wait3A = arith.constant 0 : i32
        %dma_wait3A_41 = tpu.memref_slice %arg3[%add3A_25, %dma_wait3A] : memref<2560x128xi32, #tpu.memory_space<hbm>> -> memref<40x128xi32, #tpu.memory_space<hbm>>
        %dma_wait3A_42 = arith.constant 0 : i32
        %dma_wait3A_43 = tpu.memref_slice %arg3[%add3A_25, %dma_wait3A_42] : memref<2560x128xi32, #tpu.memory_space<hbm>> -> memref<40x128xi32, #tpu.memory_space<hbm>>
        tpu.wait_dma2 semaphore(%run_scoped3A : memref<!tpu.dma_semaphore, #tpu.memory_space<semaphore_mem>>) src(%dma_wait3A_43 : memref<40x128xi32, #tpu.memory_space<hbm>>) dst(%arg7 : memref<40x128xi32, #tpu.memory_space<vmem>>)
        tpu.yield
      }) : () -> ()
      "tpu.region"() ({
        %run_scoped3A = tpu.sem_alloc : memref<!tpu.dma_semaphore, #tpu.memory_space<semaphore_mem>>
        %dma_start3A_37 = arith.constant 0 : i32
        %dma_start3A_38 = tpu.memref_slice %arg4[%add3A_25, %dma_start3A_37] : memref<2560x128xi32, #tpu.memory_space<hbm>> -> memref<40x128xi32, #tpu.memory_space<hbm>>
        %dma_start3A_39 = arith.constant 0 : i32
        %dma_start3A_40 = tpu.memref_slice %arg4[%add3A_25, %dma_start3A_39] : memref<2560x128xi32, #tpu.memory_space<hbm>> -> memref<40x128xi32, #tpu.memory_space<hbm>>
        tpu.enqueue_dma source(%dma_start3A_40 : memref<40x128xi32, #tpu.memory_space<hbm>>) target(%arg8 : memref<40x128xi32, #tpu.memory_space<vmem>>) target_semaphore(%run_scoped3A : memref<!tpu.dma_semaphore, #tpu.memory_space<semaphore_mem>>)
        %dma_wait3A = arith.constant 0 : i32
        %dma_wait3A_41 = tpu.memref_slice %arg4[%add3A_25, %dma_wait3A] : memref<2560x128xi32, #tpu.memory_space<hbm>> -> memref<40x128xi32, #tpu.memory_space<hbm>>
        %dma_wait3A_42 = arith.constant 0 : i32
        %dma_wait3A_43 = tpu.memref_slice %arg4[%add3A_25, %dma_wait3A_42] : memref<2560x128xi32, #tpu.memory_space<hbm>> -> memref<40x128xi32, #tpu.memory_space<hbm>>
        tpu.wait_dma2 semaphore(%run_scoped3A : memref<!tpu.dma_semaphore, #tpu.memory_space<semaphore_mem>>) src(%dma_wait3A_43 : memref<40x128xi32, #tpu.memory_space<hbm>>) dst(%arg8 : memref<40x128xi32, #tpu.memory_space<vmem>>)
        tpu.yield
      }) : () -> ()
      %dma_start3A = arith.constant 0 : i32
      %dma_start3A_26 = arith.constant 0 : i32
      %dma_start3A_27 = tpu.memref_slice %arg7[%dma_start3A, %dma_start3A_26] : memref<40x128xi32, #tpu.memory_space<vmem>> -> memref<1x128xi32, #tpu.memory_space<vmem>>
      %dma_start3A_28 = tpu.memref_squeeze %dma_start3A_27 : memref<1x128xi32, #tpu.memory_space<vmem>> -> memref<128xi32, #tpu.memory_space<vmem>>
      %dma_start3A_29 = arith.constant 0 : i32
      %dma_start3A_30 = arith.constant 0 : i32
      %dma_start3A_31 = tpu.memref_slice %arg2[%dma_start3A_29, %dma_start3A_30] : memref<10240x128xf32, #tpu.memory_space<hbm>> -> memref<10240x128xf32, #tpu.memory_space<hbm>>
      tpu.enqueue_indirect_dma source(%dma_start3A_31 : memref<10240x128xf32, #tpu.memory_space<hbm>>) target(%arg9 : memref<128x128xf32, #tpu.memory_space<vmem>>) offsets(%dma_start3A_28 : memref<128xi32, #tpu.memory_space<vmem>>) semaphore(%arg12 : memref<!tpu.dma_semaphore, #tpu.memory_space<semaphore_mem>>)
      %scan3A = arith.constant 0 : i32
      %scan3A_32 = arith.constant 0 : i32
      %scan3A_33 = arith.constant 20 : i32
      %scan3A_34 = arith.addi %scan3A_32, %scan3A_33 : i32
      %scan3A_35 = arith.constant 1 : i32
      scf.for %scan3A_37 = %scan3A_32 to %scan3A_34 step %scan3A_35  : i32 {
        %mul3A_38 = arith.constant 2 : i32
        %mul3A_39 = arith.muli %scan3A_37, %mul3A_38 : i32
        %add3A_40 = arith.constant 1 : i32
        %add3A_41 = arith.addi %mul3A_39, %add3A_40 : i32
        %dma_start3A_42 = arith.constant 0 : i32
        %dma_start3A_43 = tpu.memref_slice %arg7[%add3A_41, %dma_start3A_42] : memref<40x128xi32, #tpu.memory_space<vmem>> -> memref<1x128xi32, #tpu.memory_space<vmem>>
        %dma_start3A_44 = tpu.memref_squeeze %dma_start3A_43 : memref<1x128xi32, #tpu.memory_space<vmem>> -> memref<128xi32, #tpu.memory_space<vmem>>
        %dma_start3A_45 = arith.constant 0 : i32
        %dma_start3A_46 = arith.constant 0 : i32
        %dma_start3A_47 = tpu.memref_slice %arg2[%dma_start3A_45, %dma_start3A_46] : memref<10240x128xf32, #tpu.memory_space<hbm>> -> memref<10240x128xf32, #tpu.memory_space<hbm>>
        tpu.enqueue_indirect_dma source(%dma_start3A_47 : memref<10240x128xf32, #tpu.memory_space<hbm>>) target(%arg10 : memref<128x128xf32, #tpu.memory_space<vmem>>) offsets(%dma_start3A_44 : memref<128xi32, #tpu.memory_space<vmem>>) semaphore(%arg13 : memref<!tpu.dma_semaphore, #tpu.memory_space<semaphore_mem>>)
        %dma_wait3A = arith.constant 0 : i32
        %dma_wait3A_48 = tpu.memref_slice %arg7[%mul3A_39, %dma_wait3A] : memref<40x128xi32, #tpu.memory_space<vmem>> -> memref<1x128xi32, #tpu.memory_space<vmem>>
        %dma_wait3A_49 = tpu.memref_squeeze %dma_wait3A_48 : memref<1x128xi32, #tpu.memory_space<vmem>> -> memref<128xi32, #tpu.memory_space<vmem>>
        %dma_wait3A_50 = arith.constant 0 : i32
        %dma_wait3A_51 = arith.constant 0 : i32
        %dma_wait3A_52 = tpu.memref_slice %arg2[%dma_wait3A_50, %dma_wait3A_51] : memref<10240x128xf32, #tpu.memory_space<hbm>> -> memref<10240x128xf32, #tpu.memory_space<hbm>>
        tpu.wait_indirect_dma semaphore(%arg12 : memref<!tpu.dma_semaphore, #tpu.memory_space<semaphore_mem>>) src(%dma_wait3A_52 : memref<10240x128xf32, #tpu.memory_space<hbm>>) dst(%arg9 : memref<128x128xf32, #tpu.memory_space<vmem>>)
        "tpu.region"() ({
          %run_scoped3A = tpu.sem_alloc : memref<!tpu.dma_semaphore, #tpu.memory_space<semaphore_mem>>
          %dma_start3A_69 = arith.constant 0 : i32
          %dma_start3A_70 = tpu.memref_slice %arg8[%mul3A_39, %dma_start3A_69] : memref<40x128xi32, #tpu.memory_space<vmem>> -> memref<1x128xi32, #tpu.memory_space<vmem>>
          %dma_start3A_71 = tpu.memref_squeeze %dma_start3A_70 : memref<1x128xi32, #tpu.memory_space<vmem>> -> memref<128xi32, #tpu.memory_space<vmem>>
          %dma_start3A_72 = arith.constant 0 : i32
          %dma_start3A_73 = arith.constant 0 : i32
          %dma_start3A_74 = tpu.memref_slice %arg11[%dma_start3A_72, %dma_start3A_73] : memref<10240x128xf32, #tpu.memory_space<vmem_shared>> -> memref<10240x128xf32, #tpu.memory_space<vmem_shared>>
          tpu.enqueue_indirect_dma source(%arg9 : memref<128x128xf32, #tpu.memory_space<vmem>>) target(%dma_start3A_74 : memref<10240x128xf32, #tpu.memory_space<vmem_shared>>) offsets(%dma_start3A_71 : memref<128xi32, #tpu.memory_space<vmem>>) semaphore(%run_scoped3A : memref<!tpu.dma_semaphore, #tpu.memory_space<semaphore_mem>>) {add = true}
          %dma_wait3A_75 = arith.constant 0 : i32
          %dma_wait3A_76 = tpu.memref_slice %arg8[%mul3A_39, %dma_wait3A_75] : memref<40x128xi32, #tpu.memory_space<vmem>> -> memref<1x128xi32, #tpu.memory_space<vmem>>
          %dma_wait3A_77 = tpu.memref_squeeze %dma_wait3A_76 : memref<1x128xi32, #tpu.memory_space<vmem>> -> memref<128xi32, #tpu.memory_space<vmem>>
          %dma_wait3A_78 = arith.constant 0 : i32
          %dma_wait3A_79 = arith.constant 0 : i32
          %dma_wait3A_80 = tpu.memref_slice %arg11[%dma_wait3A_78, %dma_wait3A_79] : memref<10240x128xf32, #tpu.memory_space<vmem_shared>> -> memref<10240x128xf32, #tpu.memory_space<vmem_shared>>
          tpu.wait_indirect_dma semaphore(%run_scoped3A : memref<!tpu.dma_semaphore, #tpu.memory_space<semaphore_mem>>) src(%arg9 : memref<128x128xf32, #tpu.memory_space<vmem>>) dst(%dma_wait3A_80 : memref<10240x128xf32, #tpu.memory_space<vmem_shared>>)
          tpu.yield
        }) : () -> ()
        %add3A_53 = arith.constant 2 : i32
        %add3A_54 = arith.addi %mul3A_39, %add3A_53 : i32
        %lt3A = arith.constant 40 : i32
        %lt3A_55 = arith.cmpi slt, %add3A_54, %lt3A : i32
        %convert_element_type3A_56 = arith.extui %lt3A_55 : i1 to i32
        %cond3A_57 = arith.constant 0 : i32
        %cond3A_58 = arith.cmpi ne, %convert_element_type3A_56, %cond3A_57 : i32
        scf.if %cond3A_58 {
          %add3A_69 = arith.constant 2 : i32
          %add3A_70 = arith.addi %mul3A_39, %add3A_69 : i32
          %dma_start3A_71 = arith.constant 0 : i32
          %dma_start3A_72 = tpu.memref_slice %arg7[%add3A_70, %dma_start3A_71] : memref<40x128xi32, #tpu.memory_space<vmem>> -> memref<1x128xi32, #tpu.memory_space<vmem>>
          %dma_start3A_73 = tpu.memref_squeeze %dma_start3A_72 : memref<1x128xi32, #tpu.memory_space<vmem>> -> memref<128xi32, #tpu.memory_space<vmem>>
          %dma_start3A_74 = arith.constant 0 : i32
          %dma_start3A_75 = arith.constant 0 : i32
          %dma_start3A_76 = tpu.memref_slice %arg2[%dma_start3A_74, %dma_start3A_75] : memref<10240x128xf32, #tpu.memory_space<hbm>> -> memref<10240x128xf32, #tpu.memory_space<hbm>>
          tpu.enqueue_indirect_dma source(%dma_start3A_76 : memref<10240x128xf32, #tpu.memory_space<hbm>>) target(%arg9 : memref<128x128xf32, #tpu.memory_space<vmem>>) offsets(%dma_start3A_73 : memref<128xi32, #tpu.memory_space<vmem>>) semaphore(%arg12 : memref<!tpu.dma_semaphore, #tpu.memory_space<semaphore_mem>>)
        } else {
        }
        %add3A_59 = arith.constant 1 : i32
        %add3A_60 = arith.addi %mul3A_39, %add3A_59 : i32
        %dma_wait3A_61 = arith.constant 0 : i32
        %dma_wait3A_62 = tpu.memref_slice %arg7[%add3A_60, %dma_wait3A_61] : memref<40x128xi32, #tpu.memory_space<vmem>> -> memref<1x128xi32, #tpu.memory_space<vmem>>
        %dma_wait3A_63 = tpu.memref_squeeze %dma_wait3A_62 : memref<1x128xi32, #tpu.memory_space<vmem>> -> memref<128xi32, #tpu.memory_space<vmem>>
        %dma_wait3A_64 = arith.constant 0 : i32
        %dma_wait3A_65 = arith.constant 0 : i32
        %dma_wait3A_66 = tpu.memref_slice %arg2[%dma_wait3A_64, %dma_wait3A_65] : memref<10240x128xf32, #tpu.memory_space<hbm>> -> memref<10240x128xf32, #tpu.memory_space<hbm>>
        tpu.wait_indirect_dma semaphore(%arg13 : memref<!tpu.dma_semaphore, #tpu.memory_space<semaphore_mem>>) src(%dma_wait3A_66 : memref<10240x128xf32, #tpu.memory_space<hbm>>) dst(%arg10 : memref<128x128xf32, #tpu.memory_space<vmem>>)
        %add3A_67 = arith.constant 1 : i32
        %add3A_68 = arith.addi %mul3A_39, %add3A_67 : i32
        "tpu.region"() ({
          %run_scoped3A = tpu.sem_alloc : memref<!tpu.dma_semaphore, #tpu.memory_space<semaphore_mem>>
          %dma_start3A_69 = arith.constant 0 : i32
          %dma_start3A_70 = tpu.memref_slice %arg8[%add3A_68, %dma_start3A_69] : memref<40x128xi32, #tpu.memory_space<vmem>> -> memref<1x128xi32, #tpu.memory_space<vmem>>
          %dma_start3A_71 = tpu.memref_squeeze %dma_start3A_70 : memref<1x128xi32, #tpu.memory_space<vmem>> -> memref<128xi32, #tpu.memory_space<vmem>>
          %dma_start3A_72 = arith.constant 0 : i32
          %dma_start3A_73 = arith.constant 0 : i32
          %dma_start3A_74 = tpu.memref_slice %arg11[%dma_start3A_72, %dma_start3A_73] : memref<10240x128xf32, #tpu.memory_space<vmem_shared>> -> memref<10240x128xf32, #tpu.memory_space<vmem_shared>>
          tpu.enqueue_indirect_dma source(%arg10 : memref<128x128xf32, #tpu.memory_space<vmem>>) target(%dma_start3A_74 : memref<10240x128xf32, #tpu.memory_space<vmem_shared>>) offsets(%dma_start3A_71 : memref<128xi32, #tpu.memory_space<vmem>>) semaphore(%run_scoped3A : memref<!tpu.dma_semaphore, #tpu.memory_space<semaphore_mem>>) {add = true}
          %dma_wait3A_75 = arith.constant 0 : i32
          %dma_wait3A_76 = tpu.memref_slice %arg8[%add3A_68, %dma_wait3A_75] : memref<40x128xi32, #tpu.memory_space<vmem>> -> memref<1x128xi32, #tpu.memory_space<vmem>>
          %dma_wait3A_77 = tpu.memref_squeeze %dma_wait3A_76 : memref<1x128xi32, #tpu.memory_space<vmem>> -> memref<128xi32, #tpu.memory_space<vmem>>
          %dma_wait3A_78 = arith.constant 0 : i32
          %dma_wait3A_79 = arith.constant 0 : i32
          %dma_wait3A_80 = tpu.memref_slice %arg11[%dma_wait3A_78, %dma_wait3A_79] : memref<10240x128xf32, #tpu.memory_space<vmem_shared>> -> memref<10240x128xf32, #tpu.memory_space<vmem_shared>>
          tpu.wait_indirect_dma semaphore(%run_scoped3A : memref<!tpu.dma_semaphore, #tpu.memory_space<semaphore_mem>>) src(%arg10 : memref<128x128xf32, #tpu.memory_space<vmem>>) dst(%dma_wait3A_80 : memref<10240x128xf32, #tpu.memory_space<vmem_shared>>)
          tpu.yield
        }) : () -> ()
      }
      %scan3A_36 = arith.constant 20 : i32
    } else {
    }
    %gt3A_18 = arith.constant 80 : i32
    %gt3A_19 = arith.cmpi sgt, %select_n3A, %gt3A_18 : i32
    %convert_element_type3A_20 = arith.extui %gt3A_19 : i1 to i32
    %cond3A_21 = arith.constant 0 : i32
    %cond3A_22 = arith.cmpi ne, %convert_element_type3A_20, %cond3A_21 : i32
    scf.if %cond3A_22 {
      %add3A_24 = arith.constant 80 : i32
      %add3A_25 = arith.addi %select_n3A_10, %add3A_24 : i32
      "tpu.region"() ({
        %run_scoped3A = tpu.sem_alloc : memref<!tpu.dma_semaphore, #tpu.memory_space<semaphore_mem>>
        %dma_start3A_37 = arith.constant 0 : i32
        %dma_start3A_38 = tpu.memref_slice %arg3[%add3A_25, %dma_start3A_37] : memref<2560x128xi32, #tpu.memory_space<hbm>> -> memref<40x128xi32, #tpu.memory_space<hbm>>
        %dma_start3A_39 = arith.constant 0 : i32
        %dma_start3A_40 = tpu.memref_slice %arg3[%add3A_25, %dma_start3A_39] : memref<2560x128xi32, #tpu.memory_space<hbm>> -> memref<40x128xi32, #tpu.memory_space<hbm>>
        tpu.enqueue_dma source(%dma_start3A_40 : memref<40x128xi32, #tpu.memory_space<hbm>>) target(%arg7 : memref<40x128xi32, #tpu.memory_space<vmem>>) target_semaphore(%run_scoped3A : memref<!tpu.dma_semaphore, #tpu.memory_space<semaphore_mem>>)
        %dma_wait3A = arith.constant 0 : i32
        %dma_wait3A_41 = tpu.memref_slice %arg3[%add3A_25, %dma_wait3A] : memref<2560x128xi32, #tpu.memory_space<hbm>> -> memref<40x128xi32, #tpu.memory_space<hbm>>
        %dma_wait3A_42 = arith.constant 0 : i32
        %dma_wait3A_43 = tpu.memref_slice %arg3[%add3A_25, %dma_wait3A_42] : memref<2560x128xi32, #tpu.memory_space<hbm>> -> memref<40x128xi32, #tpu.memory_space<hbm>>
        tpu.wait_dma2 semaphore(%run_scoped3A : memref<!tpu.dma_semaphore, #tpu.memory_space<semaphore_mem>>) src(%dma_wait3A_43 : memref<40x128xi32, #tpu.memory_space<hbm>>) dst(%arg7 : memref<40x128xi32, #tpu.memory_space<vmem>>)
        tpu.yield
      }) : () -> ()
      "tpu.region"() ({
        %run_scoped3A = tpu.sem_alloc : memref<!tpu.dma_semaphore, #tpu.memory_space<semaphore_mem>>
        %dma_start3A_37 = arith.constant 0 : i32
        %dma_start3A_38 = tpu.memref_slice %arg4[%add3A_25, %dma_start3A_37] : memref<2560x128xi32, #tpu.memory_space<hbm>> -> memref<40x128xi32, #tpu.memory_space<hbm>>
        %dma_start3A_39 = arith.constant 0 : i32
        %dma_start3A_40 = tpu.memref_slice %arg4[%add3A_25, %dma_start3A_39] : memref<2560x128xi32, #tpu.memory_space<hbm>> -> memref<40x128xi32, #tpu.memory_space<hbm>>
        tpu.enqueue_dma source(%dma_start3A_40 : memref<40x128xi32, #tpu.memory_space<hbm>>) target(%arg8 : memref<40x128xi32, #tpu.memory_space<vmem>>) target_semaphore(%run_scoped3A : memref<!tpu.dma_semaphore, #tpu.memory_space<semaphore_mem>>)
        %dma_wait3A = arith.constant 0 : i32
        %dma_wait3A_41 = tpu.memref_slice %arg4[%add3A_25, %dma_wait3A] : memref<2560x128xi32, #tpu.memory_space<hbm>> -> memref<40x128xi32, #tpu.memory_space<hbm>>
        %dma_wait3A_42 = arith.constant 0 : i32
        %dma_wait3A_43 = tpu.memref_slice %arg4[%add3A_25, %dma_wait3A_42] : memref<2560x128xi32, #tpu.memory_space<hbm>> -> memref<40x128xi32, #tpu.memory_space<hbm>>
        tpu.wait_dma2 semaphore(%run_scoped3A : memref<!tpu.dma_semaphore, #tpu.memory_space<semaphore_mem>>) src(%dma_wait3A_43 : memref<40x128xi32, #tpu.memory_space<hbm>>) dst(%arg8 : memref<40x128xi32, #tpu.memory_space<vmem>>)
        tpu.yield
      }) : () -> ()
      %dma_start3A = arith.constant 0 : i32
      %dma_start3A_26 = arith.constant 0 : i32
      %dma_start3A_27 = tpu.memref_slice %arg7[%dma_start3A, %dma_start3A_26] : memref<40x128xi32, #tpu.memory_space<vmem>> -> memref<1x128xi32, #tpu.memory_space<vmem>>
      %dma_start3A_28 = tpu.memref_squeeze %dma_start3A_27 : memref<1x128xi32, #tpu.memory_space<vmem>> -> memref<128xi32, #tpu.memory_space<vmem>>
      %dma_start3A_29 = arith.constant 0 : i32
      %dma_start3A_30 = arith.constant 0 : i32
      %dma_start3A_31 = tpu.memref_slice %arg2[%dma_start3A_29, %dma_start3A_30] : memref<10240x128xf32, #tpu.memory_space<hbm>> -> memref<10240x128xf32, #tpu.memory_space<hbm>>
      tpu.enqueue_indirect_dma source(%dma_start3A_31 : memref<10240x128xf32, #tpu.memory_space<hbm>>) target(%arg9 : memref<128x128xf32, #tpu.memory_space<vmem>>) offsets(%dma_start3A_28 : memref<128xi32, #tpu.memory_space<vmem>>) semaphore(%arg12 : memref<!tpu.dma_semaphore, #tpu.memory_space<semaphore_mem>>)
      %scan3A = arith.constant 0 : i32
      %scan3A_32 = arith.constant 0 : i32
      %scan3A_33 = arith.constant 20 : i32
      %scan3A_34 = arith.addi %scan3A_32, %scan3A_33 : i32
      %scan3A_35 = arith.constant 1 : i32
      scf.for %scan3A_37 = %scan3A_32 to %scan3A_34 step %scan3A_35  : i32 {
        %mul3A_38 = arith.constant 2 : i32
        %mul3A_39 = arith.muli %scan3A_37, %mul3A_38 : i32
        %add3A_40 = arith.constant 1 : i32
        %add3A_41 = arith.addi %mul3A_39, %add3A_40 : i32
        %dma_start3A_42 = arith.constant 0 : i32
        %dma_start3A_43 = tpu.memref_slice %arg7[%add3A_41, %dma_start3A_42] : memref<40x128xi32, #tpu.memory_space<vmem>> -> memref<1x128xi32, #tpu.memory_space<vmem>>
        %dma_start3A_44 = tpu.memref_squeeze %dma_start3A_43 : memref<1x128xi32, #tpu.memory_space<vmem>> -> memref<128xi32, #tpu.memory_space<vmem>>
        %dma_start3A_45 = arith.constant 0 : i32
        %dma_start3A_46 = arith.constant 0 : i32
        %dma_start3A_47 = tpu.memref_slice %arg2[%dma_start3A_45, %dma_start3A_46] : memref<10240x128xf32, #tpu.memory_space<hbm>> -> memref<10240x128xf32, #tpu.memory_space<hbm>>
        tpu.enqueue_indirect_dma source(%dma_start3A_47 : memref<10240x128xf32, #tpu.memory_space<hbm>>) target(%arg10 : memref<128x128xf32, #tpu.memory_space<vmem>>) offsets(%dma_start3A_44 : memref<128xi32, #tpu.memory_space<vmem>>) semaphore(%arg13 : memref<!tpu.dma_semaphore, #tpu.memory_space<semaphore_mem>>)
        %dma_wait3A = arith.constant 0 : i32
        %dma_wait3A_48 = tpu.memref_slice %arg7[%mul3A_39, %dma_wait3A] : memref<40x128xi32, #tpu.memory_space<vmem>> -> memref<1x128xi32, #tpu.memory_space<vmem>>
        %dma_wait3A_49 = tpu.memref_squeeze %dma_wait3A_48 : memref<1x128xi32, #tpu.memory_space<vmem>> -> memref<128xi32, #tpu.memory_space<vmem>>
        %dma_wait3A_50 = arith.constant 0 : i32
        %dma_wait3A_51 = arith.constant 0 : i32
        %dma_wait3A_52 = tpu.memref_slice %arg2[%dma_wait3A_50, %dma_wait3A_51] : memref<10240x128xf32, #tpu.memory_space<hbm>> -> memref<10240x128xf32, #tpu.memory_space<hbm>>
        tpu.wait_indirect_dma semaphore(%arg12 : memref<!tpu.dma_semaphore, #tpu.memory_space<semaphore_mem>>) src(%dma_wait3A_52 : memref<10240x128xf32, #tpu.memory_space<hbm>>) dst(%arg9 : memref<128x128xf32, #tpu.memory_space<vmem>>)
        "tpu.region"() ({
          %run_scoped3A = tpu.sem_alloc : memref<!tpu.dma_semaphore, #tpu.memory_space<semaphore_mem>>
          %dma_start3A_69 = arith.constant 0 : i32
          %dma_start3A_70 = tpu.memref_slice %arg8[%mul3A_39, %dma_start3A_69] : memref<40x128xi32, #tpu.memory_space<vmem>> -> memref<1x128xi32, #tpu.memory_space<vmem>>
          %dma_start3A_71 = tpu.memref_squeeze %dma_start3A_70 : memref<1x128xi32, #tpu.memory_space<vmem>> -> memref<128xi32, #tpu.memory_space<vmem>>
          %dma_start3A_72 = arith.constant 0 : i32
          %dma_start3A_73 = arith.constant 0 : i32
          %dma_start3A_74 = tpu.memref_slice %arg11[%dma_start3A_72, %dma_start3A_73] : memref<10240x128xf32, #tpu.memory_space<vmem_shared>> -> memref<10240x128xf32, #tpu.memory_space<vmem_shared>>
          tpu.enqueue_indirect_dma source(%arg9 : memref<128x128xf32, #tpu.memory_space<vmem>>) target(%dma_start3A_74 : memref<10240x128xf32, #tpu.memory_space<vmem_shared>>) offsets(%dma_start3A_71 : memref<128xi32, #tpu.memory_space<vmem>>) semaphore(%run_scoped3A : memref<!tpu.dma_semaphore, #tpu.memory_space<semaphore_mem>>) {add = true}
          %dma_wait3A_75 = arith.constant 0 : i32
          %dma_wait3A_76 = tpu.memref_slice %arg8[%mul3A_39, %dma_wait3A_75] : memref<40x128xi32, #tpu.memory_space<vmem>> -> memref<1x128xi32, #tpu.memory_space<vmem>>
          %dma_wait3A_77 = tpu.memref_squeeze %dma_wait3A_76 : memref<1x128xi32, #tpu.memory_space<vmem>> -> memref<128xi32, #tpu.memory_space<vmem>>
          %dma_wait3A_78 = arith.constant 0 : i32
          %dma_wait3A_79 = arith.constant 0 : i32
          %dma_wait3A_80 = tpu.memref_slice %arg11[%dma_wait3A_78, %dma_wait3A_79] : memref<10240x128xf32, #tpu.memory_space<vmem_shared>> -> memref<10240x128xf32, #tpu.memory_space<vmem_shared>>
          tpu.wait_indirect_dma semaphore(%run_scoped3A : memref<!tpu.dma_semaphore, #tpu.memory_space<semaphore_mem>>) src(%arg9 : memref<128x128xf32, #tpu.memory_space<vmem>>) dst(%dma_wait3A_80 : memref<10240x128xf32, #tpu.memory_space<vmem_shared>>)
          tpu.yield
        }) : () -> ()
        %add3A_53 = arith.constant 2 : i32
        %add3A_54 = arith.addi %mul3A_39, %add3A_53 : i32
        %lt3A = arith.constant 40 : i32
        %lt3A_55 = arith.cmpi slt, %add3A_54, %lt3A : i32
        %convert_element_type3A_56 = arith.extui %lt3A_55 : i1 to i32
        %cond3A_57 = arith.constant 0 : i32
        %cond3A_58 = arith.cmpi ne, %convert_element_type3A_56, %cond3A_57 : i32
        scf.if %cond3A_58 {
          %add3A_69 = arith.constant 2 : i32
          %add3A_70 = arith.addi %mul3A_39, %add3A_69 : i32
          %dma_start3A_71 = arith.constant 0 : i32
          %dma_start3A_72 = tpu.memref_slice %arg7[%add3A_70, %dma_start3A_71] : memref<40x128xi32, #tpu.memory_space<vmem>> -> memref<1x128xi32, #tpu.memory_space<vmem>>
          %dma_start3A_73 = tpu.memref_squeeze %dma_start3A_72 : memref<1x128xi32, #tpu.memory_space<vmem>> -> memref<128xi32, #tpu.memory_space<vmem>>
          %dma_start3A_74 = arith.constant 0 : i32
          %dma_start3A_75 = arith.constant 0 : i32
          %dma_start3A_76 = tpu.memref_slice %arg2[%dma_start3A_74, %dma_start3A_75] : memref<10240x128xf32, #tpu.memory_space<hbm>> -> memref<10240x128xf32, #tpu.memory_space<hbm>>
          tpu.enqueue_indirect_dma source(%dma_start3A_76 : memref<10240x128xf32, #tpu.memory_space<hbm>>) target(%arg9 : memref<128x128xf32, #tpu.memory_space<vmem>>) offsets(%dma_start3A_73 : memref<128xi32, #tpu.memory_space<vmem>>) semaphore(%arg12 : memref<!tpu.dma_semaphore, #tpu.memory_space<semaphore_mem>>)
        } else {
        }
        %add3A_59 = arith.constant 1 : i32
        %add3A_60 = arith.addi %mul3A_39, %add3A_59 : i32
        %dma_wait3A_61 = arith.constant 0 : i32
        %dma_wait3A_62 = tpu.memref_slice %arg7[%add3A_60, %dma_wait3A_61] : memref<40x128xi32, #tpu.memory_space<vmem>> -> memref<1x128xi32, #tpu.memory_space<vmem>>
        %dma_wait3A_63 = tpu.memref_squeeze %dma_wait3A_62 : memref<1x128xi32, #tpu.memory_space<vmem>> -> memref<128xi32, #tpu.memory_space<vmem>>
        %dma_wait3A_64 = arith.constant 0 : i32
        %dma_wait3A_65 = arith.constant 0 : i32
        %dma_wait3A_66 = tpu.memref_slice %arg2[%dma_wait3A_64, %dma_wait3A_65] : memref<10240x128xf32, #tpu.memory_space<hbm>> -> memref<10240x128xf32, #tpu.memory_space<hbm>>
        tpu.wait_indirect_dma semaphore(%arg13 : memref<!tpu.dma_semaphore, #tpu.memory_space<semaphore_mem>>) src(%dma_wait3A_66 : memref<10240x128xf32, #tpu.memory_space<hbm>>) dst(%arg10 : memref<128x128xf32, #tpu.memory_space<vmem>>)
        %add3A_67 = arith.constant 1 : i32
        %add3A_68 = arith.addi %mul3A_39, %add3A_67 : i32
        "tpu.region"() ({
          %run_scoped3A = tpu.sem_alloc : memref<!tpu.dma_semaphore, #tpu.memory_space<semaphore_mem>>
          %dma_start3A_69 = arith.constant 0 : i32
          %dma_start3A_70 = tpu.memref_slice %arg8[%add3A_68, %dma_start3A_69] : memref<40x128xi32, #tpu.memory_space<vmem>> -> memref<1x128xi32, #tpu.memory_space<vmem>>
          %dma_start3A_71 = tpu.memref_squeeze %dma_start3A_70 : memref<1x128xi32, #tpu.memory_space<vmem>> -> memref<128xi32, #tpu.memory_space<vmem>>
          %dma_start3A_72 = arith.constant 0 : i32
          %dma_start3A_73 = arith.constant 0 : i32
          %dma_start3A_74 = tpu.memref_slice %arg11[%dma_start3A_72, %dma_start3A_73] : memref<10240x128xf32, #tpu.memory_space<vmem_shared>> -> memref<10240x128xf32, #tpu.memory_space<vmem_shared>>
          tpu.enqueue_indirect_dma source(%arg10 : memref<128x128xf32, #tpu.memory_space<vmem>>) target(%dma_start3A_74 : memref<10240x128xf32, #tpu.memory_space<vmem_shared>>) offsets(%dma_start3A_71 : memref<128xi32, #tpu.memory_space<vmem>>) semaphore(%run_scoped3A : memref<!tpu.dma_semaphore, #tpu.memory_space<semaphore_mem>>) {add = true}
          %dma_wait3A_75 = arith.constant 0 : i32
          %dma_wait3A_76 = tpu.memref_slice %arg8[%add3A_68, %dma_wait3A_75] : memref<40x128xi32, #tpu.memory_space<vmem>> -> memref<1x128xi32, #tpu.memory_space<vmem>>
          %dma_wait3A_77 = tpu.memref_squeeze %dma_wait3A_76 : memref<1x128xi32, #tpu.memory_space<vmem>> -> memref<128xi32, #tpu.memory_space<vmem>>
          %dma_wait3A_78 = arith.constant 0 : i32
          %dma_wait3A_79 = arith.constant 0 : i32
          %dma_wait3A_80 = tpu.memref_slice %arg11[%dma_wait3A_78, %dma_wait3A_79] : memref<10240x128xf32, #tpu.memory_space<vmem_shared>> -> memref<10240x128xf32, #tpu.memory_space<vmem_shared>>
          tpu.wait_indirect_dma semaphore(%run_scoped3A : memref<!tpu.dma_semaphore, #tpu.memory_space<semaphore_mem>>) src(%arg10 : memref<128x128xf32, #tpu.memory_space<vmem>>) dst(%dma_wait3A_80 : memref<10240x128xf32, #tpu.memory_space<vmem_shared>>)
          tpu.yield
        }) : () -> ()
      }
      %scan3A_36 = arith.constant 20 : i32
    } else {
    }
    %barrier3A_23 = arith.constant 0 : index
    tpu.barrier barrier_id(%barrier3A_23)
    "tpu.region"() ({
      %run_scoped3A = tpu.sem_alloc : memref<!tpu.dma_semaphore, #tpu.memory_space<semaphore_mem>>
      %dma_start3A = arith.constant 0 : i32
      %dma_start3A_24 = tpu.memref_slice %arg6[%arg0, %mul3A_0, %dma_start3A] : memref<2x10240x128xf32, #tpu.memory_space<hbm>> -> memref<1x640x128xf32, #tpu.memory_space<hbm>>
      %dma_start3A_25 = tpu.memref_squeeze %dma_start3A_24 : memref<1x640x128xf32, #tpu.memory_space<hbm>> -> memref<640x128xf32, #tpu.memory_space<hbm>>
      %dma_start3A_26 = arith.constant 0 : i32
      %dma_start3A_27 = tpu.memref_slice %arg11[%mul3A_0, %dma_start3A_26] : memref<10240x128xf32, #tpu.memory_space<vmem_shared>> -> memref<640x128xf32, #tpu.memory_space<vmem_shared>>
      tpu.enqueue_dma source(%dma_start3A_27 : memref<640x128xf32, #tpu.memory_space<vmem_shared>>) target(%dma_start3A_25 : memref<640x128xf32, #tpu.memory_space<hbm>>) target_semaphore(%run_scoped3A : memref<!tpu.dma_semaphore, #tpu.memory_space<semaphore_mem>>)
      %dma_wait3A = arith.constant 0 : i32
      %dma_wait3A_28 = tpu.memref_slice %arg6[%arg0, %mul3A_0, %dma_wait3A] : memref<2x10240x128xf32, #tpu.memory_space<hbm>> -> memref<1x640x128xf32, #tpu.memory_space<hbm>>
      %dma_wait3A_29 = tpu.memref_squeeze %dma_wait3A_28 : memref<1x640x128xf32, #tpu.memory_space<hbm>> -> memref<640x128xf32, #tpu.memory_space<hbm>>
      %dma_wait3A_30 = arith.constant 0 : i32
      %dma_wait3A_31 = tpu.memref_slice %arg11[%mul3A_0, %dma_wait3A_30] : memref<10240x128xf32, #tpu.memory_space<vmem_shared>> -> memref<640x128xf32, #tpu.memory_space<vmem_shared>>
      tpu.wait_dma2 semaphore(%run_scoped3A : memref<!tpu.dma_semaphore, #tpu.memory_space<semaphore_mem>>) src(%dma_wait3A_31 : memref<640x128xf32, #tpu.memory_space<vmem_shared>>) dst(%dma_wait3A_29 : memref<640x128xf32, #tpu.memory_space<hbm>>)
      tpu.yield
    }) : () -> ()
    return
  }
}

#map = affine_map<(d0, d1) -> (0, 0)>
#map1 = affine_map<(d0, d1) -> (0, 0, 0)>
module attributes {stable_mosaic.version = 14 : i64} {
  func.func @_scatter_body(%arg0: i32, %arg1: i32, %arg2: memref<10240x128xf32, #tpu.memory_space<hbm>>, %arg3: memref<2560x128xi32, #tpu.memory_space<hbm>>, %arg4: memref<2560x128xi32, #tpu.memory_space<hbm>>, %arg5: memref<10240x128xf32, #tpu.memory_space<hbm>>, %arg6: memref<2x10240x128xf32, #tpu.memory_space<hbm>>, %arg7: memref<40x128xi32, #tpu.memory_space<vmem>>, %arg8: memref<40x128xi32, #tpu.memory_space<vmem>>, %arg9: memref<128x128xf32, #tpu.memory_space<vmem>>, %arg10: memref<128x128xf32, #tpu.memory_space<vmem>>, %arg11: memref<10240x128xf32, #tpu.memory_space<vmem_shared>>, %arg12: memref<!tpu.dma_semaphore, #tpu.memory_space<semaphore_mem>>, %arg13: memref<!tpu.dma_semaphore, #tpu.memory_space<semaphore_mem>>) attributes {dimension_semantics = [#tpu.dimension_semantics<core_parallel>, #tpu.dimension_semantics<subcore_parallel>], iteration_bounds = array<i64: 2, 16>, scalar_prefetch = 0 : i64, scratch_operands = 7 : i64, tpu.core_type = #tpu.core_type<sc_vector_subcore>, window_params = [{transform_indices = #map}, {transform_indices = #map}, {transform_indices = #map}, {transform_indices = #map}, {transform_indices = #map1}]} {
    %mul3A = arith.constant 640 : i32
    %mul3A_0 = arith.muli %arg1, %mul3A : i32
    "tpu.region"() ({
      %run_scoped3A = tpu.sem_alloc : memref<!tpu.dma_semaphore, #tpu.memory_space<semaphore_mem>>
      %dma_start3A = arith.constant 0 : i32
      %dma_start3A_24 = tpu.memref_slice %arg11[%mul3A_0, %dma_start3A] : memref<10240x128xf32, #tpu.memory_space<vmem_shared>> -> memref<640x128xf32, #tpu.memory_space<vmem_shared>>
      %dma_start3A_25 = arith.constant 0 : i32
      %dma_start3A_26 = tpu.memref_slice %arg5[%mul3A_0, %dma_start3A_25] : memref<10240x128xf32, #tpu.memory_space<hbm>> -> memref<640x128xf32, #tpu.memory_space<hbm>>
      tpu.enqueue_dma source(%dma_start3A_26 : memref<640x128xf32, #tpu.memory_space<hbm>>) target(%dma_start3A_24 : memref<640x128xf32, #tpu.memory_space<vmem_shared>>) target_semaphore(%run_scoped3A : memref<!tpu.dma_semaphore, #tpu.memory_space<semaphore_mem>>)
      %dma_wait3A = arith.constant 0 : i32
      %dma_wait3A_27 = tpu.memref_slice %arg11[%mul3A_0, %dma_wait3A] : memref<10240x128xf32, #tpu.memory_space<vmem_shared>> -> memref<640x128xf32, #tpu.memory_space<vmem_shared>>
      %dma_wait3A_28 = arith.constant 0 : i32
      %dma_wait3A_29 = tpu.memref_slice %arg5[%mul3A_0, %dma_wait3A_28] : memref<10240x128xf32, #tpu.memory_space<hbm>> -> memref<640x128xf32, #tpu.memory_space<hbm>>
      tpu.wait_dma2 semaphore(%run_scoped3A : memref<!tpu.dma_semaphore, #tpu.memory_space<semaphore_mem>>) src(%dma_wait3A_29 : memref<640x128xf32, #tpu.memory_space<hbm>>) dst(%dma_wait3A_27 : memref<640x128xf32, #tpu.memory_space<vmem_shared>>)
      tpu.yield
    }) : () -> ()
    %barrier3A = arith.constant 0 : index
    tpu.barrier barrier_id(%barrier3A)
    %eq3A = arith.constant 0 : i32
    %eq3A_1 = arith.cmpi eq, %arg0, %eq3A : i32
    %jit3A = arith.constant 120 : i32
    %jit3A_2 = arith.constant 40 : i32
    %select_n3A = arith.select %eq3A_1, %jit3A, %jit3A_2 : i32
    %eq3A_3 = arith.constant 0 : i32
    %eq3A_4 = arith.cmpi eq, %arg0, %eq3A_3 : i32
    %mul3A_5 = arith.constant 120 : i32
    %mul3A_6 = arith.muli %arg1, %mul3A_5 : i32
    %mul3A_7 = arith.constant 40 : i32
    %mul3A_8 = arith.muli %arg1, %mul3A_7 : i32
    %add3A = arith.constant 1920 : i32
    %add3A_9 = arith.addi %add3A, %mul3A_8 : i32
    %select_n3A_10 = arith.select %eq3A_4, %mul3A_6, %add3A_9 : i32
    %gt3A = arith.constant 0 : i32
    %gt3A_11 = arith.cmpi sgt, %select_n3A, %gt3A : i32
    %convert_element_type3A = arith.extui %gt3A_11 : i1 to i32
    %cond3A = arith.constant 0 : i32
    %cond3A_12 = arith.cmpi ne, %convert_element_type3A, %cond3A : i32
    scf.if %cond3A_12 {
      %add3A_24 = arith.constant 0 : i32
      %add3A_25 = arith.addi %select_n3A_10, %add3A_24 : i32
      "tpu.region"() ({
        %run_scoped3A = tpu.sem_alloc : memref<!tpu.dma_semaphore, #tpu.memory_space<semaphore_mem>>
        %dma_start3A_37 = arith.constant 0 : i32
        %dma_start3A_38 = tpu.memref_slice %arg3[%add3A_25, %dma_start3A_37] : memref<2560x128xi32, #tpu.memory_space<hbm>> -> memref<40x128xi32, #tpu.memory_space<hbm>>
        %dma_start3A_39 = arith.constant 0 : i32
        %dma_start3A_40 = tpu.memref_slice %arg3[%add3A_25, %dma_start3A_39] : memref<2560x128xi32, #tpu.memory_space<hbm>> -> memref<40x128xi32, #tpu.memory_space<hbm>>
        tpu.enqueue_dma source(%dma_start3A_40 : memref<40x128xi32, #tpu.memory_space<hbm>>) target(%arg7 : memref<40x128xi32, #tpu.memory_space<vmem>>) target_semaphore(%run_scoped3A : memref<!tpu.dma_semaphore, #tpu.memory_space<semaphore_mem>>)
        %dma_wait3A = arith.constant 0 : i32
        %dma_wait3A_41 = tpu.memref_slice %arg3[%add3A_25, %dma_wait3A] : memref<2560x128xi32, #tpu.memory_space<hbm>> -> memref<40x128xi32, #tpu.memory_space<hbm>>
        %dma_wait3A_42 = arith.constant 0 : i32
        %dma_wait3A_43 = tpu.memref_slice %arg3[%add3A_25, %dma_wait3A_42] : memref<2560x128xi32, #tpu.memory_space<hbm>> -> memref<40x128xi32, #tpu.memory_space<hbm>>
        tpu.wait_dma2 semaphore(%run_scoped3A : memref<!tpu.dma_semaphore, #tpu.memory_space<semaphore_mem>>) src(%dma_wait3A_43 : memref<40x128xi32, #tpu.memory_space<hbm>>) dst(%arg7 : memref<40x128xi32, #tpu.memory_space<vmem>>)
        tpu.yield
      }) : () -> ()
      "tpu.region"() ({
        %run_scoped3A = tpu.sem_alloc : memref<!tpu.dma_semaphore, #tpu.memory_space<semaphore_mem>>
        %dma_start3A_37 = arith.constant 0 : i32
        %dma_start3A_38 = tpu.memref_slice %arg4[%add3A_25, %dma_start3A_37] : memref<2560x128xi32, #tpu.memory_space<hbm>> -> memref<40x128xi32, #tpu.memory_space<hbm>>
        %dma_start3A_39 = arith.constant 0 : i32
        %dma_start3A_40 = tpu.memref_slice %arg4[%add3A_25, %dma_start3A_39] : memref<2560x128xi32, #tpu.memory_space<hbm>> -> memref<40x128xi32, #tpu.memory_space<hbm>>
        tpu.enqueue_dma source(%dma_start3A_40 : memref<40x128xi32, #tpu.memory_space<hbm>>) target(%arg8 : memref<40x128xi32, #tpu.memory_space<vmem>>) target_semaphore(%run_scoped3A : memref<!tpu.dma_semaphore, #tpu.memory_space<semaphore_mem>>)
        %dma_wait3A = arith.constant 0 : i32
        %dma_wait3A_41 = tpu.memref_slice %arg4[%add3A_25, %dma_wait3A] : memref<2560x128xi32, #tpu.memory_space<hbm>> -> memref<40x128xi32, #tpu.memory_space<hbm>>
        %dma_wait3A_42 = arith.constant 0 : i32
        %dma_wait3A_43 = tpu.memref_slice %arg4[%add3A_25, %dma_wait3A_42] : memref<2560x128xi32, #tpu.memory_space<hbm>> -> memref<40x128xi32, #tpu.memory_space<hbm>>
        tpu.wait_dma2 semaphore(%run_scoped3A : memref<!tpu.dma_semaphore, #tpu.memory_space<semaphore_mem>>) src(%dma_wait3A_43 : memref<40x128xi32, #tpu.memory_space<hbm>>) dst(%arg8 : memref<40x128xi32, #tpu.memory_space<vmem>>)
        tpu.yield
      }) : () -> ()
      %dma_start3A = arith.constant 0 : i32
      %dma_start3A_26 = arith.constant 0 : i32
      %dma_start3A_27 = tpu.memref_slice %arg7[%dma_start3A, %dma_start3A_26] : memref<40x128xi32, #tpu.memory_space<vmem>> -> memref<1x128xi32, #tpu.memory_space<vmem>>
      %dma_start3A_28 = tpu.memref_squeeze %dma_start3A_27 : memref<1x128xi32, #tpu.memory_space<vmem>> -> memref<128xi32, #tpu.memory_space<vmem>>
      %dma_start3A_29 = arith.constant 0 : i32
      %dma_start3A_30 = arith.constant 0 : i32
      %dma_start3A_31 = tpu.memref_slice %arg2[%dma_start3A_29, %dma_start3A_30] : memref<10240x128xf32, #tpu.memory_space<hbm>> -> memref<10240x128xf32, #tpu.memory_space<hbm>>
      tpu.enqueue_indirect_dma source(%dma_start3A_31 : memref<10240x128xf32, #tpu.memory_space<hbm>>) target(%arg9 : memref<128x128xf32, #tpu.memory_space<vmem>>) offsets(%dma_start3A_28 : memref<128xi32, #tpu.memory_space<vmem>>) semaphore(%arg12 : memref<!tpu.dma_semaphore, #tpu.memory_space<semaphore_mem>>)
      %scan3A = arith.constant 0 : i32
      %scan3A_32 = arith.constant 0 : i32
      %scan3A_33 = arith.constant 20 : i32
      %scan3A_34 = arith.addi %scan3A_32, %scan3A_33 : i32
      %scan3A_35 = arith.constant 1 : i32
      scf.for %scan3A_37 = %scan3A_32 to %scan3A_34 step %scan3A_35  : i32 {
        %mul3A_38 = arith.constant 2 : i32
        %mul3A_39 = arith.muli %scan3A_37, %mul3A_38 : i32
        %add3A_40 = arith.constant 1 : i32
        %add3A_41 = arith.addi %mul3A_39, %add3A_40 : i32
        %dma_start3A_42 = arith.constant 0 : i32
        %dma_start3A_43 = tpu.memref_slice %arg7[%add3A_41, %dma_start3A_42] : memref<40x128xi32, #tpu.memory_space<vmem>> -> memref<1x128xi32, #tpu.memory_space<vmem>>
        %dma_start3A_44 = tpu.memref_squeeze %dma_start3A_43 : memref<1x128xi32, #tpu.memory_space<vmem>> -> memref<128xi32, #tpu.memory_space<vmem>>
        %dma_start3A_45 = arith.constant 0 : i32
        %dma_start3A_46 = arith.constant 0 : i32
        %dma_start3A_47 = tpu.memref_slice %arg2[%dma_start3A_45, %dma_start3A_46] : memref<10240x128xf32, #tpu.memory_space<hbm>> -> memref<10240x128xf32, #tpu.memory_space<hbm>>
        tpu.enqueue_indirect_dma source(%dma_start3A_47 : memref<10240x128xf32, #tpu.memory_space<hbm>>) target(%arg10 : memref<128x128xf32, #tpu.memory_space<vmem>>) offsets(%dma_start3A_44 : memref<128xi32, #tpu.memory_space<vmem>>) semaphore(%arg13 : memref<!tpu.dma_semaphore, #tpu.memory_space<semaphore_mem>>)
        %dma_wait3A = arith.constant 0 : i32
        %dma_wait3A_48 = tpu.memref_slice %arg7[%mul3A_39, %dma_wait3A] : memref<40x128xi32, #tpu.memory_space<vmem>> -> memref<1x128xi32, #tpu.memory_space<vmem>>
        %dma_wait3A_49 = tpu.memref_squeeze %dma_wait3A_48 : memref<1x128xi32, #tpu.memory_space<vmem>> -> memref<128xi32, #tpu.memory_space<vmem>>
        %dma_wait3A_50 = arith.constant 0 : i32
        %dma_wait3A_51 = arith.constant 0 : i32
        %dma_wait3A_52 = tpu.memref_slice %arg2[%dma_wait3A_50, %dma_wait3A_51] : memref<10240x128xf32, #tpu.memory_space<hbm>> -> memref<10240x128xf32, #tpu.memory_space<hbm>>
        tpu.wait_indirect_dma semaphore(%arg12 : memref<!tpu.dma_semaphore, #tpu.memory_space<semaphore_mem>>) src(%dma_wait3A_52 : memref<10240x128xf32, #tpu.memory_space<hbm>>) dst(%arg9 : memref<128x128xf32, #tpu.memory_space<vmem>>)
        "tpu.region"() ({
          %run_scoped3A = tpu.sem_alloc : memref<!tpu.dma_semaphore, #tpu.memory_space<semaphore_mem>>
          %dma_start3A_69 = arith.constant 0 : i32
          %dma_start3A_70 = tpu.memref_slice %arg8[%mul3A_39, %dma_start3A_69] : memref<40x128xi32, #tpu.memory_space<vmem>> -> memref<1x128xi32, #tpu.memory_space<vmem>>
          %dma_start3A_71 = tpu.memref_squeeze %dma_start3A_70 : memref<1x128xi32, #tpu.memory_space<vmem>> -> memref<128xi32, #tpu.memory_space<vmem>>
          %dma_start3A_72 = arith.constant 0 : i32
          %dma_start3A_73 = arith.constant 0 : i32
          %dma_start3A_74 = tpu.memref_slice %arg11[%dma_start3A_72, %dma_start3A_73] : memref<10240x128xf32, #tpu.memory_space<vmem_shared>> -> memref<10240x128xf32, #tpu.memory_space<vmem_shared>>
          tpu.enqueue_indirect_dma source(%arg9 : memref<128x128xf32, #tpu.memory_space<vmem>>) target(%dma_start3A_74 : memref<10240x128xf32, #tpu.memory_space<vmem_shared>>) offsets(%dma_start3A_71 : memref<128xi32, #tpu.memory_space<vmem>>) semaphore(%run_scoped3A : memref<!tpu.dma_semaphore, #tpu.memory_space<semaphore_mem>>) {add = true}
          %dma_wait3A_75 = arith.constant 0 : i32
          %dma_wait3A_76 = tpu.memref_slice %arg8[%mul3A_39, %dma_wait3A_75] : memref<40x128xi32, #tpu.memory_space<vmem>> -> memref<1x128xi32, #tpu.memory_space<vmem>>
          %dma_wait3A_77 = tpu.memref_squeeze %dma_wait3A_76 : memref<1x128xi32, #tpu.memory_space<vmem>> -> memref<128xi32, #tpu.memory_space<vmem>>
          %dma_wait3A_78 = arith.constant 0 : i32
          %dma_wait3A_79 = arith.constant 0 : i32
          %dma_wait3A_80 = tpu.memref_slice %arg11[%dma_wait3A_78, %dma_wait3A_79] : memref<10240x128xf32, #tpu.memory_space<vmem_shared>> -> memref<10240x128xf32, #tpu.memory_space<vmem_shared>>
          tpu.wait_indirect_dma semaphore(%run_scoped3A : memref<!tpu.dma_semaphore, #tpu.memory_space<semaphore_mem>>) src(%arg9 : memref<128x128xf32, #tpu.memory_space<vmem>>) dst(%dma_wait3A_80 : memref<10240x128xf32, #tpu.memory_space<vmem_shared>>)
          tpu.yield
        }) : () -> ()
        %add3A_53 = arith.constant 2 : i32
        %add3A_54 = arith.addi %mul3A_39, %add3A_53 : i32
        %lt3A = arith.constant 40 : i32
        %lt3A_55 = arith.cmpi slt, %add3A_54, %lt3A : i32
        %convert_element_type3A_56 = arith.extui %lt3A_55 : i1 to i32
        %cond3A_57 = arith.constant 0 : i32
        %cond3A_58 = arith.cmpi ne, %convert_element_type3A_56, %cond3A_57 : i32
        scf.if %cond3A_58 {
          %add3A_69 = arith.constant 2 : i32
          %add3A_70 = arith.addi %mul3A_39, %add3A_69 : i32
          %dma_start3A_71 = arith.constant 0 : i32
          %dma_start3A_72 = tpu.memref_slice %arg7[%add3A_70, %dma_start3A_71] : memref<40x128xi32, #tpu.memory_space<vmem>> -> memref<1x128xi32, #tpu.memory_space<vmem>>
          %dma_start3A_73 = tpu.memref_squeeze %dma_start3A_72 : memref<1x128xi32, #tpu.memory_space<vmem>> -> memref<128xi32, #tpu.memory_space<vmem>>
          %dma_start3A_74 = arith.constant 0 : i32
          %dma_start3A_75 = arith.constant 0 : i32
          %dma_start3A_76 = tpu.memref_slice %arg2[%dma_start3A_74, %dma_start3A_75] : memref<10240x128xf32, #tpu.memory_space<hbm>> -> memref<10240x128xf32, #tpu.memory_space<hbm>>
          tpu.enqueue_indirect_dma source(%dma_start3A_76 : memref<10240x128xf32, #tpu.memory_space<hbm>>) target(%arg9 : memref<128x128xf32, #tpu.memory_space<vmem>>) offsets(%dma_start3A_73 : memref<128xi32, #tpu.memory_space<vmem>>) semaphore(%arg12 : memref<!tpu.dma_semaphore, #tpu.memory_space<semaphore_mem>>)
        } else {
        }
        %add3A_59 = arith.constant 1 : i32
        %add3A_60 = arith.addi %mul3A_39, %add3A_59 : i32
        %dma_wait3A_61 = arith.constant 0 : i32
        %dma_wait3A_62 = tpu.memref_slice %arg7[%add3A_60, %dma_wait3A_61] : memref<40x128xi32, #tpu.memory_space<vmem>> -> memref<1x128xi32, #tpu.memory_space<vmem>>
        %dma_wait3A_63 = tpu.memref_squeeze %dma_wait3A_62 : memref<1x128xi32, #tpu.memory_space<vmem>> -> memref<128xi32, #tpu.memory_space<vmem>>
        %dma_wait3A_64 = arith.constant 0 : i32
        %dma_wait3A_65 = arith.constant 0 : i32
        %dma_wait3A_66 = tpu.memref_slice %arg2[%dma_wait3A_64, %dma_wait3A_65] : memref<10240x128xf32, #tpu.memory_space<hbm>> -> memref<10240x128xf32, #tpu.memory_space<hbm>>
        tpu.wait_indirect_dma semaphore(%arg13 : memref<!tpu.dma_semaphore, #tpu.memory_space<semaphore_mem>>) src(%dma_wait3A_66 : memref<10240x128xf32, #tpu.memory_space<hbm>>) dst(%arg10 : memref<128x128xf32, #tpu.memory_space<vmem>>)
        %add3A_67 = arith.constant 1 : i32
        %add3A_68 = arith.addi %mul3A_39, %add3A_67 : i32
        "tpu.region"() ({
          %run_scoped3A = tpu.sem_alloc : memref<!tpu.dma_semaphore, #tpu.memory_space<semaphore_mem>>
          %dma_start3A_69 = arith.constant 0 : i32
          %dma_start3A_70 = tpu.memref_slice %arg8[%add3A_68, %dma_start3A_69] : memref<40x128xi32, #tpu.memory_space<vmem>> -> memref<1x128xi32, #tpu.memory_space<vmem>>
          %dma_start3A_71 = tpu.memref_squeeze %dma_start3A_70 : memref<1x128xi32, #tpu.memory_space<vmem>> -> memref<128xi32, #tpu.memory_space<vmem>>
          %dma_start3A_72 = arith.constant 0 : i32
          %dma_start3A_73 = arith.constant 0 : i32
          %dma_start3A_74 = tpu.memref_slice %arg11[%dma_start3A_72, %dma_start3A_73] : memref<10240x128xf32, #tpu.memory_space<vmem_shared>> -> memref<10240x128xf32, #tpu.memory_space<vmem_shared>>
          tpu.enqueue_indirect_dma source(%arg10 : memref<128x128xf32, #tpu.memory_space<vmem>>) target(%dma_start3A_74 : memref<10240x128xf32, #tpu.memory_space<vmem_shared>>) offsets(%dma_start3A_71 : memref<128xi32, #tpu.memory_space<vmem>>) semaphore(%run_scoped3A : memref<!tpu.dma_semaphore, #tpu.memory_space<semaphore_mem>>) {add = true}
          %dma_wait3A_75 = arith.constant 0 : i32
          %dma_wait3A_76 = tpu.memref_slice %arg8[%add3A_68, %dma_wait3A_75] : memref<40x128xi32, #tpu.memory_space<vmem>> -> memref<1x128xi32, #tpu.memory_space<vmem>>
          %dma_wait3A_77 = tpu.memref_squeeze %dma_wait3A_76 : memref<1x128xi32, #tpu.memory_space<vmem>> -> memref<128xi32, #tpu.memory_space<vmem>>
          %dma_wait3A_78 = arith.constant 0 : i32
          %dma_wait3A_79 = arith.constant 0 : i32
          %dma_wait3A_80 = tpu.memref_slice %arg11[%dma_wait3A_78, %dma_wait3A_79] : memref<10240x128xf32, #tpu.memory_space<vmem_shared>> -> memref<10240x128xf32, #tpu.memory_space<vmem_shared>>
          tpu.wait_indirect_dma semaphore(%run_scoped3A : memref<!tpu.dma_semaphore, #tpu.memory_space<semaphore_mem>>) src(%arg10 : memref<128x128xf32, #tpu.memory_space<vmem>>) dst(%dma_wait3A_80 : memref<10240x128xf32, #tpu.memory_space<vmem_shared>>)
          tpu.yield
        }) : () -> ()
      }
      %scan3A_36 = arith.constant 20 : i32
    } else {
    }
    %gt3A_13 = arith.constant 40 : i32
    %gt3A_14 = arith.cmpi sgt, %select_n3A, %gt3A_13 : i32
    %convert_element_type3A_15 = arith.extui %gt3A_14 : i1 to i32
    %cond3A_16 = arith.constant 0 : i32
    %cond3A_17 = arith.cmpi ne, %convert_element_type3A_15, %cond3A_16 : i32
    scf.if %cond3A_17 {
      %add3A_24 = arith.constant 40 : i32
      %add3A_25 = arith.addi %select_n3A_10, %add3A_24 : i32
      "tpu.region"() ({
        %run_scoped3A = tpu.sem_alloc : memref<!tpu.dma_semaphore, #tpu.memory_space<semaphore_mem>>
        %dma_start3A_37 = arith.constant 0 : i32
        %dma_start3A_38 = tpu.memref_slice %arg3[%add3A_25, %dma_start3A_37] : memref<2560x128xi32, #tpu.memory_space<hbm>> -> memref<40x128xi32, #tpu.memory_space<hbm>>
        %dma_start3A_39 = arith.constant 0 : i32
        %dma_start3A_40 = tpu.memref_slice %arg3[%add3A_25, %dma_start3A_39] : memref<2560x128xi32, #tpu.memory_space<hbm>> -> memref<40x128xi32, #tpu.memory_space<hbm>>
        tpu.enqueue_dma source(%dma_start3A_40 : memref<40x128xi32, #tpu.memory_space<hbm>>) target(%arg7 : memref<40x128xi32, #tpu.memory_space<vmem>>) target_semaphore(%run_scoped3A : memref<!tpu.dma_semaphore, #tpu.memory_space<semaphore_mem>>)
        %dma_wait3A = arith.constant 0 : i32
        %dma_wait3A_41 = tpu.memref_slice %arg3[%add3A_25, %dma_wait3A] : memref<2560x128xi32, #tpu.memory_space<hbm>> -> memref<40x128xi32, #tpu.memory_space<hbm>>
        %dma_wait3A_42 = arith.constant 0 : i32
        %dma_wait3A_43 = tpu.memref_slice %arg3[%add3A_25, %dma_wait3A_42] : memref<2560x128xi32, #tpu.memory_space<hbm>> -> memref<40x128xi32, #tpu.memory_space<hbm>>
        tpu.wait_dma2 semaphore(%run_scoped3A : memref<!tpu.dma_semaphore, #tpu.memory_space<semaphore_mem>>) src(%dma_wait3A_43 : memref<40x128xi32, #tpu.memory_space<hbm>>) dst(%arg7 : memref<40x128xi32, #tpu.memory_space<vmem>>)
        tpu.yield
      }) : () -> ()
      "tpu.region"() ({
        %run_scoped3A = tpu.sem_alloc : memref<!tpu.dma_semaphore, #tpu.memory_space<semaphore_mem>>
        %dma_start3A_37 = arith.constant 0 : i32
        %dma_start3A_38 = tpu.memref_slice %arg4[%add3A_25, %dma_start3A_37] : memref<2560x128xi32, #tpu.memory_space<hbm>> -> memref<40x128xi32, #tpu.memory_space<hbm>>
        %dma_start3A_39 = arith.constant 0 : i32
        %dma_start3A_40 = tpu.memref_slice %arg4[%add3A_25, %dma_start3A_39] : memref<2560x128xi32, #tpu.memory_space<hbm>> -> memref<40x128xi32, #tpu.memory_space<hbm>>
        tpu.enqueue_dma source(%dma_start3A_40 : memref<40x128xi32, #tpu.memory_space<hbm>>) target(%arg8 : memref<40x128xi32, #tpu.memory_space<vmem>>) target_semaphore(%run_scoped3A : memref<!tpu.dma_semaphore, #tpu.memory_space<semaphore_mem>>)
        %dma_wait3A = arith.constant 0 : i32
        %dma_wait3A_41 = tpu.memref_slice %arg4[%add3A_25, %dma_wait3A] : memref<2560x128xi32, #tpu.memory_space<hbm>> -> memref<40x128xi32, #tpu.memory_space<hbm>>
        %dma_wait3A_42 = arith.constant 0 : i32
        %dma_wait3A_43 = tpu.memref_slice %arg4[%add3A_25, %dma_wait3A_42] : memref<2560x128xi32, #tpu.memory_space<hbm>> -> memref<40x128xi32, #tpu.memory_space<hbm>>
        tpu.wait_dma2 semaphore(%run_scoped3A : memref<!tpu.dma_semaphore, #tpu.memory_space<semaphore_mem>>) src(%dma_wait3A_43 : memref<40x128xi32, #tpu.memory_space<hbm>>) dst(%arg8 : memref<40x128xi32, #tpu.memory_space<vmem>>)
        tpu.yield
      }) : () -> ()
      %dma_start3A = arith.constant 0 : i32
      %dma_start3A_26 = arith.constant 0 : i32
      %dma_start3A_27 = tpu.memref_slice %arg7[%dma_start3A, %dma_start3A_26] : memref<40x128xi32, #tpu.memory_space<vmem>> -> memref<1x128xi32, #tpu.memory_space<vmem>>
      %dma_start3A_28 = tpu.memref_squeeze %dma_start3A_27 : memref<1x128xi32, #tpu.memory_space<vmem>> -> memref<128xi32, #tpu.memory_space<vmem>>
      %dma_start3A_29 = arith.constant 0 : i32
      %dma_start3A_30 = arith.constant 0 : i32
      %dma_start3A_31 = tpu.memref_slice %arg2[%dma_start3A_29, %dma_start3A_30] : memref<10240x128xf32, #tpu.memory_space<hbm>> -> memref<10240x128xf32, #tpu.memory_space<hbm>>
      tpu.enqueue_indirect_dma source(%dma_start3A_31 : memref<10240x128xf32, #tpu.memory_space<hbm>>) target(%arg9 : memref<128x128xf32, #tpu.memory_space<vmem>>) offsets(%dma_start3A_28 : memref<128xi32, #tpu.memory_space<vmem>>) semaphore(%arg12 : memref<!tpu.dma_semaphore, #tpu.memory_space<semaphore_mem>>)
      %scan3A = arith.constant 0 : i32
      %scan3A_32 = arith.constant 0 : i32
      %scan3A_33 = arith.constant 20 : i32
      %scan3A_34 = arith.addi %scan3A_32, %scan3A_33 : i32
      %scan3A_35 = arith.constant 1 : i32
      scf.for %scan3A_37 = %scan3A_32 to %scan3A_34 step %scan3A_35  : i32 {
        %mul3A_38 = arith.constant 2 : i32
        %mul3A_39 = arith.muli %scan3A_37, %mul3A_38 : i32
        %add3A_40 = arith.constant 1 : i32
        %add3A_41 = arith.addi %mul3A_39, %add3A_40 : i32
        %dma_start3A_42 = arith.constant 0 : i32
        %dma_start3A_43 = tpu.memref_slice %arg7[%add3A_41, %dma_start3A_42] : memref<40x128xi32, #tpu.memory_space<vmem>> -> memref<1x128xi32, #tpu.memory_space<vmem>>
        %dma_start3A_44 = tpu.memref_squeeze %dma_start3A_43 : memref<1x128xi32, #tpu.memory_space<vmem>> -> memref<128xi32, #tpu.memory_space<vmem>>
        %dma_start3A_45 = arith.constant 0 : i32
        %dma_start3A_46 = arith.constant 0 : i32
        %dma_start3A_47 = tpu.memref_slice %arg2[%dma_start3A_45, %dma_start3A_46] : memref<10240x128xf32, #tpu.memory_space<hbm>> -> memref<10240x128xf32, #tpu.memory_space<hbm>>
        tpu.enqueue_indirect_dma source(%dma_start3A_47 : memref<10240x128xf32, #tpu.memory_space<hbm>>) target(%arg10 : memref<128x128xf32, #tpu.memory_space<vmem>>) offsets(%dma_start3A_44 : memref<128xi32, #tpu.memory_space<vmem>>) semaphore(%arg13 : memref<!tpu.dma_semaphore, #tpu.memory_space<semaphore_mem>>)
        %dma_wait3A = arith.constant 0 : i32
        %dma_wait3A_48 = tpu.memref_slice %arg7[%mul3A_39, %dma_wait3A] : memref<40x128xi32, #tpu.memory_space<vmem>> -> memref<1x128xi32, #tpu.memory_space<vmem>>
        %dma_wait3A_49 = tpu.memref_squeeze %dma_wait3A_48 : memref<1x128xi32, #tpu.memory_space<vmem>> -> memref<128xi32, #tpu.memory_space<vmem>>
        %dma_wait3A_50 = arith.constant 0 : i32
        %dma_wait3A_51 = arith.constant 0 : i32
        %dma_wait3A_52 = tpu.memref_slice %arg2[%dma_wait3A_50, %dma_wait3A_51] : memref<10240x128xf32, #tpu.memory_space<hbm>> -> memref<10240x128xf32, #tpu.memory_space<hbm>>
        tpu.wait_indirect_dma semaphore(%arg12 : memref<!tpu.dma_semaphore, #tpu.memory_space<semaphore_mem>>) src(%dma_wait3A_52 : memref<10240x128xf32, #tpu.memory_space<hbm>>) dst(%arg9 : memref<128x128xf32, #tpu.memory_space<vmem>>)
        "tpu.region"() ({
          %run_scoped3A = tpu.sem_alloc : memref<!tpu.dma_semaphore, #tpu.memory_space<semaphore_mem>>
          %dma_start3A_69 = arith.constant 0 : i32
          %dma_start3A_70 = tpu.memref_slice %arg8[%mul3A_39, %dma_start3A_69] : memref<40x128xi32, #tpu.memory_space<vmem>> -> memref<1x128xi32, #tpu.memory_space<vmem>>
          %dma_start3A_71 = tpu.memref_squeeze %dma_start3A_70 : memref<1x128xi32, #tpu.memory_space<vmem>> -> memref<128xi32, #tpu.memory_space<vmem>>
          %dma_start3A_72 = arith.constant 0 : i32
          %dma_start3A_73 = arith.constant 0 : i32
          %dma_start3A_74 = tpu.memref_slice %arg11[%dma_start3A_72, %dma_start3A_73] : memref<10240x128xf32, #tpu.memory_space<vmem_shared>> -> memref<10240x128xf32, #tpu.memory_space<vmem_shared>>
          tpu.enqueue_indirect_dma source(%arg9 : memref<128x128xf32, #tpu.memory_space<vmem>>) target(%dma_start3A_74 : memref<10240x128xf32, #tpu.memory_space<vmem_shared>>) offsets(%dma_start3A_71 : memref<128xi32, #tpu.memory_space<vmem>>) semaphore(%run_scoped3A : memref<!tpu.dma_semaphore, #tpu.memory_space<semaphore_mem>>) {add = true}
          %dma_wait3A_75 = arith.constant 0 : i32
          %dma_wait3A_76 = tpu.memref_slice %arg8[%mul3A_39, %dma_wait3A_75] : memref<40x128xi32, #tpu.memory_space<vmem>> -> memref<1x128xi32, #tpu.memory_space<vmem>>
          %dma_wait3A_77 = tpu.memref_squeeze %dma_wait3A_76 : memref<1x128xi32, #tpu.memory_space<vmem>> -> memref<128xi32, #tpu.memory_space<vmem>>
          %dma_wait3A_78 = arith.constant 0 : i32
          %dma_wait3A_79 = arith.constant 0 : i32
          %dma_wait3A_80 = tpu.memref_slice %arg11[%dma_wait3A_78, %dma_wait3A_79] : memref<10240x128xf32, #tpu.memory_space<vmem_shared>> -> memref<10240x128xf32, #tpu.memory_space<vmem_shared>>
          tpu.wait_indirect_dma semaphore(%run_scoped3A : memref<!tpu.dma_semaphore, #tpu.memory_space<semaphore_mem>>) src(%arg9 : memref<128x128xf32, #tpu.memory_space<vmem>>) dst(%dma_wait3A_80 : memref<10240x128xf32, #tpu.memory_space<vmem_shared>>)
          tpu.yield
        }) : () -> ()
        %add3A_53 = arith.constant 2 : i32
        %add3A_54 = arith.addi %mul3A_39, %add3A_53 : i32
        %lt3A = arith.constant 40 : i32
        %lt3A_55 = arith.cmpi slt, %add3A_54, %lt3A : i32
        %convert_element_type3A_56 = arith.extui %lt3A_55 : i1 to i32
        %cond3A_57 = arith.constant 0 : i32
        %cond3A_58 = arith.cmpi ne, %convert_element_type3A_56, %cond3A_57 : i32
        scf.if %cond3A_58 {
          %add3A_69 = arith.constant 2 : i32
          %add3A_70 = arith.addi %mul3A_39, %add3A_69 : i32
          %dma_start3A_71 = arith.constant 0 : i32
          %dma_start3A_72 = tpu.memref_slice %arg7[%add3A_70, %dma_start3A_71] : memref<40x128xi32, #tpu.memory_space<vmem>> -> memref<1x128xi32, #tpu.memory_space<vmem>>
          %dma_start3A_73 = tpu.memref_squeeze %dma_start3A_72 : memref<1x128xi32, #tpu.memory_space<vmem>> -> memref<128xi32, #tpu.memory_space<vmem>>
          %dma_start3A_74 = arith.constant 0 : i32
          %dma_start3A_75 = arith.constant 0 : i32
          %dma_start3A_76 = tpu.memref_slice %arg2[%dma_start3A_74, %dma_start3A_75] : memref<10240x128xf32, #tpu.memory_space<hbm>> -> memref<10240x128xf32, #tpu.memory_space<hbm>>
          tpu.enqueue_indirect_dma source(%dma_start3A_76 : memref<10240x128xf32, #tpu.memory_space<hbm>>) target(%arg9 : memref<128x128xf32, #tpu.memory_space<vmem>>) offsets(%dma_start3A_73 : memref<128xi32, #tpu.memory_space<vmem>>) semaphore(%arg12 : memref<!tpu.dma_semaphore, #tpu.memory_space<semaphore_mem>>)
        } else {
        }
        %add3A_59 = arith.constant 1 : i32
        %add3A_60 = arith.addi %mul3A_39, %add3A_59 : i32
        %dma_wait3A_61 = arith.constant 0 : i32
        %dma_wait3A_62 = tpu.memref_slice %arg7[%add3A_60, %dma_wait3A_61] : memref<40x128xi32, #tpu.memory_space<vmem>> -> memref<1x128xi32, #tpu.memory_space<vmem>>
        %dma_wait3A_63 = tpu.memref_squeeze %dma_wait3A_62 : memref<1x128xi32, #tpu.memory_space<vmem>> -> memref<128xi32, #tpu.memory_space<vmem>>
        %dma_wait3A_64 = arith.constant 0 : i32
        %dma_wait3A_65 = arith.constant 0 : i32
        %dma_wait3A_66 = tpu.memref_slice %arg2[%dma_wait3A_64, %dma_wait3A_65] : memref<10240x128xf32, #tpu.memory_space<hbm>> -> memref<10240x128xf32, #tpu.memory_space<hbm>>
        tpu.wait_indirect_dma semaphore(%arg13 : memref<!tpu.dma_semaphore, #tpu.memory_space<semaphore_mem>>) src(%dma_wait3A_66 : memref<10240x128xf32, #tpu.memory_space<hbm>>) dst(%arg10 : memref<128x128xf32, #tpu.memory_space<vmem>>)
        %add3A_67 = arith.constant 1 : i32
        %add3A_68 = arith.addi %mul3A_39, %add3A_67 : i32
        "tpu.region"() ({
          %run_scoped3A = tpu.sem_alloc : memref<!tpu.dma_semaphore, #tpu.memory_space<semaphore_mem>>
          %dma_start3A_69 = arith.constant 0 : i32
          %dma_start3A_70 = tpu.memref_slice %arg8[%add3A_68, %dma_start3A_69] : memref<40x128xi32, #tpu.memory_space<vmem>> -> memref<1x128xi32, #tpu.memory_space<vmem>>
          %dma_start3A_71 = tpu.memref_squeeze %dma_start3A_70 : memref<1x128xi32, #tpu.memory_space<vmem>> -> memref<128xi32, #tpu.memory_space<vmem>>
          %dma_start3A_72 = arith.constant 0 : i32
          %dma_start3A_73 = arith.constant 0 : i32
          %dma_start3A_74 = tpu.memref_slice %arg11[%dma_start3A_72, %dma_start3A_73] : memref<10240x128xf32, #tpu.memory_space<vmem_shared>> -> memref<10240x128xf32, #tpu.memory_space<vmem_shared>>
          tpu.enqueue_indirect_dma source(%arg10 : memref<128x128xf32, #tpu.memory_space<vmem>>) target(%dma_start3A_74 : memref<10240x128xf32, #tpu.memory_space<vmem_shared>>) offsets(%dma_start3A_71 : memref<128xi32, #tpu.memory_space<vmem>>) semaphore(%run_scoped3A : memref<!tpu.dma_semaphore, #tpu.memory_space<semaphore_mem>>) {add = true}
          %dma_wait3A_75 = arith.constant 0 : i32
          %dma_wait3A_76 = tpu.memref_slice %arg8[%add3A_68, %dma_wait3A_75] : memref<40x128xi32, #tpu.memory_space<vmem>> -> memref<1x128xi32, #tpu.memory_space<vmem>>
          %dma_wait3A_77 = tpu.memref_squeeze %dma_wait3A_76 : memref<1x128xi32, #tpu.memory_space<vmem>> -> memref<128xi32, #tpu.memory_space<vmem>>
          %dma_wait3A_78 = arith.constant 0 : i32
          %dma_wait3A_79 = arith.constant 0 : i32
          %dma_wait3A_80 = tpu.memref_slice %arg11[%dma_wait3A_78, %dma_wait3A_79] : memref<10240x128xf32, #tpu.memory_space<vmem_shared>> -> memref<10240x128xf32, #tpu.memory_space<vmem_shared>>
          tpu.wait_indirect_dma semaphore(%run_scoped3A : memref<!tpu.dma_semaphore, #tpu.memory_space<semaphore_mem>>) src(%arg10 : memref<128x128xf32, #tpu.memory_space<vmem>>) dst(%dma_wait3A_80 : memref<10240x128xf32, #tpu.memory_space<vmem_shared>>)
          tpu.yield
        }) : () -> ()
      }
      %scan3A_36 = arith.constant 20 : i32
    } else {
    }
    %gt3A_18 = arith.constant 80 : i32
    %gt3A_19 = arith.cmpi sgt, %select_n3A, %gt3A_18 : i32
    %convert_element_type3A_20 = arith.extui %gt3A_19 : i1 to i32
    %cond3A_21 = arith.constant 0 : i32
    %cond3A_22 = arith.cmpi ne, %convert_element_type3A_20, %cond3A_21 : i32
    scf.if %cond3A_22 {
      %add3A_24 = arith.constant 80 : i32
      %add3A_25 = arith.addi %select_n3A_10, %add3A_24 : i32
      "tpu.region"() ({
        %run_scoped3A = tpu.sem_alloc : memref<!tpu.dma_semaphore, #tpu.memory_space<semaphore_mem>>
        %dma_start3A_37 = arith.constant 0 : i32
        %dma_start3A_38 = tpu.memref_slice %arg3[%add3A_25, %dma_start3A_37] : memref<2560x128xi32, #tpu.memory_space<hbm>> -> memref<40x128xi32, #tpu.memory_space<hbm>>
        %dma_start3A_39 = arith.constant 0 : i32
        %dma_start3A_40 = tpu.memref_slice %arg3[%add3A_25, %dma_start3A_39] : memref<2560x128xi32, #tpu.memory_space<hbm>> -> memref<40x128xi32, #tpu.memory_space<hbm>>
        tpu.enqueue_dma source(%dma_start3A_40 : memref<40x128xi32, #tpu.memory_space<hbm>>) target(%arg7 : memref<40x128xi32, #tpu.memory_space<vmem>>) target_semaphore(%run_scoped3A : memref<!tpu.dma_semaphore, #tpu.memory_space<semaphore_mem>>)
        %dma_wait3A = arith.constant 0 : i32
        %dma_wait3A_41 = tpu.memref_slice %arg3[%add3A_25, %dma_wait3A] : memref<2560x128xi32, #tpu.memory_space<hbm>> -> memref<40x128xi32, #tpu.memory_space<hbm>>
        %dma_wait3A_42 = arith.constant 0 : i32
        %dma_wait3A_43 = tpu.memref_slice %arg3[%add3A_25, %dma_wait3A_42] : memref<2560x128xi32, #tpu.memory_space<hbm>> -> memref<40x128xi32, #tpu.memory_space<hbm>>
        tpu.wait_dma2 semaphore(%run_scoped3A : memref<!tpu.dma_semaphore, #tpu.memory_space<semaphore_mem>>) src(%dma_wait3A_43 : memref<40x128xi32, #tpu.memory_space<hbm>>) dst(%arg7 : memref<40x128xi32, #tpu.memory_space<vmem>>)
        tpu.yield
      }) : () -> ()
      "tpu.region"() ({
        %run_scoped3A = tpu.sem_alloc : memref<!tpu.dma_semaphore, #tpu.memory_space<semaphore_mem>>
        %dma_start3A_37 = arith.constant 0 : i32
        %dma_start3A_38 = tpu.memref_slice %arg4[%add3A_25, %dma_start3A_37] : memref<2560x128xi32, #tpu.memory_space<hbm>> -> memref<40x128xi32, #tpu.memory_space<hbm>>
        %dma_start3A_39 = arith.constant 0 : i32
        %dma_start3A_40 = tpu.memref_slice %arg4[%add3A_25, %dma_start3A_39] : memref<2560x128xi32, #tpu.memory_space<hbm>> -> memref<40x128xi32, #tpu.memory_space<hbm>>
        tpu.enqueue_dma source(%dma_start3A_40 : memref<40x128xi32, #tpu.memory_space<hbm>>) target(%arg8 : memref<40x128xi32, #tpu.memory_space<vmem>>) target_semaphore(%run_scoped3A : memref<!tpu.dma_semaphore, #tpu.memory_space<semaphore_mem>>)
        %dma_wait3A = arith.constant 0 : i32
        %dma_wait3A_41 = tpu.memref_slice %arg4[%add3A_25, %dma_wait3A] : memref<2560x128xi32, #tpu.memory_space<hbm>> -> memref<40x128xi32, #tpu.memory_space<hbm>>
        %dma_wait3A_42 = arith.constant 0 : i32
        %dma_wait3A_43 = tpu.memref_slice %arg4[%add3A_25, %dma_wait3A_42] : memref<2560x128xi32, #tpu.memory_space<hbm>> -> memref<40x128xi32, #tpu.memory_space<hbm>>
        tpu.wait_dma2 semaphore(%run_scoped3A : memref<!tpu.dma_semaphore, #tpu.memory_space<semaphore_mem>>) src(%dma_wait3A_43 : memref<40x128xi32, #tpu.memory_space<hbm>>) dst(%arg8 : memref<40x128xi32, #tpu.memory_space<vmem>>)
        tpu.yield
      }) : () -> ()
      %dma_start3A = arith.constant 0 : i32
      %dma_start3A_26 = arith.constant 0 : i32
      %dma_start3A_27 = tpu.memref_slice %arg7[%dma_start3A, %dma_start3A_26] : memref<40x128xi32, #tpu.memory_space<vmem>> -> memref<1x128xi32, #tpu.memory_space<vmem>>
      %dma_start3A_28 = tpu.memref_squeeze %dma_start3A_27 : memref<1x128xi32, #tpu.memory_space<vmem>> -> memref<128xi32, #tpu.memory_space<vmem>>
      %dma_start3A_29 = arith.constant 0 : i32
      %dma_start3A_30 = arith.constant 0 : i32
      %dma_start3A_31 = tpu.memref_slice %arg2[%dma_start3A_29, %dma_start3A_30] : memref<10240x128xf32, #tpu.memory_space<hbm>> -> memref<10240x128xf32, #tpu.memory_space<hbm>>
      tpu.enqueue_indirect_dma source(%dma_start3A_31 : memref<10240x128xf32, #tpu.memory_space<hbm>>) target(%arg9 : memref<128x128xf32, #tpu.memory_space<vmem>>) offsets(%dma_start3A_28 : memref<128xi32, #tpu.memory_space<vmem>>) semaphore(%arg12 : memref<!tpu.dma_semaphore, #tpu.memory_space<semaphore_mem>>)
      %scan3A = arith.constant 0 : i32
      %scan3A_32 = arith.constant 0 : i32
      %scan3A_33 = arith.constant 20 : i32
      %scan3A_34 = arith.addi %scan3A_32, %scan3A_33 : i32
      %scan3A_35 = arith.constant 1 : i32
      scf.for %scan3A_37 = %scan3A_32 to %scan3A_34 step %scan3A_35  : i32 {
        %mul3A_38 = arith.constant 2 : i32
        %mul3A_39 = arith.muli %scan3A_37, %mul3A_38 : i32
        %add3A_40 = arith.constant 1 : i32
        %add3A_41 = arith.addi %mul3A_39, %add3A_40 : i32
        %dma_start3A_42 = arith.constant 0 : i32
        %dma_start3A_43 = tpu.memref_slice %arg7[%add3A_41, %dma_start3A_42] : memref<40x128xi32, #tpu.memory_space<vmem>> -> memref<1x128xi32, #tpu.memory_space<vmem>>
        %dma_start3A_44 = tpu.memref_squeeze %dma_start3A_43 : memref<1x128xi32, #tpu.memory_space<vmem>> -> memref<128xi32, #tpu.memory_space<vmem>>
        %dma_start3A_45 = arith.constant 0 : i32
        %dma_start3A_46 = arith.constant 0 : i32
        %dma_start3A_47 = tpu.memref_slice %arg2[%dma_start3A_45, %dma_start3A_46] : memref<10240x128xf32, #tpu.memory_space<hbm>> -> memref<10240x128xf32, #tpu.memory_space<hbm>>
        tpu.enqueue_indirect_dma source(%dma_start3A_47 : memref<10240x128xf32, #tpu.memory_space<hbm>>) target(%arg10 : memref<128x128xf32, #tpu.memory_space<vmem>>) offsets(%dma_start3A_44 : memref<128xi32, #tpu.memory_space<vmem>>) semaphore(%arg13 : memref<!tpu.dma_semaphore, #tpu.memory_space<semaphore_mem>>)
        %dma_wait3A = arith.constant 0 : i32
        %dma_wait3A_48 = tpu.memref_slice %arg7[%mul3A_39, %dma_wait3A] : memref<40x128xi32, #tpu.memory_space<vmem>> -> memref<1x128xi32, #tpu.memory_space<vmem>>
        %dma_wait3A_49 = tpu.memref_squeeze %dma_wait3A_48 : memref<1x128xi32, #tpu.memory_space<vmem>> -> memref<128xi32, #tpu.memory_space<vmem>>
        %dma_wait3A_50 = arith.constant 0 : i32
        %dma_wait3A_51 = arith.constant 0 : i32
        %dma_wait3A_52 = tpu.memref_slice %arg2[%dma_wait3A_50, %dma_wait3A_51] : memref<10240x128xf32, #tpu.memory_space<hbm>> -> memref<10240x128xf32, #tpu.memory_space<hbm>>
        tpu.wait_indirect_dma semaphore(%arg12 : memref<!tpu.dma_semaphore, #tpu.memory_space<semaphore_mem>>) src(%dma_wait3A_52 : memref<10240x128xf32, #tpu.memory_space<hbm>>) dst(%arg9 : memref<128x128xf32, #tpu.memory_space<vmem>>)
        "tpu.region"() ({
          %run_scoped3A = tpu.sem_alloc : memref<!tpu.dma_semaphore, #tpu.memory_space<semaphore_mem>>
          %dma_start3A_69 = arith.constant 0 : i32
          %dma_start3A_70 = tpu.memref_slice %arg8[%mul3A_39, %dma_start3A_69] : memref<40x128xi32, #tpu.memory_space<vmem>> -> memref<1x128xi32, #tpu.memory_space<vmem>>
          %dma_start3A_71 = tpu.memref_squeeze %dma_start3A_70 : memref<1x128xi32, #tpu.memory_space<vmem>> -> memref<128xi32, #tpu.memory_space<vmem>>
          %dma_start3A_72 = arith.constant 0 : i32
          %dma_start3A_73 = arith.constant 0 : i32
          %dma_start3A_74 = tpu.memref_slice %arg11[%dma_start3A_72, %dma_start3A_73] : memref<10240x128xf32, #tpu.memory_space<vmem_shared>> -> memref<10240x128xf32, #tpu.memory_space<vmem_shared>>
          tpu.enqueue_indirect_dma source(%arg9 : memref<128x128xf32, #tpu.memory_space<vmem>>) target(%dma_start3A_74 : memref<10240x128xf32, #tpu.memory_space<vmem_shared>>) offsets(%dma_start3A_71 : memref<128xi32, #tpu.memory_space<vmem>>) semaphore(%run_scoped3A : memref<!tpu.dma_semaphore, #tpu.memory_space<semaphore_mem>>) {add = true}
          %dma_wait3A_75 = arith.constant 0 : i32
          %dma_wait3A_76 = tpu.memref_slice %arg8[%mul3A_39, %dma_wait3A_75] : memref<40x128xi32, #tpu.memory_space<vmem>> -> memref<1x128xi32, #tpu.memory_space<vmem>>
          %dma_wait3A_77 = tpu.memref_squeeze %dma_wait3A_76 : memref<1x128xi32, #tpu.memory_space<vmem>> -> memref<128xi32, #tpu.memory_space<vmem>>
          %dma_wait3A_78 = arith.constant 0 : i32
          %dma_wait3A_79 = arith.constant 0 : i32
          %dma_wait3A_80 = tpu.memref_slice %arg11[%dma_wait3A_78, %dma_wait3A_79] : memref<10240x128xf32, #tpu.memory_space<vmem_shared>> -> memref<10240x128xf32, #tpu.memory_space<vmem_shared>>
          tpu.wait_indirect_dma semaphore(%run_scoped3A : memref<!tpu.dma_semaphore, #tpu.memory_space<semaphore_mem>>) src(%arg9 : memref<128x128xf32, #tpu.memory_space<vmem>>) dst(%dma_wait3A_80 : memref<10240x128xf32, #tpu.memory_space<vmem_shared>>)
          tpu.yield
        }) : () -> ()
        %add3A_53 = arith.constant 2 : i32
        %add3A_54 = arith.addi %mul3A_39, %add3A_53 : i32
        %lt3A = arith.constant 40 : i32
        %lt3A_55 = arith.cmpi slt, %add3A_54, %lt3A : i32
        %convert_element_type3A_56 = arith.extui %lt3A_55 : i1 to i32
        %cond3A_57 = arith.constant 0 : i32
        %cond3A_58 = arith.cmpi ne, %convert_element_type3A_56, %cond3A_57 : i32
        scf.if %cond3A_58 {
          %add3A_69 = arith.constant 2 : i32
          %add3A_70 = arith.addi %mul3A_39, %add3A_69 : i32
          %dma_start3A_71 = arith.constant 0 : i32
          %dma_start3A_72 = tpu.memref_slice %arg7[%add3A_70, %dma_start3A_71] : memref<40x128xi32, #tpu.memory_space<vmem>> -> memref<1x128xi32, #tpu.memory_space<vmem>>
          %dma_start3A_73 = tpu.memref_squeeze %dma_start3A_72 : memref<1x128xi32, #tpu.memory_space<vmem>> -> memref<128xi32, #tpu.memory_space<vmem>>
          %dma_start3A_74 = arith.constant 0 : i32
          %dma_start3A_75 = arith.constant 0 : i32
          %dma_start3A_76 = tpu.memref_slice %arg2[%dma_start3A_74, %dma_start3A_75] : memref<10240x128xf32, #tpu.memory_space<hbm>> -> memref<10240x128xf32, #tpu.memory_space<hbm>>
          tpu.enqueue_indirect_dma source(%dma_start3A_76 : memref<10240x128xf32, #tpu.memory_space<hbm>>) target(%arg9 : memref<128x128xf32, #tpu.memory_space<vmem>>) offsets(%dma_start3A_73 : memref<128xi32, #tpu.memory_space<vmem>>) semaphore(%arg12 : memref<!tpu.dma_semaphore, #tpu.memory_space<semaphore_mem>>)
        } else {
        }
        %add3A_59 = arith.constant 1 : i32
        %add3A_60 = arith.addi %mul3A_39, %add3A_59 : i32
        %dma_wait3A_61 = arith.constant 0 : i32
        %dma_wait3A_62 = tpu.memref_slice %arg7[%add3A_60, %dma_wait3A_61] : memref<40x128xi32, #tpu.memory_space<vmem>> -> memref<1x128xi32, #tpu.memory_space<vmem>>
        %dma_wait3A_63 = tpu.memref_squeeze %dma_wait3A_62 : memref<1x128xi32, #tpu.memory_space<vmem>> -> memref<128xi32, #tpu.memory_space<vmem>>
        %dma_wait3A_64 = arith.constant 0 : i32
        %dma_wait3A_65 = arith.constant 0 : i32
        %dma_wait3A_66 = tpu.memref_slice %arg2[%dma_wait3A_64, %dma_wait3A_65] : memref<10240x128xf32, #tpu.memory_space<hbm>> -> memref<10240x128xf32, #tpu.memory_space<hbm>>
        tpu.wait_indirect_dma semaphore(%arg13 : memref<!tpu.dma_semaphore, #tpu.memory_space<semaphore_mem>>) src(%dma_wait3A_66 : memref<10240x128xf32, #tpu.memory_space<hbm>>) dst(%arg10 : memref<128x128xf32, #tpu.memory_space<vmem>>)
        %add3A_67 = arith.constant 1 : i32
        %add3A_68 = arith.addi %mul3A_39, %add3A_67 : i32
        "tpu.region"() ({
          %run_scoped3A = tpu.sem_alloc : memref<!tpu.dma_semaphore, #tpu.memory_space<semaphore_mem>>
          %dma_start3A_69 = arith.constant 0 : i32
          %dma_start3A_70 = tpu.memref_slice %arg8[%add3A_68, %dma_start3A_69] : memref<40x128xi32, #tpu.memory_space<vmem>> -> memref<1x128xi32, #tpu.memory_space<vmem>>
          %dma_start3A_71 = tpu.memref_squeeze %dma_start3A_70 : memref<1x128xi32, #tpu.memory_space<vmem>> -> memref<128xi32, #tpu.memory_space<vmem>>
          %dma_start3A_72 = arith.constant 0 : i32
          %dma_start3A_73 = arith.constant 0 : i32
          %dma_start3A_74 = tpu.memref_slice %arg11[%dma_start3A_72, %dma_start3A_73] : memref<10240x128xf32, #tpu.memory_space<vmem_shared>> -> memref<10240x128xf32, #tpu.memory_space<vmem_shared>>
          tpu.enqueue_indirect_dma source(%arg10 : memref<128x128xf32, #tpu.memory_space<vmem>>) target(%dma_start3A_74 : memref<10240x128xf32, #tpu.memory_space<vmem_shared>>) offsets(%dma_start3A_71 : memref<128xi32, #tpu.memory_space<vmem>>) semaphore(%run_scoped3A : memref<!tpu.dma_semaphore, #tpu.memory_space<semaphore_mem>>) {add = true}
          %dma_wait3A_75 = arith.constant 0 : i32
          %dma_wait3A_76 = tpu.memref_slice %arg8[%add3A_68, %dma_wait3A_75] : memref<40x128xi32, #tpu.memory_space<vmem>> -> memref<1x128xi32, #tpu.memory_space<vmem>>
          %dma_wait3A_77 = tpu.memref_squeeze %dma_wait3A_76 : memref<1x128xi32, #tpu.memory_space<vmem>> -> memref<128xi32, #tpu.memory_space<vmem>>
          %dma_wait3A_78 = arith.constant 0 : i32
          %dma_wait3A_79 = arith.constant 0 : i32
          %dma_wait3A_80 = tpu.memref_slice %arg11[%dma_wait3A_78, %dma_wait3A_79] : memref<10240x128xf32, #tpu.memory_space<vmem_shared>> -> memref<10240x128xf32, #tpu.memory_space<vmem_shared>>
          tpu.wait_indirect_dma semaphore(%run_scoped3A : memref<!tpu.dma_semaphore, #tpu.memory_space<semaphore_mem>>) src(%arg10 : memref<128x128xf32, #tpu.memory_space<vmem>>) dst(%dma_wait3A_80 : memref<10240x128xf32, #tpu.memory_space<vmem_shared>>)
          tpu.yield
        }) : () -> ()
      }
      %scan3A_36 = arith.constant 20 : i32
    } else {
    }
    %barrier3A_23 = arith.constant 0 : index
    tpu.barrier barrier_id(%barrier3A_23)
    "tpu.region"() ({
      %run_scoped3A = tpu.sem_alloc : memref<!tpu.dma_semaphore, #tpu.memory_space<semaphore_mem>>
      %dma_start3A = arith.constant 0 : i32
      %dma_start3A_24 = tpu.memref_slice %arg6[%arg0, %mul3A_0, %dma_start3A] : memref<2x10240x128xf32, #tpu.memory_space<hbm>> -> memref<1x640x128xf32, #tpu.memory_space<hbm>>
      %dma_start3A_25 = tpu.memref_squeeze %dma_start3A_24 : memref<1x640x128xf32, #tpu.memory_space<hbm>> -> memref<640x128xf32, #tpu.memory_space<hbm>>
      %dma_start3A_26 = arith.constant 0 : i32
      %dma_start3A_27 = tpu.memref_slice %arg11[%mul3A_0, %dma_start3A_26] : memref<10240x128xf32, #tpu.memory_space<vmem_shared>> -> memref<640x128xf32, #tpu.memory_space<vmem_shared>>
      tpu.enqueue_dma source(%dma_start3A_27 : memref<640x128xf32, #tpu.memory_space<vmem_shared>>) target(%dma_start3A_25 : memref<640x128xf32, #tpu.memory_space<hbm>>) target_semaphore(%run_scoped3A : memref<!tpu.dma_semaphore, #tpu.memory_space<semaphore_mem>>)
      %dma_wait3A = arith.constant 0 : i32
      %dma_wait3A_28 = tpu.memref_slice %arg6[%arg0, %mul3A_0, %dma_wait3A] : memref<2x10240x128xf32, #tpu.memory_space<hbm>> -> memref<1x640x128xf32, #tpu.memory_space<hbm>>
      %dma_wait3A_29 = tpu.memref_squeeze %dma_wait3A_28 : memref<1x640x128xf32, #tpu.memory_space<hbm>> -> memref<640x128xf32, #tpu.memory_space<hbm>>
      %dma_wait3A_30 = arith.constant 0 : i32
      %dma_wait3A_31 = tpu.memref_slice %arg11[%mul3A_0, %dma_wait3A_30] : memref<10240x128xf32, #tpu.memory_space<vmem_shared>> -> memref<640x128xf32, #tpu.memory_space<vmem_shared>>
      tpu.wait_dma2 semaphore(%run_scoped3A : memref<!tpu.dma_semaphore, #tpu.memory_space<semaphore_mem>>) src(%dma_wait3A_31 : memref<640x128xf32, #tpu.memory_space<vmem_shared>>) dst(%dma_wait3A_29 : memref<640x128xf32, #tpu.memory_space<hbm>>)
      tpu.yield
    }) : () -> ()
    return
  }
}

module attributes {stable_mosaic.version = 14 : i64} {
  func.func @_tc_first_body(%arg0: i32, %arg1: memref<1024x128xf32, #tpu.memory_space<vmem>>, %arg2: memref<128x128xf32, #tpu.memory_space<vmem>>, %arg3: memref<2x1024x128xf32, #tpu.memory_space<vmem>>, %arg4: memref<1024x128xf32, #tpu.memory_space<vmem>>, %arg5: memref<1024x1xf32, #tpu.memory_space<vmem>>) attributes {dimension_semantics = [#tpu.dimension_semantics<arbitrary>], iteration_bounds = array<i64: 10>, scalar_prefetch = 0 : i64, scratch_operands = 0 : i64, tpu.core_type = #tpu.core_type<tc>, window_params = [{transform_indices = @transform_0, window_bounds = array<i64: 1024, 128>}, {pipeline_mode = #tpu.pipeline_mode<synchronous>, transform_indices = @transform_1, window_bounds = array<i64: 128, 128>}, {transform_indices = @transform_2, window_bounds = array<i64: 2, 1024, 128>}, {transform_indices = @transform_3, window_bounds = array<i64: 1024, 128>}, {transform_indices = @transform_4, window_bounds = array<i64: 1024, 1>}]} {
    %get3A = arith.constant 0 : index
    %get3A_0 = arith.constant 0 : index
    %get3A_1 = arith.constant 0 : index
    %get3A_2 = vector.load %arg3[%get3A, %get3A_0, %get3A_1] : memref<2x1024x128xf32, #tpu.memory_space<vmem>>, vector<1x1024x128xf32>
    %get3A_3 = vector.shape_cast %get3A_2 : vector<1x1024x128xf32> to vector<1024x128xf32>
    %slice3A = vector.extract_strided_slice %get3A_3 {offsets = [0, 0], sizes = [1024, 1], strides = [1, 1]} : vector<1024x128xf32> to vector<1024x1xf32>
    %get3A_4 = arith.constant 1 : index
    %get3A_5 = arith.constant 0 : index
    %get3A_6 = arith.constant 0 : index
    %get3A_7 = vector.load %arg3[%get3A_4, %get3A_5, %get3A_6] : memref<2x1024x128xf32, #tpu.memory_space<vmem>>, vector<1x1024x128xf32>
    %get3A_8 = vector.shape_cast %get3A_7 : vector<1x1024x128xf32> to vector<1024x128xf32>
    %slice3A_9 = vector.extract_strided_slice %get3A_8 {offsets = [0, 0], sizes = [1024, 1], strides = [1, 1]} : vector<1024x128xf32> to vector<1024x1xf32>
    %add3A = arith.addf %slice3A, %slice3A_9 : vector<1024x1xf32>
    %add3A_10 = arith.constant 1.000000e+00 : f32
    %add3A_11 = vector.broadcast %add3A_10 : f32 to vector<1024x1xf32>
    %add3A_12 = arith.addf %add3A, %add3A_11 : vector<1024x1xf32>
    %rsqrt3A = math.rsqrt %add3A_12 : vector<1024x1xf32>
    %get3A_13 = arith.constant 0 : index
    %get3A_14 = arith.constant 0 : index
    %get3A_15 = vector.load %arg1[%get3A_13, %get3A_14] : memref<1024x128xf32, #tpu.memory_space<vmem>>, vector<1024x128xf32>
    %get3A_16 = arith.constant 0 : index
    %get3A_17 = arith.constant 0 : index
    %get3A_18 = vector.load %arg2[%get3A_16, %get3A_17] : memref<128x128xf32, #tpu.memory_space<vmem>>, vector<128x128xf32>
    %dot_general3A = arith.constant dense<0.000000e+00> : vector<1024x128xf32>
    %dot_general3A_19 = tpu.matmul %get3A_15, %get3A_18, %dot_general3A {dimension_numbers = #tpu.dot_dimension_numbers<[1], [0], [0], [1], [0, 0, 1, 1], [], []>, transpose_lhs_hint = false} : vector<1024x128xf32>, vector<128x128xf32>, vector<1024x128xf32> -> vector<1024x128xf32>
    %mul3A = vector.broadcast %rsqrt3A : vector<1024x1xf32> to vector<1024x128xf32>
    %mul3A_20 = arith.mulf %mul3A, %dot_general3A_19 : vector<1024x128xf32>
    %swap3A = arith.constant 0 : index
    %swap3A_21 = arith.constant 0 : index
    %swap3A_22 = vector.load %arg4[%swap3A, %swap3A_21] : memref<1024x128xf32, #tpu.memory_space<vmem>>, vector<1024x128xf32>
    tpu.vector_store %arg4[%swap3A, %swap3A_21], %mul3A_20 {strides = array<i32>} : memref<1024x128xf32, #tpu.memory_space<vmem>>, vector<1024x128xf32>,
    %swap3A_23 = arith.constant 0 : index
    %swap3A_24 = arith.constant 0 : index
    %swap3A_25 = vector.load %arg5[%swap3A_23, %swap3A_24] : memref<1024x1xf32, #tpu.memory_space<vmem>>, vector<1024x1xf32>
    tpu.vector_store %arg5[%swap3A_23, %swap3A_24], %rsqrt3A {strides = array<i32>} : memref<1024x1xf32, #tpu.memory_space<vmem>>, vector<1024x1xf32>,
    return
  }
  func.func @transform_0(%arg0: i32) -> (i32, i32) {
    %c0_i32 = arith.constant 0 : i32
    %c0_i32_0 = arith.constant 0 : i32
    return %arg0, %c0_i32 : i32, i32
  }
  func.func @transform_1(%arg0: i32) -> (i32, i32) {
    %c0_i32 = arith.constant 0 : i32
    %c0_i32_0 = arith.constant 0 : i32
    %c0_i32_1 = arith.constant 0 : i32
    return %c0_i32, %c0_i32_0 : i32, i32
  }
  func.func @transform_2(%arg0: i32) -> (i32, i32, i32) {
    %c0_i32 = arith.constant 0 : i32
    %c0_i32_0 = arith.constant 0 : i32
    %c0_i32_1 = arith.constant 0 : i32
    return %c0_i32, %arg0, %c0_i32_0 : i32, i32, i32
  }
  func.func @transform_3(%arg0: i32) -> (i32, i32) {
    %c0_i32 = arith.constant 0 : i32
    %c0_i32_0 = arith.constant 0 : i32
    return %arg0, %c0_i32 : i32, i32
  }
  func.func @transform_4(%arg0: i32) -> (i32, i32) {
    %c0_i32 = arith.constant 0 : i32
    %c0_i32_0 = arith.constant 0 : i32
    return %arg0, %c0_i32 : i32, i32
  }
}

module attributes {stable_mosaic.version = 14 : i64} {
  func.func @_tc_mid_body(%arg0: i32, %arg1: memref<2x1024x128xf32, #tpu.memory_space<vmem>>, %arg2: memref<1024x128xf32, #tpu.memory_space<vmem>>, %arg3: memref<1024x1xf32, #tpu.memory_space<vmem>>, %arg4: memref<1x128xf32, #tpu.memory_space<vmem>>, %arg5: memref<128x128xf32, #tpu.memory_space<vmem>>, %arg6: memref<1024x128xf32, #tpu.memory_space<vmem>>) attributes {dimension_semantics = [#tpu.dimension_semantics<arbitrary>], iteration_bounds = array<i64: 10>, scalar_prefetch = 0 : i64, scratch_operands = 0 : i64, tpu.core_type = #tpu.core_type<tc>, window_params = [{transform_indices = @transform_0, window_bounds = array<i64: 2, 1024, 128>}, {transform_indices = @transform_1, window_bounds = array<i64: 1024, 128>}, {transform_indices = @transform_2, window_bounds = array<i64: 1024, 1>}, {pipeline_mode = #tpu.pipeline_mode<synchronous>, transform_indices = @transform_3, window_bounds = array<i64: 1, 128>}, {pipeline_mode = #tpu.pipeline_mode<synchronous>, transform_indices = @transform_4, window_bounds = array<i64: 128, 128>}, {transform_indices = @transform_5, window_bounds = array<i64: 1024, 128>}]} {
    %get3A = arith.constant 0 : index
    %get3A_0 = arith.constant 0 : index
    %get3A_1 = vector.load %arg3[%get3A, %get3A_0] : memref<1024x1xf32, #tpu.memory_space<vmem>>, vector<1024x1xf32>
    %get3A_2 = arith.constant 0 : index
    %get3A_3 = arith.constant 0 : index
    %get3A_4 = arith.constant 0 : index
    %get3A_5 = vector.load %arg1[%get3A_2, %get3A_3, %get3A_4] : memref<2x1024x128xf32, #tpu.memory_space<vmem>>, vector<1x1024x128xf32>
    %get3A_6 = vector.shape_cast %get3A_5 : vector<1x1024x128xf32> to vector<1024x128xf32>
    %get3A_7 = arith.constant 1 : index
    %get3A_8 = arith.constant 0 : index
    %get3A_9 = arith.constant 0 : index
    %get3A_10 = vector.load %arg1[%get3A_7, %get3A_8, %get3A_9] : memref<2x1024x128xf32, #tpu.memory_space<vmem>>, vector<1x1024x128xf32>
    %get3A_11 = vector.shape_cast %get3A_10 : vector<1x1024x128xf32> to vector<1024x128xf32>
    %add3A = arith.addf %get3A_6, %get3A_11 : vector<1024x128xf32>
    %get3A_12 = arith.constant 0 : index
    %get3A_13 = arith.constant 0 : index
    %get3A_14 = vector.load %arg2[%get3A_12, %get3A_13] : memref<1024x128xf32, #tpu.memory_space<vmem>>, vector<1024x128xf32>
    %add3A_15 = arith.addf %add3A, %get3A_14 : vector<1024x128xf32>
    %mul3A = vector.broadcast %get3A_1 : vector<1024x1xf32> to vector<1024x128xf32>
    %mul3A_16 = arith.mulf %mul3A, %add3A_15 : vector<1024x128xf32>
    %get3A_17 = arith.constant 0 : index
    %get3A_18 = arith.constant 0 : index
    %get3A_19 = vector.load %arg4[%get3A_17, %get3A_18] : memref<1x128xf32, #tpu.memory_space<vmem>>, vector<1x128xf32>
    %add3A_20 = vector.broadcast %get3A_19 : vector<1x128xf32> to vector<1024x128xf32>
    %add3A_21 = arith.addf %mul3A_16, %add3A_20 : vector<1024x128xf32>
    %max3A = arith.constant 0.000000e+00 : f32
    %max3A_22 = vector.broadcast %max3A : f32 to vector<1024x128xf32>
    %max3A_23 = arith.maximumf %add3A_21, %max3A_22 : vector<1024x128xf32>
    %mul3A_24 = arith.constant 1024 : i32
    %mul3A_25 = arith.muli %arg0, %mul3A_24 : i32
    %iota3A = tpu.iota {dimensions = array<i32: 0>} : vector<1024x1xi32>
    %add3A_26 = vector.broadcast %mul3A_25 : i32 to vector<1024x1xi32>
    %add3A_27 = arith.addi %add3A_26, %iota3A : vector<1024x1xi32>
    %lt3A = arith.constant 10000 : i32
    %lt3A_28 = vector.broadcast %lt3A : i32 to vector<1024x1xi32>
    %lt3A_29 = arith.cmpi slt, %add3A_27, %lt3A_28 : vector<1024x1xi32>
    %jit3A = arith.constant 0.000000e+00 : f32
    %broadcast_in_dim3A = vector.shape_cast %lt3A_29 : vector<1024x1xi1> to vector<1024x1xi1>
    %broadcast_in_dim3A_30 = vector.broadcast %broadcast_in_dim3A : vector<1024x1xi1> to vector<1024x128xi1>
    %broadcast_in_dim3A_31 = vector.broadcast %jit3A : f32 to vector<1024x128xf32>
    %select_n3A = arith.select %broadcast_in_dim3A_30, %max3A_23, %broadcast_in_dim3A_31 : vector<1024x128xi1>, vector<1024x128xf32>
    %get3A_32 = arith.constant 0 : index
    %get3A_33 = arith.constant 0 : index
    %get3A_34 = vector.load %arg5[%get3A_32, %get3A_33] : memref<128x128xf32, #tpu.memory_space<vmem>>, vector<128x128xf32>
    %dot_general3A = arith.constant dense<0.000000e+00> : vector<1024x128xf32>
    %dot_general3A_35 = tpu.matmul %select_n3A, %get3A_34, %dot_general3A {dimension_numbers = #tpu.dot_dimension_numbers<[1], [0], [0], [1], [0, 0, 1, 1], [], []>, transpose_lhs_hint = false} : vector<1024x128xf32>, vector<128x128xf32>, vector<1024x128xf32> -> vector<1024x128xf32>
    %mul3A_36 = vector.broadcast %get3A_1 : vector<1024x1xf32> to vector<1024x128xf32>
    %mul3A_37 = arith.mulf %mul3A_36, %dot_general3A_35 : vector<1024x128xf32>
    %swap3A = arith.constant 0 : index
    %swap3A_38 = arith.constant 0 : index
    %swap3A_39 = vector.load %arg6[%swap3A, %swap3A_38] : memref<1024x128xf32, #tpu.memory_space<vmem>>, vector<1024x128xf32>
    tpu.vector_store %arg6[%swap3A, %swap3A_38], %mul3A_37 {strides = array<i32>} : memref<1024x128xf32, #tpu.memory_space<vmem>>, vector<1024x128xf32>,
    return
  }
  func.func @transform_0(%arg0: i32) -> (i32, i32, i32) {
    %c0_i32 = arith.constant 0 : i32
    %c0_i32_0 = arith.constant 0 : i32
    %c0_i32_1 = arith.constant 0 : i32
    return %c0_i32, %arg0, %c0_i32_0 : i32, i32, i32
  }
  func.func @transform_1(%arg0: i32) -> (i32, i32) {
    %c0_i32 = arith.constant 0 : i32
    %c0_i32_0 = arith.constant 0 : i32
    return %arg0, %c0_i32 : i32, i32
  }
  func.func @transform_2(%arg0: i32) -> (i32, i32) {
    %c0_i32 = arith.constant 0 : i32
    %c0_i32_0 = arith.constant 0 : i32
    return %arg0, %c0_i32 : i32, i32
  }
  func.func @transform_3(%arg0: i32) -> (i32, i32) {
    %c0_i32 = arith.constant 0 : i32
    %c0_i32_0 = arith.constant 0 : i32
    %c0_i32_1 = arith.constant 0 : i32
    return %c0_i32, %c0_i32_0 : i32, i32
  }
  func.func @transform_4(%arg0: i32) -> (i32, i32) {
    %c0_i32 = arith.constant 0 : i32
    %c0_i32_0 = arith.constant 0 : i32
    %c0_i32_1 = arith.constant 0 : i32
    return %c0_i32, %c0_i32_0 : i32, i32
  }
  func.func @transform_5(%arg0: i32) -> (i32, i32) {
    %c0_i32 = arith.constant 0 : i32
    %c0_i32_0 = arith.constant 0 : i32
    return %arg0, %c0_i32 : i32, i32
  }
}

module attributes {stable_mosaic.version = 14 : i64} {
  func.func @_tc_final_body(%arg0: i32, %arg1: memref<2x1024x128xf32, #tpu.memory_space<vmem>>, %arg2: memref<1024x128xf32, #tpu.memory_space<vmem>>, %arg3: memref<1024x1xf32, #tpu.memory_space<vmem>>, %arg4: memref<1x128xf32, #tpu.memory_space<vmem>>, %arg5: memref<1x1024xi32, #tpu.memory_space<vmem>>, %arg6: memref<128x128xf32, #tpu.memory_space<vmem>>, %arg7: memref<1x128xf32, #tpu.memory_space<vmem>>, %arg8: memref<128x10xf32, #tpu.memory_space<vmem>>, %arg9: memref<1x10xf32, #tpu.memory_space<vmem>>, %arg10: memref<64x10xf32, #tpu.memory_space<vmem>>, %arg11: memref<64x128xf32, #tpu.memory_space<vmem>>, %arg12: memref<64x1xf32, #tpu.memory_space<vmem>>) attributes {dimension_semantics = [#tpu.dimension_semantics<arbitrary>], iteration_bounds = array<i64: 10>, scalar_prefetch = 0 : i64, scratch_operands = 2 : i64, tpu.core_type = #tpu.core_type<tc>, window_params = [{transform_indices = @transform_0, window_bounds = array<i64: 2, 1024, 128>}, {transform_indices = @transform_1, window_bounds = array<i64: 1024, 128>}, {transform_indices = @transform_2, window_bounds = array<i64: 1024, 1>}, {pipeline_mode = #tpu.pipeline_mode<synchronous>, transform_indices = @transform_3, window_bounds = array<i64: 1, 128>}, {transform_indices = @transform_4, window_bounds = array<i64: 1, 1024>}, {pipeline_mode = #tpu.pipeline_mode<synchronous>, transform_indices = @transform_5, window_bounds = array<i64: 128, 128>}, {pipeline_mode = #tpu.pipeline_mode<synchronous>, transform_indices = @transform_6, window_bounds = array<i64: 1, 128>}, {pipeline_mode = #tpu.pipeline_mode<synchronous>, transform_indices = @transform_7, window_bounds = array<i64: 128, 10>}, {pipeline_mode = #tpu.pipeline_mode<synchronous>, transform_indices = @transform_8, window_bounds = array<i64: 1, 10>}, {pipeline_mode = #tpu.pipeline_mode<synchronous>, transform_indices = @transform_9, window_bounds = array<i64: 64, 10>}]} {
    %eq3A = arith.constant 0 : i32
    %eq3A_0 = arith.cmpi eq, %arg0, %eq3A : i32
    %convert_element_type3A = arith.extui %eq3A_0 : i1 to i32
    %cond3A = arith.constant 0 : i32
    %cond3A_1 = arith.cmpi ne, %convert_element_type3A, %cond3A : i32
    scf.if %cond3A_1 {
      %broadcast_in_dim3A_55 = arith.constant 0.000000e+00 : f32
      %broadcast_in_dim3A_56 = vector.broadcast %broadcast_in_dim3A_55 : f32 to vector<64x128xf32>
      %swap3A_57 = arith.constant 0 : index
      %swap3A_58 = arith.constant 0 : index
      %swap3A_59 = vector.load %arg11[%swap3A_57, %swap3A_58] : memref<64x128xf32, #tpu.memory_space<vmem>>, vector<64x128xf32>
      tpu.vector_store %arg11[%swap3A_57, %swap3A_58], %broadcast_in_dim3A_56 {strides = array<i32>} : memref<64x128xf32, #tpu.memory_space<vmem>>, vector<64x128xf32>,
      %broadcast_in_dim3A_60 = arith.constant 0.000000e+00 : f32
      %broadcast_in_dim3A_61 = vector.broadcast %broadcast_in_dim3A_60 : f32 to vector<64x1xf32>
      %swap3A_62 = arith.constant 0 : index
      %swap3A_63 = arith.constant 0 : index
      %swap3A_64 = vector.load %arg12[%swap3A_62, %swap3A_63] : memref<64x1xf32, #tpu.memory_space<vmem>>, vector<64x1xf32>
      tpu.vector_store %arg12[%swap3A_62, %swap3A_63], %broadcast_in_dim3A_61 {strides = array<i32>} : memref<64x1xf32, #tpu.memory_space<vmem>>, vector<64x1xf32>,
    } else {
    }
    %get3A = arith.constant 0 : index
    %get3A_2 = arith.constant 0 : index
    %get3A_3 = vector.load %arg3[%get3A, %get3A_2] : memref<1024x1xf32, #tpu.memory_space<vmem>>, vector<1024x1xf32>
    %get3A_4 = arith.constant 0 : index
    %get3A_5 = arith.constant 0 : index
    %get3A_6 = arith.constant 0 : index
    %get3A_7 = vector.load %arg1[%get3A_4, %get3A_5, %get3A_6] : memref<2x1024x128xf32, #tpu.memory_space<vmem>>, vector<1x1024x128xf32>
    %get3A_8 = vector.shape_cast %get3A_7 : vector<1x1024x128xf32> to vector<1024x128xf32>
    %get3A_9 = arith.constant 1 : index
    %get3A_10 = arith.constant 0 : index
    %get3A_11 = arith.constant 0 : index
    %get3A_12 = vector.load %arg1[%get3A_9, %get3A_10, %get3A_11] : memref<2x1024x128xf32, #tpu.memory_space<vmem>>, vector<1x1024x128xf32>
    %get3A_13 = vector.shape_cast %get3A_12 : vector<1x1024x128xf32> to vector<1024x128xf32>
    %add3A = arith.addf %get3A_8, %get3A_13 : vector<1024x128xf32>
    %get3A_14 = arith.constant 0 : index
    %get3A_15 = arith.constant 0 : index
    %get3A_16 = vector.load %arg2[%get3A_14, %get3A_15] : memref<1024x128xf32, #tpu.memory_space<vmem>>, vector<1024x128xf32>
    %add3A_17 = arith.addf %add3A, %get3A_16 : vector<1024x128xf32>
    %mul3A = vector.broadcast %get3A_3 : vector<1024x1xf32> to vector<1024x128xf32>
    %mul3A_18 = arith.mulf %mul3A, %add3A_17 : vector<1024x128xf32>
    %get3A_19 = arith.constant 0 : index
    %get3A_20 = arith.constant 0 : index
    %get3A_21 = vector.load %arg4[%get3A_19, %get3A_20] : memref<1x128xf32, #tpu.memory_space<vmem>>, vector<1x128xf32>
    %add3A_22 = vector.broadcast %get3A_21 : vector<1x128xf32> to vector<1024x128xf32>
    %add3A_23 = arith.addf %mul3A_18, %add3A_22 : vector<1024x128xf32>
    %max3A = arith.constant 0.000000e+00 : f32
    %max3A_24 = vector.broadcast %max3A : f32 to vector<1024x128xf32>
    %max3A_25 = arith.maximumf %add3A_23, %max3A_24 : vector<1024x128xf32>
    %iota3A = tpu.iota {dimensions = array<i32: 0>} : vector<64x1024xi32>
    %get3A_26 = arith.constant 0 : index
    %get3A_27 = arith.constant 0 : index
    %get3A_28 = vector.load %arg5[%get3A_26, %get3A_27] : memref<1x1024xi32, #tpu.memory_space<vmem>>, vector<1x1024xi32>
    %eq3A_29 = vector.broadcast %get3A_28 : vector<1x1024xi32> to vector<64x1024xi32>
    %eq3A_30 = arith.cmpi eq, %eq3A_29, %iota3A : vector<64x1024xi32>
    %convert_element_type3A_31 = arith.extui %eq3A_30 : vector<64x1024xi1> to vector<64x1024xi32>
    %convert_element_type3A_32 = arith.sitofp %convert_element_type3A_31 : vector<64x1024xi32> to vector<64x1024xf32>
    %get3A_33 = arith.constant 0 : index
    %get3A_34 = arith.constant 0 : index
    %get3A_35 = vector.load %arg11[%get3A_33, %get3A_34] : memref<64x128xf32, #tpu.memory_space<vmem>>, vector<64x128xf32>
    %dot_general3A = arith.constant dense<0.000000e+00> : vector<64x128xf32>
    %dot_general3A_36 = tpu.matmul %convert_element_type3A_32, %max3A_25, %dot_general3A {dimension_numbers = #tpu.dot_dimension_numbers<[1], [0], [0], [1], [0, 0, 1, 1], [], []>, transpose_lhs_hint = false} : vector<64x1024xf32>, vector<1024x128xf32>, vector<64x128xf32> -> vector<64x128xf32>
    %add3A_37 = arith.addf %get3A_35, %dot_general3A_36 : vector<64x128xf32>
    %swap3A = arith.constant 0 : index
    %swap3A_38 = arith.constant 0 : index
    %swap3A_39 = vector.load %arg11[%swap3A, %swap3A_38] : memref<64x128xf32, #tpu.memory_space<vmem>>, vector<64x128xf32>
    tpu.vector_store %arg11[%swap3A, %swap3A_38], %add3A_37 {strides = array<i32>} : memref<64x128xf32, #tpu.memory_space<vmem>>, vector<64x128xf32>,
    %get3A_40 = arith.constant 0 : index
    %get3A_41 = arith.constant 0 : index
    %get3A_42 = vector.load %arg12[%get3A_40, %get3A_41] : memref<64x1xf32, #tpu.memory_space<vmem>>, vector<64x1xf32>
    %broadcast_in_dim3A = arith.constant 1.000000e+00 : f32
    %broadcast_in_dim3A_43 = vector.broadcast %broadcast_in_dim3A : f32 to vector<1024x1xf32>
    %dot_general3A_44 = arith.constant dense<0.000000e+00> : vector<64x1xf32>
    %dot_general3A_45 = tpu.matmul %convert_element_type3A_32, %broadcast_in_dim3A_43, %dot_general3A_44 {dimension_numbers = #tpu.dot_dimension_numbers<[1], [0], [0], [1], [0, 0, 1, 1], [], []>, transpose_lhs_hint = false} : vector<64x1024xf32>, vector<1024x1xf32>, vector<64x1xf32> -> vector<64x1xf32>
    %add3A_46 = arith.addf %get3A_42, %dot_general3A_45 : vector<64x1xf32>
    %swap3A_47 = arith.constant 0 : index
    %swap3A_48 = arith.constant 0 : index
    %swap3A_49 = vector.load %arg12[%swap3A_47, %swap3A_48] : memref<64x1xf32, #tpu.memory_space<vmem>>, vector<64x1xf32>
    tpu.vector_store %arg12[%swap3A_47, %swap3A_48], %add3A_46 {strides = array<i32>} : memref<64x1xf32, #tpu.memory_space<vmem>>, vector<64x1xf32>,
    %eq3A_50 = arith.constant 9 : i32
    %eq3A_51 = arith.cmpi eq, %arg0, %eq3A_50 : i32
    %convert_element_type3A_52 = arith.extui %eq3A_51 : i1 to i32
    %cond3A_53 = arith.constant 0 : i32
    %cond3A_54 = arith.cmpi ne, %convert_element_type3A_52, %cond3A_53 : i32
    scf.if %cond3A_54 {
      %get3A_55 = arith.constant 0 : index
      %get3A_56 = arith.constant 0 : index
      %get3A_57 = vector.load %arg11[%get3A_55, %get3A_56] : memref<64x128xf32, #tpu.memory_space<vmem>>, vector<64x128xf32>
      %get3A_58 = arith.constant 0 : index
      %get3A_59 = arith.constant 0 : index
      %get3A_60 = vector.load %arg12[%get3A_58, %get3A_59] : memref<64x1xf32, #tpu.memory_space<vmem>>, vector<64x1xf32>
      %max3A_61 = arith.constant 1.000000e+00 : f32
      %max3A_62 = vector.broadcast %max3A_61 : f32 to vector<64x1xf32>
      %max3A_63 = arith.maximumf %get3A_60, %max3A_62 : vector<64x1xf32>
      %div3A = vector.broadcast %max3A_63 : vector<64x1xf32> to vector<64x128xf32>
      %div3A_64 = arith.divf %get3A_57, %div3A : vector<64x128xf32>
      %get3A_65 = arith.constant 0 : index
      %get3A_66 = arith.constant 0 : index
      %get3A_67 = vector.load %arg6[%get3A_65, %get3A_66] : memref<128x128xf32, #tpu.memory_space<vmem>>, vector<128x128xf32>
      %dot_general3A_68 = arith.constant dense<0.000000e+00> : vector<64x128xf32>
      %dot_general3A_69 = tpu.matmul %div3A_64, %get3A_67, %dot_general3A_68 {dimension_numbers = #tpu.dot_dimension_numbers<[1], [0], [0], [1], [0, 0, 1, 1], [], []>, transpose_lhs_hint = false} : vector<64x128xf32>, vector<128x128xf32>, vector<64x128xf32> -> vector<64x128xf32>
      %get3A_70 = arith.constant 0 : index
      %get3A_71 = arith.constant 0 : index
      %get3A_72 = vector.load %arg7[%get3A_70, %get3A_71] : memref<1x128xf32, #tpu.memory_space<vmem>>, vector<1x128xf32>
      %add3A_73 = vector.broadcast %get3A_72 : vector<1x128xf32> to vector<64x128xf32>
      %add3A_74 = arith.addf %dot_general3A_69, %add3A_73 : vector<64x128xf32>
      %max3A_75 = arith.constant 0.000000e+00 : f32
      %max3A_76 = vector.broadcast %max3A_75 : f32 to vector<64x128xf32>
      %max3A_77 = arith.maximumf %add3A_74, %max3A_76 : vector<64x128xf32>
      %get3A_78 = arith.constant 0 : index
      %get3A_79 = arith.constant 0 : index
      %get3A_80 = vector.load %arg8[%get3A_78, %get3A_79] : memref<128x10xf32, #tpu.memory_space<vmem>>, vector<128x10xf32>
      %dot_general3A_81 = arith.constant dense<0.000000e+00> : vector<64x10xf32>
      %dot_general3A_82 = tpu.matmul %max3A_77, %get3A_80, %dot_general3A_81 {dimension_numbers = #tpu.dot_dimension_numbers<[1], [0], [0], [1], [0, 0, 1, 1], [], []>, transpose_lhs_hint = false} : vector<64x128xf32>, vector<128x10xf32>, vector<64x10xf32> -> vector<64x10xf32>
      %get3A_83 = arith.constant 0 : index
      %get3A_84 = arith.constant 0 : index
      %get3A_85 = vector.load %arg9[%get3A_83, %get3A_84] : memref<1x10xf32, #tpu.memory_space<vmem>>, vector<1x10xf32>
      %add3A_86 = vector.broadcast %get3A_85 : vector<1x10xf32> to vector<64x10xf32>
      %add3A_87 = arith.addf %dot_general3A_82, %add3A_86 : vector<64x10xf32>
      %reduce_max3A = arith.constant dense<0xFF800000> : vector<64xf32>
      %reduce_max3A_88 = vector.multi_reduction <maximumf>, %add3A_87, %reduce_max3A [1] : vector<64x10xf32> to vector<64xf32>
      %broadcast_in_dim3A_89 = vector.shape_cast %reduce_max3A_88 : vector<64xf32> to vector<64x1xf32>
      %sub3A = vector.broadcast %broadcast_in_dim3A_89 : vector<64x1xf32> to vector<64x10xf32>
      %sub3A_90 = arith.subf %add3A_87, %sub3A : vector<64x10xf32>
      %exp3A = math.exp %sub3A_90 : vector<64x10xf32>
      %reduce_sum3A = arith.constant dense<0.000000e+00> : vector<64xf32>
      %reduce_sum3A_91 = vector.multi_reduction <add>, %exp3A, %reduce_sum3A [1] : vector<64x10xf32> to vector<64xf32>
      %broadcast_in_dim3A_92 = vector.shape_cast %reduce_sum3A_91 : vector<64xf32> to vector<64x1xf32>
      %log3A = math.log %broadcast_in_dim3A_92 : vector<64x1xf32>
      %add3A_93 = arith.addf %log3A, %broadcast_in_dim3A_89 : vector<64x1xf32>
      %sub3A_94 = vector.broadcast %add3A_93 : vector<64x1xf32> to vector<64x10xf32>
      %sub3A_95 = arith.subf %add3A_87, %sub3A_94 : vector<64x10xf32>
      %swap3A_96 = arith.constant 0 : index
      %swap3A_97 = arith.constant 0 : index
      %swap3A_98 = vector.load %arg10[%swap3A_96, %swap3A_97] : memref<64x10xf32, #tpu.memory_space<vmem>>, vector<64x10xf32>
      tpu.vector_store %arg10[%swap3A_96, %swap3A_97], %sub3A_95 {strides = array<i32>} : memref<64x10xf32, #tpu.memory_space<vmem>>, vector<64x10xf32>,
    } else {
    }
    return
  }
  func.func @transform_0(%arg0: i32) -> (i32, i32, i32) {
    %c0_i32 = arith.constant 0 : i32
    %c0_i32_0 = arith.constant 0 : i32
    %c0_i32_1 = arith.constant 0 : i32
    return %c0_i32, %arg0, %c0_i32_0 : i32, i32, i32
  }
  func.func @transform_1(%arg0: i32) -> (i32, i32) {
    %c0_i32 = arith.constant 0 : i32
    %c0_i32_0 = arith.constant 0 : i32
    return %arg0, %c0_i32 : i32, i32
  }
  func.func @transform_2(%arg0: i32) -> (i32, i32) {
    %c0_i32 = arith.constant 0 : i32
    %c0_i32_0 = arith.constant 0 : i32
    return %arg0, %c0_i32 : i32, i32
  }
  func.func @transform_3(%arg0: i32) -> (i32, i32) {
    %c0_i32 = arith.constant 0 : i32
    %c0_i32_0 = arith.constant 0 : i32
    %c0_i32_1 = arith.constant 0 : i32
    return %c0_i32, %c0_i32_0 : i32, i32
  }
  func.func @transform_4(%arg0: i32) -> (i32, i32) {
    %c0_i32 = arith.constant 0 : i32
    %c0_i32_0 = arith.constant 0 : i32
    return %c0_i32, %arg0 : i32, i32
  }
  func.func @transform_5(%arg0: i32) -> (i32, i32) {
    %c0_i32 = arith.constant 0 : i32
    %c0_i32_0 = arith.constant 0 : i32
    %c0_i32_1 = arith.constant 0 : i32
    return %c0_i32, %c0_i32_0 : i32, i32
  }
  func.func @transform_6(%arg0: i32) -> (i32, i32) {
    %c0_i32 = arith.constant 0 : i32
    %c0_i32_0 = arith.constant 0 : i32
    %c0_i32_1 = arith.constant 0 : i32
    return %c0_i32, %c0_i32_0 : i32, i32
  }
  func.func @transform_7(%arg0: i32) -> (i32, i32) {
    %c0_i32 = arith.constant 0 : i32
    %c0_i32_0 = arith.constant 0 : i32
    %c0_i32_1 = arith.constant 0 : i32
    return %c0_i32, %c0_i32_0 : i32, i32
  }
  func.func @transform_8(%arg0: i32) -> (i32, i32) {
    %c0_i32 = arith.constant 0 : i32
    %c0_i32_0 = arith.constant 0 : i32
    %c0_i32_1 = arith.constant 0 : i32
    return %c0_i32, %c0_i32_0 : i32, i32
  }
  func.func @transform_9(%arg0: i32) -> (i32, i32) {
    %c0_i32 = arith.constant 0 : i32
    %c0_i32_0 = arith.constant 0 : i32
    %c0_i32_1 = arith.constant 0 : i32
    return %c0_i32, %c0_i32_0 : i32, i32
  }
}

</mosaic_0001>

<sc_bundles>
// kernel: kernel.10.cloned.1.call-start
scs
__scs_entry_jumppad:
0x0: {  	(pc) =	sbr.rel $0x88, $3  }
0x1: {  	(tag) =	ssettag $0x0;
	lr =	simm.s32 $0x1  }
0x2: {  	[smem:$0x3F94] =	sst lr;
	_ =	strace $0xD0000000  }
0x3: {  	_ = 	snop  }
0x4: {  	_ = 	snop  }
0x5: {  	_ = 	snop  }
0x6: {  	_ = 	snop  }
0x7: {  	_ = 	snop  }
__scs_overlays_trampoline_lowered:
0x8: {  	[smem:$0x3FA3] =	sst s0  }
0x9: {  	[smem:$0x3FA4] =	sst s1  }
0xa: {  	[smem:$0x3FA5] =	sst s2  }
0xb: {  	[smem:$0x3FA6] =	sst s3  }
0xc: {  	[smem:$0x3FA7] =	sst s4  }
0xd: {  	[smem:$0x3FA8] =	sst s5  }
0xe: {  	[smem:$0x3FA9] =	sst s6  }
0xf: {  	[smem:$0x3FAA] =	sst s7  }
0x10: {  	[smem:$0x3FAB] =	sst s8  }
0x11: {  	[smem:$0x3FAC] =	sst s9;
	s0 =	simm.s32 @!p0 $0x0  }
0x12: {  	s1 =	sld [smem:$0x3F92];
	s0 =	simm.s32 @p0 $0x1  }
0x13: {  	[smem:$0x3FAD] =	sst s0;
	s0 =	simm.s32 @!p1 $0x0  }
0x14: {  	s2 =	sld [smem:$0x3F91];
	s0 =	simm.s32 @p1 $0x1  }
0x15: {  	[smem:$0x3FAE] =	sst s0;
	s0 =	simm.s32 @!p2 $0x0  }
0x16: {  	s3 =	sld [smem:$0x3FDB];
	s0 =	simm.s32 @p2 $0x1  }
0x17: {  	s4 =	simm.s32 $0x1BF5;
	[smem:$0x3FB0] =	sst s0  }
0x18: {  	s0 =	sld [smem:$0x3F93];
	_ =	swait.ge [sflag:s4], $0x0  }
0x19: {  	s7 =	sld [smem:$0x3F94]  }
0x1a: {  	s8 =	sadd.s32 $0xFFFFE003, lr  }
0x1b: {  	s9 =	sadd.s32 $0xFFFFFEF7, lr;
	s5 =	simm.s32 $0xFFFFFFFF;
	p2 =	slt.u32 s8, $0xFFFFF086  }
0x1c: {  	p1 =	slt.u32 s9, $0xF7A;
	s5 =	simm.s32 @!p2 $0x0  }
0x1d: {  	s5 =	simm.s32 @p1 $0x1;
	p0 =	seq.s32 s7, s2  }
0x1e: {  	s7 =	smul.u32 @!p0 $0xF7A, s2;
	p2 =	seq.s32 @!p0 s5, $0x0  }
0x1f: {  	s9 =	smul.u32 $0xF7A, s1;
	s8 =	simm.s32 @!p0 $0x1BF5;
	p2 =	por !p2, p0  }
0x20: {  	[sflag:s8] =	ssyncset.s32 @!p0 $0xFFFFF086;
	s6 =	sadd.s32 @!p0 s3, s7;
	s7 =	simm.s32 @!p0 $0x108  }
0x21: {  	s3 =	sadd.s32 s3, s9;
	s6 =	sadd.s32 @!p0 $0x88, s6;
	s7 =	simm.s32 @p2 $0x1082  }
0x22: {  	[simem:s7], [sflag:s8] =	dma.local @!p0 [hbm:s6], $0xF7A  }
0x23: {  	s9 =	sor.u32 $0xD0000000, s2;
	s6 =	simm.s32 $0x108;
	_ =	swait.ge @!p0 [sflag:s8], $0x0  }
0x24: {  	s3 =	sadd.s32 $0x88, s3;
	s6 =	simm.s32 @!p1 $0x1082;
	[sflag:s4] =	ssyncset.s32 $0xFFFFF086  }
0x25: {  	[simem:s6], [sflag:s4] =	dma.local [hbm:s3], $0xF7A  }
0x26: {  	[smem:$0x3F94] =	sst s1;
	(tag) =	ssettag s2;
	_ =	strace s9  }
0x27: {  	s1 =	sld [smem:$0x3FA4]  }
0x28: {  	s2 =	sld [smem:$0x3FA5]  }
0x29: {  	s4 =	sld [smem:$0x3FA7]  }
0x2a: {  	p0 =	seq.s32 s5, $0x0;
	s5 =	sld [smem:$0x3FA8]  }
0x2b: {  	s6 =	sld [smem:$0x3FA9]  }
0x2c: {  	s7 =	sld [smem:$0x3FAA]  }
0x2d: {  	s3 =	simm.s32 $0x108;
	s8 =	sld [smem:$0x3FAB]  }
0x2e: {  	s3 =	simm.s32 @!p0 $0x1082;
	s9 =	sld [smem:$0x3FAC]  }
0x2f: {  	lr =	sadd.s32 s0, s3;
	s0 =	sld [smem:$0x3FA3]  }
0x30: {  	s3 =	sld [smem:$0x3FA6]  }
0x31: {  	[smem:$0x3FAF] =	sst s10  }
0x32: {  	s10 =	sld [smem:$0x3FAD];
	_ =	sdelay $0x3  }
0x33: {  	p0 =	seq.s32 s10, $0x1;
	s10 =	sld [smem:$0x3FAF];
	_ =	sdelay $0x3  }
0x34: {  	[smem:$0x3FAF] =	sst s10  }
0x35: {  	s10 =	sld [smem:$0x3FAE];
	_ =	sdelay $0x3  }
0x36: {  	p1 =	seq.s32 s10, $0x1;
	s10 =	sld [smem:$0x3FAF];
	_ =	sdelay $0x3  }
0x37: {  	[smem:$0x3FAF] =	sst s10  }
0x38: {  	s10 =	sld [smem:$0x3FB0]  }
0x39: {  	_ = 	snop;
	(pc) =	sbr.ind lr, $3  }
0x3a: {  	_ = 	snop  }
0x3b: {  	_ = 	snop  }
0x3c: {  	p2 =	seq.s32 s10, $0x1;
	s10 =	sld [smem:$0x3FAF]  }
0x3d: {  	_ =	shalt  }
0x3e: {  	_ =	shalt  }
0x3f: {  	_ =	shalt  }
0x40: {  	_ =	shalt  }
0x41: {  	_ =	shalt  }
0x42: {  	_ =	shalt  }
0x43: {  	_ =	shalt  }
0x44: {  	_ =	shalt  }
0x45: {  	_ =	shalt  }
0x46: {  	_ =	shalt  }
0x47: {  	_ =	shalt  }
0x48: {  	_ =	shalt  }
0x49: {  	_ =	shalt  }
0x4a: {  	_ =	shalt  }
0x4b: {  	_ =	shalt  }
0x4c: {  	_ =	shalt  }
0x4d: {  	_ =	shalt  }
0x4e: {  	_ =	shalt  }
0x4f: {  	_ =	shalt  }
0x50: {  	_ =	shalt  }
0x51: {  	_ =	shalt  }
0x52: {  	_ =	shalt  }
0x53: {  	_ =	shalt  }
0x54: {  	_ =	shalt  }
0x55: {  	_ =	shalt  }
0x56: {  	_ =	shalt  }
0x57: {  	_ =	shalt  }
0x58: {  	_ =	shalt  }
0x59: {  	_ =	shalt  }
0x5a: {  	_ =	shalt  }
0x5b: {  	_ =	shalt  }
0x5c: {  	_ =	shalt  }
0x5d: {  	_ =	shalt  }
0x5e: {  	_ =	shalt  }
0x5f: {  	_ =	shalt  }
0x60: {  	_ =	shalt  }
0x61: {  	_ =	shalt  }
0x62: {  	_ =	shalt  }
0x63: {  	_ =	shalt  }
0x64: {  	_ =	shalt  }
0x65: {  	_ =	shalt  }
0x66: {  	_ =	shalt  }
0x67: {  	_ =	shalt  }
0x68: {  	_ =	shalt  }
0x69: {  	_ =	shalt  }
0x6a: {  	_ =	shalt  }
0x6b: {  	_ =	shalt  }
0x6c: {  	_ =	shalt  }
0x6d: {  	_ =	shalt  }
0x6e: {  	_ =	shalt  }
0x6f: {  	_ =	shalt  }
0x70: {  	_ =	shalt  }
0x71: {  	_ =	shalt  }
0x72: {  	_ =	shalt  }
0x73: {  	_ =	shalt  }
0x74: {  	_ =	shalt  }
0x75: {  	_ =	shalt  }
0x76: {  	_ =	shalt  }
0x77: {  	_ =	shalt  }
0x78: {  	_ =	shalt  }
0x79: {  	_ =	shalt  }
0x7a: {  	_ =	shalt  }
0x7b: {  	_ =	shalt  }
0x7c: {  	_ =	shalt  }
0x7d: {  	_ =	shalt  }
0x7e: {  	_ =	shalt  }
0x7f: {  	_ =	shalt  }
0x80: {  	_ =	shalt  }
0x81: {  	_ =	shalt  }
0x82: {  	_ =	shalt  }
0x83: {  	_ =	shalt  }
0x84: {  	_ =	shalt  }
0x85: {  	_ =	shalt  }
0x86: {  	_ =	shalt  }
0x87: {  	_ =	shalt  }
.Lfunc_end0:
.L_simem_size_0:
called_computation_lowered:
.L_overlay_start_0:
0x88: {  	s2 =	sld [smem:$0x3FD9]  }
0x89: {  	s3 =	sld [smem:$0x3FFE];
	_ =	sdelay $0x1  }
0x8a: {  	s1 =	srdreg.scid  }
0x8b: {  	s0 =	sand.u32 $0x1, s1  }
0x8c: {  	s16 =	sshll.u32 s0, $0xA;
	s2 =	sadd.s32 s3, s2  }
0x8d: {  	s2 =	sadd.s32 s2, s16  }
0x8e: {  	[smem:$0x3FBB] =	sst s2  }
0x8f: {  	_ = 	snop  }
0x90: {  	(tm) =	ssettm $0x1  }
0x91: {  	s17 =	sld [smem:$0x3FFB];
	_ =	sdelay $0x3  }
0x92: {  	_ =	strace s17  }
0x93: {  	s2 =	sld [smem:$0x3FFC];
	_ =	sdelay $0x3  }
0x94: {  	_ =	strace s2  }
0x95: {  	s2 =	sld [smem:$0x3FFD];
	_ =	sdelay $0x3  }
0x96: {  	_ =	strace s2  }
0x97: {  	_ =	strace $0x8FFFFFFF  }
0x98: {  	s18 =	sld [smem:$0x3FDB];
	_ =	sdelay $0x1  }
0x99: {  	s19 =	simm.s32 $_scs_section_size  }
0x9a: {  	s4 =	simm.s32 $_size__tile_overlayer_lowered;
	s5 =	simm.s32 $_tile_overlayer_lowered  }
0x9b: {  	s22 =	simm.s32 $0x1BFF;
	s21 =	sshll.u32 s5, $0x1;
	s2 =	sadd.s32 s19, s18  }
0x9c: {  	s6 =	simm.s32 $0x0;
	s20 =	sshll.u32 s4, $0x1;
	s4 =	sadd.s32 s21, s2  }
0x9d: {  	[timem:s6], [sflag:s22] =	dma.local [hbm:s4], s20  }
0x9e: {  	_ =	swait.ge [sflag:s22], s20  }
0x9f: {  	s3 =	ssub.s32 $0x0, s20;
	[sflag:s22] =	ssyncset.done $0x0  }
0xa0: {  	[sflag:s22] =	ssyncadd.s32 s3;
	_ =	sdelay $0x1  }
0xa1: {  	s23 =	simm.s32 $0x1B8B  }
0xa2: {  	_ =	swait.ge [sflag:s23], $0x1  }
0xa3: {  	[sflag:s23] =	ssyncset.done $0x0  }
0xa4: {  	s25 =	simm.s32 $0x1B8E;
	s24 =	sld [smem:$0x3FFE];
	[sflag:s23] =	ssyncadd.s32 $0xFFFFFFFF  }
0xa5: {  	s26 =	simm.s32 $execute0_lowered;
	[smem:$0x3FD2] =	sst s25  }
0xa6: {  	s4 =	sshll.u32 s26, $0x1;
	_ =	strace $0x80000046;
	[dreg:$0x1] =	wrdreg $0xFFFFFFFF  }
0xa7: {  	s28 =	simm.s32 $_size_execute0_lowered;
	s2 =	sadd.s32 s2, s4;
	[dreg:$0x0] =	wrdreg $0x0  }
0xa8: {  	s4 =	sshll.u32 s28, $0x1;
	[dreg:$0x2] =	wrdreg s2  }
0xa9: {  	[dreg:$0x3] =	wrdreg s4  }
0xaa: {  	[dreg:$0x4] =	wrdreg $0xC0  }
0xab: {  	_ =	task [dreg:s6], $0x5FFFF  }
0xac: {  	[dreg:$0x1] =	wrdreg $0xFFFFFFFF  }
0xad: {  	[dreg:$0x0] =	wrdreg $0x60  }
0xae: {  	[dreg:$0x2] =	wrdreg s24  }
0xaf: {  	[dreg:$0x3] =	wrdreg $0x68000  }
0xb0: {  	[dreg:$0x4] =	wrdreg $0x9  }
0xb1: {  	_ =	task.clear_ibuf [dreg:s6], $0x5FFFF;
	_ =	strace $0x90000046  }
0xb2: {  	s29 =	simm.s32 $0x9;
	_ =	strace $0x80000048  }
0xb3: {  	_ =	swait.ge [sflag:s29], $0x1  }
0xb4: {  	[sflag:s29] =	ssyncadd.s32 $0xFFFFFFFF  }
0xb5: {  	_ =	strace $0x90000048  }
0xb6: {  	_ =	sfence  }
0xb7: {  	s30 =	sld [smem:$0x0];
	_ =	sdelay $0x2  }
0xb8: {  	s31 =	sshll.u32 s1, $0xD;
	s1 =	sshrl.u32 s1, $0x2  }
0xb9: {  	s3 =	sand.u32 $0x4000, s31;
	s1 =	sadd.s32 s1, s30  }
0xba: {  	s0 =	sor.u32 s3, s0;
	s1 =	sshll.u32 s1, $0x11  }
0xbb: {  	s0 =	sor.u32 s1, s0  }
0xbc: {  	s0 =	sadd.s32 $0x8F2B, s0  }
0xbd: {  	[sflag:s0] =	ssyncadd.remote.s32 $0x1  }
0xbe: {  	_ =	sfence.sel $0xFFFF  }
0xbf: {  	[dreg:$0x0] =	wrdreg $0xFFFFFFFF;
	(pc) =	sbr.abs _section_cstart, $3  }
0xc0: {  	[dreg:$0x1] =	wrdreg $0xFFFFFFFF  }
0xc1: {  	_ =	task.clear_ibuf [dreg:s6], $0x2FFFF;
	_ =	strace $0x9FFFFFFF  }
0xc2: {  	(tm) =	ssettm $0x7FFFFFFF  }
0xc3: {  	_ =	shalt  }
tec
execute0_lowered:
.L_overlay_start_1:
0x0: {  	(tag) =	ssettag $0x1  }
0x1: {  	s0 =	srdreg.scid;
	s5 =	rddreg [dreg:$0x0]  }
0x2: {  	s2 =	rddreg [dreg:$0x1];
	s6 =	sand.u32 $0x1, s0  }
0x3: {  	s0 =	stileid.u32;
	s4 =	smul.u32 $0x5000, s6  }
0x4: {  	s1 =	rddreg [dreg:$0x2];
	s3 =	simm.s32 $0x0;
	s7 =	smul.u32 $0x500, s0  }
0x5: {  	s14 =	simm.s32 $0x1;
	[smem:$0x7FF] =	sst s3;
	s8 =	smul.u32 $0x14000, s0  }
0x6: {  	s15 =	simm.s32 $0x0;
	s26 =	smul.u32 $0x140000, s6;
	_ =	strace $0x80000047  }
0x7: {  	s6 =	ssub.s32 $0x2, s6;
	s28 =	smul.u32 $0x50000, s0;
	s31 =	sshll.u32 s0, $0x6  }
0x8: {  	s29 =	sshrl.u32 s6, $0x1;
	s4 =	sadd.s32 s7, s4;
	s10 =	sshrl.u32 s8, $0x3  }
0x9: {  	s7 =	sadd.s32 s8, s26;
	s12 =	ssub.s32 s6, s29;
	s30 =	sshrl.u32 s28, $0x2  }
0xa: {  	s6 =	sor.u32 $0x1C02, s31;
	s9 =	sadd.s32 s4, s5;
	s4 =	sadd.s32 $0x3FE00, s5  }
0xb: {  	s7 =	sshrl.u32 s7, $0x3;
	s10 =	sadd.s32 s10, s5;
	s13 =	sadd.s32 s30, s2  }
0xc: {  	s11 =	sadd.s32 s7, s5;
	s5 =	sadd.s32 $0x17E00, s10;
	s7 =	sadd.s32 $0xDE00, s9  }
0xd: {  	s9 =	smax.u32 s12, $0x1;
	s10 =	sshrl.u32 s13, $0x3;
	s12 =	simm.s32 $0x2800  }
0xe: {  	s13 =	simm.s32 $0x80;
	s8 =	sadd.s32 $0x40600, s11;
	s11 =	simm.s32 $0x2  }
.LBB2_1:
0xf: {  	[spmem:s10], [sflag:s6] =	dma.local [hbm:s5], $0x2800  }
0x10: {  	_ =	swait.ge [sflag:s11], $0x2800  }
0x11: {  	[sflag:s11] =	ssyncset.done $0x0  }
0x12: {  	[sflag:s11] =	ssyncadd.s32 $0xFFFFD800  }
0x13: {  	[tilespmem:s12], [sflag:$0x2] =	stream.linear.gather [hbm4b:s4+s3], $0x4000, $0x38;
	[tilespmem:$0x1A800] =	vst v63  }
0x14: {  	_ =	swait.ge [sflag:s11], $0x4000  }
0x15: {  	[sflag:s11] =	ssyncset.done $0x0  }
0x16: {  	[sflag:s11] =	ssyncadd.s32 $0xFFFFC000  }
0x17: {  	[tilespmem:s3], [sflag:$0x2] =	stream.linear.gather [hbm4b:s7+s3], $0x2800, $0x38;
	[tilespmem:$0x1A800] =	vst v63  }
0x18: {  	_ =	swait.ge [sflag:s11], $0x2800  }
0x19: {  	[sflag:s11] =	ssyncset.done $0x0  }
0x1a: {  	[sflag:s11] =	ssyncadd.s32 $0xFFFFD800  }
0x1b: {  	s16 =	simm.s32 $0x0;
	[bflag:$0x0] =	sbarrier.arrive $0xFFFF  }
0x1c: {  	[spmem:s2] =	stream.indirect.scatter.add.f32 [tilespmem:s12], [sflag:$0x1], $0x80, s16, s13, $0xb8;
	[tilespmem:$0x1A800] =	vst v63  }
0x1d: {  	s29 =	simm.s32 $0x80  }
0x1e: {  	[spmem:s2] =	stream.indirect.scatter.add.f32 [tilespmem:s12], [sflag:$0x1], $0x80, s29, s13, $0xb8;
	[tilespmem:$0x1A800] =	vst v63  }
0x1f: {  	s30 =	simm.s32 $0x100  }
0x20: {  	[spmem:s2] =	stream.indirect.scatter.add.f32 [tilespmem:s12], [sflag:$0x1], $0x80, s30, s13, $0xb8;
	[tilespmem:$0x1A800] =	vst v63  }
0x21: {  	s31 =	simm.s32 $0x180  }
0x22: {  	[spmem:s2] =	stream.indirect.scatter.add.f32 [tilespmem:s12], [sflag:$0x1], $0x80, s31, s13, $0xb8;
	[tilespmem:$0x1A800] =	vst v63  }
0x23: {  	_ =	swait.ge [sflag:s14], $0x4000  }
0x24: {  	[sflag:s14] =	ssyncset.done $0x0  }
0x25: {  	[sflag:s14] =	ssyncadd.s32 $0xFFFFC000  }
0x26: {  	_ =	swait.ge [sflag:s14], $0x4000  }
0x27: {  	[sflag:s14] =	ssyncset.done $0x0  }
0x28: {  	[sflag:s14] =	ssyncadd.s32 $0xFFFFC000  }
0x29: {  	_ =	swait.ge [sflag:s14], $0x4000  }
0x2a: {  	[sflag:s14] =	ssyncset.done $0x0  }
0x2b: {  	[sflag:s14] =	ssyncadd.s32 $0xFFFFC000  }
0x2c: {  	_ =	swait.ge [sflag:s14], $0x4000  }
0x2d: {  	s17 =	simm.s32 $0x1000;
	s16 =	simm.s32 $0x800;
	[sflag:s14] =	ssyncset.done $0x0  }
.LBB2_2:
0x2e: {  	s18 =	sshra.s32 s16, $0x2  }
0x2f: {  	[sflag:s14] =	ssyncadd.s32 $0xFFFFC000;
	s16 =	smov.u32 s17;
	s19 =	sadd.s32 $0x800, s17  }
0x30: {  	[spmem:s2] =	stream.indirect.scatter.add.f32 [tilespmem:s12], [sflag:$0x1], $0x80, s18, s13, $0xb8;
	[tilespmem:$0x1A800] =	vst v63  }
0x31: {  	p0 =	sne.s32 s17, $0x9800;
	s17 =	sadd.s32 $0x80, s18  }
0x32: {  	[spmem:s2] =	stream.indirect.scatter.add.f32 [tilespmem:s12], [sflag:$0x1], $0x80, s17, s13, $0xb8;
	[tilespmem:$0x1A800] =	vst v63  }
0x33: {  	s17 =	sadd.s32 $0x100, s18  }
0x34: {  	[spmem:s2] =	stream.indirect.scatter.add.f32 [tilespmem:s12], [sflag:$0x1], $0x80, s17, s13, $0xb8;
	[tilespmem:$0x1A800] =	vst v63  }
0x35: {  	s17 =	sadd.s32 $0x180, s18  }
0x36: {  	[spmem:s2] =	stream.indirect.scatter.add.f32 [tilespmem:s12], [sflag:$0x1], $0x80, s17, s13, $0xb8;
	[tilespmem:$0x1A800] =	vst v63  }
0x37: {  	_ =	swait.ge [sflag:s14], $0x4000  }
0x38: {  	[sflag:s14] =	ssyncset.done $0x0  }
0x39: {  	[sflag:s14] =	ssyncadd.s32 $0xFFFFC000  }
0x3a: {  	_ =	swait.ge [sflag:s14], $0x4000  }
0x3b: {  	[sflag:s14] =	ssyncset.done $0x0  }
0x3c: {  	[sflag:s14] =	ssyncadd.s32 $0xFFFFC000  }
.Ltmp0:
0x3d: {  	_ =	swait.ge [sflag:s14], $0x4000;
	(pc) =	sbr.rel @p0 .LBB2_2-.Ltmp0, $4  }
0x3e: {  	[sflag:s14] =	ssyncset.done $0x0  }
0x3f: {  	[sflag:s14] =	ssyncadd.s32 $0xFFFFC000  }
0x40: {  	_ =	swait.ge [sflag:s14], $0x4000  }
0x41: {  	s17 =	smov.u32 s19;
	[sflag:s14] =	ssyncset.done $0x0  }
0x42: {  	s16 =	sshra.s32 s16, $0x2;
	[sflag:s14] =	ssyncadd.s32 $0xFFFFC000  }
0x43: {  	[spmem:s2] =	stream.indirect.scatter.add.f32 [tilespmem:s12], [sflag:$0x1], $0x80, s16, s13, $0xb8;
	[tilespmem:$0x1A800] =	vst v63  }
0x44: {  	s17 =	sadd.s32 $0x80, s16  }
0x45: {  	[spmem:s2] =	stream.indirect.scatter.add.f32 [tilespmem:s12], [sflag:$0x1], $0x80, s17, s13, $0xb8;
	[tilespmem:$0x1A800] =	vst v63  }
0x46: {  	s31 =	sadd.s32 $0x100, s16  }
0x47: {  	[spmem:s2] =	stream.indirect.scatter.add.f32 [tilespmem:s12], [sflag:$0x1], $0x80, s31, s13, $0xb8;
	[tilespmem:$0x1A800] =	vst v63  }
0x48: {  	s16 =	sadd.s32 $0x180, s16  }
0x49: {  	[spmem:s2] =	stream.indirect.scatter.add.f32 [tilespmem:s12], [sflag:$0x1], $0x80, s16, s13, $0xb8;
	[tilespmem:$0x1A800] =	vst v63  }
0x4a: {  	_ =	swait.ge [sflag:s14], $0x4000  }
0x4b: {  	[sflag:s14] =	ssyncset.done $0x0  }
0x4c: {  	[sflag:s14] =	ssyncadd.s32 $0xFFFFC000  }
0x4d: {  	_ =	swait.ge [sflag:s14], $0x4000  }
0x4e: {  	[sflag:s14] =	ssyncset.done $0x0  }
0x4f: {  	[sflag:s14] =	ssyncadd.s32 $0xFFFFC000  }
0x50: {  	_ =	swait.ge [sflag:s14], $0x4000  }
0x51: {  	[sflag:s14] =	ssyncset.done $0x0  }
0x52: {  	[sflag:s14] =	ssyncadd.s32 $0xFFFFC000  }
0x53: {  	_ =	swait.ge [sflag:s14], $0x4000  }
0x54: {  	s15 =	sadd.s32 $0x1, s15;
	[sflag:s14] =	ssyncset.done $0x0  }
0x55: {  	p0 =	sne.s32 s15, s9;
	[sflag:s14] =	ssyncadd.s32 $0xFFFFC000  }
.Ltmp1:
0x56: {  	[bflag:$0x0] =	sbarrier.arrive $0xFFFF;
	(pc) =	sbr.rel @p0 .LBB2_1-.Ltmp1, $4  }
0x57: {  	[hbm:s8], [sflag:s6] =	dma.local [spmem:s10], $0x2800  }
0x58: {  	_ =	swait.ge [sflag:s11], $0x2800  }
0x59: {  	[sflag:s11] =	ssyncset.done $0x0  }
0x5a: {  	[sflag:s11] =	ssyncadd.s32 $0xFFFFD800  }
0x5b: {  	_ =	sfence.sel $0x180000  }
0x5c: {  	[bflag:$0x0] =	sbarrier.arrive $0xFFFF  }
0x5d: {  	p0 =	sne.s32 s0, $0x0;
	_ =	strace $0x90000047  }
0x5e: {  	s0 =	sadd.s32 @!p0 $0x100000, s1;
	[bflag:$0x2] =	sbarrier.arrive $0xFFFF  }
0x5f: {  	[sflag:s0] =	ssyncadd.tile.s32 @!p0 $0x1;
	_ =	shalt  }
.Lfunc_end2:
_tile_overlayer_lowered:
.L_overlay_start_2:
0x60: {  	(tag) =	ssettag $0x2  }
0x61: {  	s0 =	rddreg [dreg:$0x0];
	s2 =	stileid.u32  }
0x62: {  	s1 =	rddreg [dreg:$0x1];
	p0 =	sne.s32 s2, $0x0  }
0x63: {  	s3 =	rddreg [dreg:$0x2];
	[bflag:$0x3] =	sbarrier.arrive $0xFFFF;
	s2 =	simm.s32 @!p0 $0x1C02  }
0x64: {  	[timem:s3], [sflag:s2] =	dma.local @!p0 [hbm:s0], s1  }
0x65: {  	s0 =	simm.s32 @!p0 $0x2  }
0x66: {  	_ =	swait.ge @!p0 [sflag:s0], s1  }
0x67: {  	s1 =	ssub.s32 @!p0 $0x0, s1;
	[sflag:s0] =	ssyncset.done @!p0 $0x0  }
0x68: {  	[sflag:s0] =	ssyncadd.s32 @!p0 s1  }
0x69: {  	[bflag:$0x3] =	sbarrier.arrive $0xFFFF  }
0x6a: {  	_ =	shalt  }

// kernel: kernel.13.cloned.1.call-start
scs
__scs_entry_jumppad:
0x0: {  	(pc) =	sbr.rel $0x88, $3  }
0x1: {  	(tag) =	ssettag $0x0;
	lr =	simm.s32 $0x1  }
0x2: {  	[smem:$0x3F94] =	sst lr;
	_ =	strace $0xD0000000  }
0x3: {  	_ = 	snop  }
0x4: {  	_ = 	snop  }
0x5: {  	_ = 	snop  }
0x6: {  	_ = 	snop  }
0x7: {  	_ = 	snop  }
__scs_overlays_trampoline_lowered:
0x8: {  	[smem:$0x3FA3] =	sst s0  }
0x9: {  	[smem:$0x3FA4] =	sst s1  }
0xa: {  	[smem:$0x3FA5] =	sst s2  }
0xb: {  	[smem:$0x3FA6] =	sst s3  }
0xc: {  	[smem:$0x3FA7] =	sst s4  }
0xd: {  	[smem:$0x3FA8] =	sst s5  }
0xe: {  	[smem:$0x3FA9] =	sst s6  }
0xf: {  	[smem:$0x3FAA] =	sst s7  }
0x10: {  	[smem:$0x3FAB] =	sst s8  }
0x11: {  	[smem:$0x3FAC] =	sst s9;
	s0 =	simm.s32 @!p0 $0x0  }
0x12: {  	s1 =	sld [smem:$0x3F92];
	s0 =	simm.s32 @p0 $0x1  }
0x13: {  	[smem:$0x3FAD] =	sst s0;
	s0 =	simm.s32 @!p1 $0x0  }
0x14: {  	s2 =	sld [smem:$0x3F91];
	s0 =	simm.s32 @p1 $0x1  }
0x15: {  	[smem:$0x3FAE] =	sst s0;
	s0 =	simm.s32 @!p2 $0x0  }
0x16: {  	s3 =	sld [smem:$0x3FDB];
	s0 =	simm.s32 @p2 $0x1  }
0x17: {  	s4 =	simm.s32 $0x1BF5;
	[smem:$0x3FB0] =	sst s0  }
0x18: {  	s0 =	sld [smem:$0x3F93];
	_ =	swait.ge [sflag:s4], $0x0  }
0x19: {  	s7 =	sld [smem:$0x3F94]  }
0x1a: {  	s8 =	sadd.s32 $0xFFFFE003, lr  }
0x1b: {  	s9 =	sadd.s32 $0xFFFFFEF7, lr;
	s5 =	simm.s32 $0xFFFFFFFF;
	p2 =	slt.u32 s8, $0xFFFFF086  }
0x1c: {  	p1 =	slt.u32 s9, $0xF7A;
	s5 =	simm.s32 @!p2 $0x0  }
0x1d: {  	s5 =	simm.s32 @p1 $0x1;
	p0 =	seq.s32 s7, s2  }
0x1e: {  	s7 =	smul.u32 @!p0 $0xF7A, s2;
	p2 =	seq.s32 @!p0 s5, $0x0  }
0x1f: {  	s9 =	smul.u32 $0xF7A, s1;
	s8 =	simm.s32 @!p0 $0x1BF5;
	p2 =	por !p2, p0  }
0x20: {  	[sflag:s8] =	ssyncset.s32 @!p0 $0xFFFFF086;
	s6 =	sadd.s32 @!p0 s3, s7;
	s7 =	simm.s32 @!p0 $0x108  }
0x21: {  	s3 =	sadd.s32 s3, s9;
	s6 =	sadd.s32 @!p0 $0x88, s6;
	s7 =	simm.s32 @p2 $0x1082  }
0x22: {  	[simem:s7], [sflag:s8] =	dma.local @!p0 [hbm:s6], $0xF7A  }
0x23: {  	s9 =	sor.u32 $0xD0000000, s2;
	s6 =	simm.s32 $0x108;
	_ =	swait.ge @!p0 [sflag:s8], $0x0  }
0x24: {  	s3 =	sadd.s32 $0x88, s3;
	s6 =	simm.s32 @!p1 $0x1082;
	[sflag:s4] =	ssyncset.s32 $0xFFFFF086  }
0x25: {  	[simem:s6], [sflag:s4] =	dma.local [hbm:s3], $0xF7A  }
0x26: {  	[smem:$0x3F94] =	sst s1;
	(tag) =	ssettag s2;
	_ =	strace s9  }
0x27: {  	s1 =	sld [smem:$0x3FA4]  }
0x28: {  	s2 =	sld [smem:$0x3FA5]  }
0x29: {  	s4 =	sld [smem:$0x3FA7]  }
0x2a: {  	p0 =	seq.s32 s5, $0x0;
	s5 =	sld [smem:$0x3FA8]  }
0x2b: {  	s6 =	sld [smem:$0x3FA9]  }
0x2c: {  	s7 =	sld [smem:$0x3FAA]  }
0x2d: {  	s3 =	simm.s32 $0x108;
	s8 =	sld [smem:$0x3FAB]  }
0x2e: {  	s3 =	simm.s32 @!p0 $0x1082;
	s9 =	sld [smem:$0x3FAC]  }
0x2f: {  	lr =	sadd.s32 s0, s3;
	s0 =	sld [smem:$0x3FA3]  }
0x30: {  	s3 =	sld [smem:$0x3FA6]  }
0x31: {  	[smem:$0x3FAF] =	sst s10  }
0x32: {  	s10 =	sld [smem:$0x3FAD];
	_ =	sdelay $0x3  }
0x33: {  	p0 =	seq.s32 s10, $0x1;
	s10 =	sld [smem:$0x3FAF];
	_ =	sdelay $0x3  }
0x34: {  	[smem:$0x3FAF] =	sst s10  }
0x35: {  	s10 =	sld [smem:$0x3FAE];
	_ =	sdelay $0x3  }
0x36: {  	p1 =	seq.s32 s10, $0x1;
	s10 =	sld [smem:$0x3FAF];
	_ =	sdelay $0x3  }
0x37: {  	[smem:$0x3FAF] =	sst s10  }
0x38: {  	s10 =	sld [smem:$0x3FB0]  }
0x39: {  	_ = 	snop;
	(pc) =	sbr.ind lr, $3  }
0x3a: {  	_ = 	snop  }
0x3b: {  	_ = 	snop  }
0x3c: {  	p2 =	seq.s32 s10, $0x1;
	s10 =	sld [smem:$0x3FAF]  }
0x3d: {  	_ =	shalt  }
0x3e: {  	_ =	shalt  }
0x3f: {  	_ =	shalt  }
0x40: {  	_ =	shalt  }
0x41: {  	_ =	shalt  }
0x42: {  	_ =	shalt  }
0x43: {  	_ =	shalt  }
0x44: {  	_ =	shalt  }
0x45: {  	_ =	shalt  }
0x46: {  	_ =	shalt  }
0x47: {  	_ =	shalt  }
0x48: {  	_ =	shalt  }
0x49: {  	_ =	shalt  }
0x4a: {  	_ =	shalt  }
0x4b: {  	_ =	shalt  }
0x4c: {  	_ =	shalt  }
0x4d: {  	_ =	shalt  }
0x4e: {  	_ =	shalt  }
0x4f: {  	_ =	shalt  }
0x50: {  	_ =	shalt  }
0x51: {  	_ =	shalt  }
0x52: {  	_ =	shalt  }
0x53: {  	_ =	shalt  }
0x54: {  	_ =	shalt  }
0x55: {  	_ =	shalt  }
0x56: {  	_ =	shalt  }
0x57: {  	_ =	shalt  }
0x58: {  	_ =	shalt  }
0x59: {  	_ =	shalt  }
0x5a: {  	_ =	shalt  }
0x5b: {  	_ =	shalt  }
0x5c: {  	_ =	shalt  }
0x5d: {  	_ =	shalt  }
0x5e: {  	_ =	shalt  }
0x5f: {  	_ =	shalt  }
0x60: {  	_ =	shalt  }
0x61: {  	_ =	shalt  }
0x62: {  	_ =	shalt  }
0x63: {  	_ =	shalt  }
0x64: {  	_ =	shalt  }
0x65: {  	_ =	shalt  }
0x66: {  	_ =	shalt  }
0x67: {  	_ =	shalt  }
0x68: {  	_ =	shalt  }
0x69: {  	_ =	shalt  }
0x6a: {  	_ =	shalt  }
0x6b: {  	_ =	shalt  }
0x6c: {  	_ =	shalt  }
0x6d: {  	_ =	shalt  }
0x6e: {  	_ =	shalt  }
0x6f: {  	_ =	shalt  }
0x70: {  	_ =	shalt  }
0x71: {  	_ =	shalt  }
0x72: {  	_ =	shalt  }
0x73: {  	_ =	shalt  }
0x74: {  	_ =	shalt  }
0x75: {  	_ =	shalt  }
0x76: {  	_ =	shalt  }
0x77: {  	_ =	shalt  }
0x78: {  	_ =	shalt  }
0x79: {  	_ =	shalt  }
0x7a: {  	_ =	shalt  }
0x7b: {  	_ =	shalt  }
0x7c: {  	_ =	shalt  }
0x7d: {  	_ =	shalt  }
0x7e: {  	_ =	shalt  }
0x7f: {  	_ =	shalt  }
0x80: {  	_ =	shalt  }
0x81: {  	_ =	shalt  }
0x82: {  	_ =	shalt  }
0x83: {  	_ =	shalt  }
0x84: {  	_ =	shalt  }
0x85: {  	_ =	shalt  }
0x86: {  	_ =	shalt  }
0x87: {  	_ =	shalt  }
.Lfunc_end0:
.L_simem_size_0:
called_computation.1_lowered:
.L_overlay_start_0:
0x88: {  	s2 =	sld [smem:$0x3FD9]  }
0x89: {  	s3 =	sld [smem:$0x3FFE];
	_ =	sdelay $0x1  }
0x8a: {  	s1 =	srdreg.scid  }
0x8b: {  	s0 =	sand.u32 $0x1, s1  }
0x8c: {  	s16 =	sshll.u32 s0, $0xA;
	s2 =	sadd.s32 s3, s2  }
0x8d: {  	s2 =	sadd.s32 s2, s16  }
0x8e: {  	[smem:$0x3FBB] =	sst s2  }
0x8f: {  	_ = 	snop  }
0x90: {  	(tm) =	ssettm $0x1  }
0x91: {  	s17 =	sld [smem:$0x3FFB];
	_ =	sdelay $0x3  }
0x92: {  	_ =	strace s17  }
0x93: {  	s2 =	sld [smem:$0x3FFC];
	_ =	sdelay $0x3  }
0x94: {  	_ =	strace s2  }
0x95: {  	s2 =	sld [smem:$0x3FFD];
	_ =	sdelay $0x3  }
0x96: {  	_ =	strace s2  }
0x97: {  	_ =	strace $0x8FFFFFFF  }
0x98: {  	s18 =	sld [smem:$0x3FDB];
	_ =	sdelay $0x1  }
0x99: {  	s19 =	simm.s32 $_scs_section_size  }
0x9a: {  	s4 =	simm.s32 $_size__tile_overlayer_lowered;
	s5 =	simm.s32 $_tile_overlayer_lowered  }
0x9b: {  	s22 =	simm.s32 $0x1BFF;
	s21 =	sshll.u32 s5, $0x1;
	s2 =	sadd.s32 s19, s18  }
0x9c: {  	s6 =	simm.s32 $0x0;
	s20 =	sshll.u32 s4, $0x1;
	s4 =	sadd.s32 s21, s2  }
0x9d: {  	[timem:s6], [sflag:s22] =	dma.local [hbm:s4], s20  }
0x9e: {  	_ =	swait.ge [sflag:s22], s20  }
0x9f: {  	s3 =	ssub.s32 $0x0, s20;
	[sflag:s22] =	ssyncset.done $0x0  }
0xa0: {  	[sflag:s22] =	ssyncadd.s32 s3;
	_ =	sdelay $0x1  }
0xa1: {  	s23 =	simm.s32 $0x1B8B  }
0xa2: {  	_ =	swait.ge [sflag:s23], $0x1  }
0xa3: {  	[sflag:s23] =	ssyncset.done $0x0  }
0xa4: {  	s25 =	simm.s32 $0x1B8E;
	s24 =	sld [smem:$0x3FFE];
	[sflag:s23] =	ssyncadd.s32 $0xFFFFFFFF  }
0xa5: {  	s26 =	simm.s32 $execute0_lowered;
	[smem:$0x3FD2] =	sst s25  }
0xa6: {  	s4 =	sshll.u32 s26, $0x1;
	_ =	strace $0x80000049;
	[dreg:$0x1] =	wrdreg $0xFFFFFFFF  }
0xa7: {  	s28 =	simm.s32 $_size_execute0_lowered;
	s2 =	sadd.s32 s2, s4;
	[dreg:$0x0] =	wrdreg $0x0  }
0xa8: {  	s4 =	sshll.u32 s28, $0x1;
	[dreg:$0x2] =	wrdreg s2  }
0xa9: {  	[dreg:$0x3] =	wrdreg s4  }
0xaa: {  	[dreg:$0x4] =	wrdreg $0xC0  }
0xab: {  	_ =	task [dreg:s6], $0x5FFFF  }
0xac: {  	[dreg:$0x1] =	wrdreg $0xFFFFFFFF  }
0xad: {  	[dreg:$0x0] =	wrdreg $0x60  }
0xae: {  	[dreg:$0x2] =	wrdreg s24  }
0xaf: {  	[dreg:$0x3] =	wrdreg $0xA8000  }
0xb0: {  	[dreg:$0x4] =	wrdreg $0x9  }
0xb1: {  	_ =	task.clear_ibuf [dreg:s6], $0x5FFFF;
	_ =	strace $0x90000049  }
0xb2: {  	s29 =	simm.s32 $0x9;
	_ =	strace $0x8000004B  }
0xb3: {  	_ =	swait.ge [sflag:s29], $0x1  }
0xb4: {  	[sflag:s29] =	ssyncadd.s32 $0xFFFFFFFF  }
0xb5: {  	_ =	strace $0x9000004B  }
0xb6: {  	_ =	sfence  }
0xb7: {  	s30 =	sld [smem:$0x0];
	_ =	sdelay $0x2  }
0xb8: {  	s31 =	sshll.u32 s1, $0xD;
	s1 =	sshrl.u32 s1, $0x2  }
0xb9: {  	s3 =	sand.u32 $0x4000, s31;
	s1 =	sadd.s32 s1, s30  }
0xba: {  	s0 =	sor.u32 s3, s0;
	s1 =	sshll.u32 s1, $0x11  }
0xbb: {  	s0 =	sor.u32 s1, s0  }
0xbc: {  	s0 =	sadd.s32 $0x8F2B, s0  }
0xbd: {  	[sflag:s0] =	ssyncadd.remote.s32 $0x1  }
0xbe: {  	_ =	sfence.sel $0xFFFF  }
0xbf: {  	[dreg:$0x0] =	wrdreg $0xFFFFFFFF;
	(pc) =	sbr.abs _section_cstart, $3  }
0xc0: {  	[dreg:$0x1] =	wrdreg $0xFFFFFFFF  }
0xc1: {  	_ =	task.clear_ibuf [dreg:s6], $0x2FFFF;
	_ =	strace $0x9FFFFFFF  }
0xc2: {  	(tm) =	ssettm $0x7FFFFFFF  }
0xc3: {  	_ =	shalt  }
tec
execute0_lowered:
.L_overlay_start_1:
0x0: {  	(tag) =	ssettag $0x1  }
0x1: {  	s5 =	rddreg [dreg:$0x0]  }
0x2: {  	s2 =	rddreg [dreg:$0x1]  }
0x3: {  	s3 =	simm.s32 $0x0;
	s1 =	stileid.u32;
	s4 =	srdreg.scid  }
0x4: {  	s18 =	simm.s32 $0x80;
	s19 =	simm.s32 $0x2800;
	s20 =	simm.s32 $0x6800  }
0x5: {  	s21 =	simm.s32 $0x1;
	s22 =	simm.s32 $0x2;
	s6 =	smul.u32 $0x14000, s1  }
0x6: {  	[smem:$0x7FF] =	sst s3;
	s23 =	sand.u32 $0x1, s4;
	s9 =	smul.u32 $0x50000, s1  }
0x7: {  	s4 =	sadd.s32 $0x3FE00, s5;
	s11 =	sadd.s32 $0x3E00, s5;
	s26 =	smul.u32 $0x28, s1  }
0x8: {  	s12 =	sadd.s32 $0xDE00, s5;
	s29 =	smul.u32 $0x3C00, s1;
	s30 =	sshll.u32 s1, $0x6  }
0x9: {  	_ =	strace $0x8000004A;
	s7 =	smul.u32 $0x140000, s23;
	s24 =	ssub.s32 $0x2, s23  }
0xa: {  	p0 =	seq.s32 s23, $0x0;
	s8 =	sshrl.u32 s6, $0x3;
	s25 =	sshrl.u32 s24, $0x1  }
0xb: {  	s28 =	sshrl.u32 s9, $0x2;
	s10 =	sshrl.u32 s29, $0x3;
	s8 =	sadd.s32 s8, s5  }
0xc: {  	s6 =	sadd.s32 s6, s7;
	s14 =	ssub.s32 s24, s25;
	s7 =	smul.u32 $0x78, s1  }
0xd: {  	s15 =	sadd.s32 s28, s2;
	s16 =	sadd.s32 $0x280, s10;
	s17 =	sadd.s32 $0x500, s10  }
0xe: {  	s24 =	simm.s32 $0x2700;
	s25 =	simm.s32 $0x2780;
	s6 =	sshrl.u32 s6, $0x3  }
0xf: {  	s9 =	sadd.s32 s11, s16;
	s10 =	sadd.s32 s12, s16;
	s14 =	smax.u32 s14, $0x1  }
0x10: {  	s15 =	sshrl.u32 s15, $0x3;
	s16 =	simm.s32 $0x3;
	s13 =	sadd.s32 s6, s5  }
.Ltmp0:
0x11: {  	s6 =	sadd.s32 $0x780, s26;
	s5 =	sadd.s32 $0x17E00, s8;
	(pc) =	sbr.rel .LBB2_1-.Ltmp0, $4  }
0x12: {  	s26 =	simm.s32 $0x0;
	s6 =	smov.u32 @p0 s7;
	s13 =	sadd.s32 $0x67E00, s13  }
0x13: {  	p0 =	sne.s32 s23, $0x0;
	s23 =	simm.s32 $0x1380;
	s31 =	sshll.u32 s6, $0x4  }
0x14: {  	s6 =	sor.u32 $0x1C03, s30;
	s7 =	sadd.s32 s11, s31;
	s8 =	sadd.s32 s12, s31  }
0x15: {  	s11 =	sadd.s32 s11, s17;
	s12 =	sadd.s32 s12, s17;
	s17 =	simm.s32 $0x1400  }
.LBB2_8:
0x16: {  	s0 =	sadd.s32 $0x80, s28;
	[sflag:s16] =	ssyncadd.s32 $0xFFFFC000  }
0x17: {  	[tilespmem:s20], [sflag:$0x2] =	stream.indirect.gather [hbm4b:s4+s18], $0x80, s0, s18, $0xb8;
	[tilespmem:$0x1E800] =	vst v63  }
0x18: {  	_ =	swait.ge [sflag:s21], $0x4000  }
0x19: {  	[sflag:s21] =	ssyncset.done $0x0  }
0x1a: {  	s29 =	sadd.s32 $0x1400, s28;
	[sflag:s21] =	ssyncadd.s32 $0xFFFFC000  }
0x1b: {  	[spmem:s2] =	stream.indirect.scatter.add.f32 [tilespmem:s19], [sflag:$0x3], $0x80, s29, s18, $0xb8;
	[tilespmem:$0x1E800] =	vst v63  }
0x1c: {  	_ =	swait.ge [sflag:s16], $0x4000  }
0x1d: {  	[sflag:s16] =	ssyncset.done $0x0  }
0x1e: {  	s30 =	sadd.s32 $0x100, s28;
	[sflag:s16] =	ssyncadd.s32 $0xFFFFC000  }
0x1f: {  	[tilespmem:s19], [sflag:$0x1] =	stream.indirect.gather [hbm4b:s4+s18], $0x80, s30, s18, $0xb8;
	[tilespmem:$0x1E800] =	vst v63  }
0x20: {  	_ =	swait.ge [sflag:s22], $0x4000  }
0x21: {  	[sflag:s22] =	ssyncset.done $0x0  }
0x22: {  	s31 =	sadd.s32 $0x1480, s28;
	[sflag:s22] =	ssyncadd.s32 $0xFFFFC000  }
0x23: {  	[spmem:s2] =	stream.indirect.scatter.add.f32 [tilespmem:s20], [sflag:$0x3], $0x80, s31, s18, $0xb8;
	[tilespmem:$0x1E800] =	vst v63  }
0x24: {  	_ =	swait.ge [sflag:s16], $0x4000  }
0x25: {  	[sflag:s16] =	ssyncset.done $0x0  }
0x26: {  	[sflag:s16] =	ssyncadd.s32 $0xFFFFC000  }
0x27: {  	[tilespmem:s20], [sflag:$0x2] =	stream.indirect.gather [hbm4b:s4+s18], $0x80, s23, s18, $0xb8;
	[tilespmem:$0x1E800] =	vst v63  }
0x28: {  	_ =	swait.ge [sflag:s21], $0x4000  }
0x29: {  	[sflag:s21] =	ssyncset.done $0x0  }
0x2a: {  	[sflag:s21] =	ssyncadd.s32 $0xFFFFC000  }
0x2b: {  	[spmem:s2] =	stream.indirect.scatter.add.f32 [tilespmem:s19], [sflag:$0x3], $0x80, s24, s18, $0xb8;
	[tilespmem:$0x1E800] =	vst v63  }
0x2c: {  	_ =	swait.ge [sflag:s16], $0x4000  }
0x2d: {  	[sflag:s16] =	ssyncset.done $0x0  }
0x2e: {  	[sflag:s16] =	ssyncadd.s32 $0xFFFFC000  }
0x2f: {  	_ =	swait.ge [sflag:s22], $0x4000  }
0x30: {  	[sflag:s22] =	ssyncset.done $0x0  }
0x31: {  	[sflag:s22] =	ssyncadd.s32 $0xFFFFC000  }
0x32: {  	[spmem:s2] =	stream.indirect.scatter.add.f32 [tilespmem:s20], [sflag:$0x3], $0x80, s25, s18, $0xb8;
	[tilespmem:$0x1E800] =	vst v63  }
0x33: {  	_ =	swait.ge [sflag:s16], $0x4000  }
0x34: {  	[sflag:s16] =	ssyncset.done $0x0  }
0x35: {  	[sflag:s16] =	ssyncadd.s32 $0xFFFFC000  }
.LBB2_9:
0x36: {  	s26 =	sadd.s32 $0x1, s26  }
0x37: {  	p1 =	sne.s32 s26, s14  }
.Ltmp1:
0x38: {  	[bflag:$0x0] =	sbarrier.arrive $0xFFFF;
	(pc) =	sbr.rel @!p1 .LBB2_10-.Ltmp1, $4  }
0x39: {  	[hbm:s13], [sflag:s6] =	dma.local [spmem:s15], $0x2800  }
0x3a: {  	_ =	swait.ge [sflag:s16], $0x2800  }
0x3b: {  	[sflag:s16] =	ssyncset.done $0x0  }
0x3c: {  	[sflag:s16] =	ssyncadd.s32 $0xFFFFD800  }
.LBB2_1:
0x3d: {  	[spmem:s15], [sflag:s6] =	dma.local [hbm:s5], $0x2800  }
0x3e: {  	_ =	swait.ge [sflag:s16], $0x2800  }
0x3f: {  	[sflag:s16] =	ssyncset.done $0x0  }
0x40: {  	[sflag:s16] =	ssyncadd.s32 $0xFFFFD800  }
0x41: {  	[bflag:$0x0] =	sbarrier.arrive $0xFFFF  }
0x42: {  	[tilespmem:s3], [sflag:$0x3] =	stream.linear.gather [hbm4b:s7+s3], $0x1400, $0x38;
	[tilespmem:$0x1E800] =	vst v63  }
0x43: {  	_ =	swait.ge [sflag:s16], $0x1400  }
0x44: {  	[sflag:s16] =	ssyncset.done $0x0  }
0x45: {  	[sflag:s16] =	ssyncadd.s32 $0xFFFFEC00  }
0x46: {  	[tilespmem:s17], [sflag:$0x3] =	stream.linear.gather [hbm4b:s8+s3], $0x1400, $0x38;
	[tilespmem:$0x1E800] =	vst v63  }
0x47: {  	_ =	swait.ge [sflag:s16], $0x1400  }
0x48: {  	[sflag:s16] =	ssyncset.done $0x0  }
0x49: {  	[sflag:s16] =	ssyncadd.s32 $0xFFFFEC00  }
0x4a: {  	[tilespmem:s19], [sflag:$0x1] =	stream.indirect.gather [hbm4b:s4+s18], $0x80, s3, s18, $0xb8;
	[tilespmem:$0x1E800] =	vst v63  }
0x4b: {  	s28 =	simm.s32 $0x80  }
0x4c: {  	[tilespmem:s20], [sflag:$0x2] =	stream.indirect.gather [hbm4b:s4+s18], $0x80, s28, s18, $0xb8;
	[tilespmem:$0x1E800] =	vst v63  }
0x4d: {  	_ =	swait.ge [sflag:s21], $0x4000  }
0x4e: {  	[sflag:s21] =	ssyncset.done $0x0  }
0x4f: {  	s28 =	simm.s32 $0x1400;
	[sflag:s21] =	ssyncadd.s32 $0xFFFFC000  }
0x50: {  	[spmem:s2] =	stream.indirect.scatter.add.f32 [tilespmem:s19], [sflag:$0x3], $0x80, s28, s18, $0xb8;
	[tilespmem:$0x1E800] =	vst v63  }
0x51: {  	_ =	swait.ge [sflag:s16], $0x4000  }
0x52: {  	[sflag:s16] =	ssyncset.done $0x0  }
0x53: {  	s28 =	simm.s32 $0x100;
	[sflag:s16] =	ssyncadd.s32 $0xFFFFC000  }
0x54: {  	[tilespmem:s19], [sflag:$0x1] =	stream.indirect.gather [hbm4b:s4+s18], $0x80, s28, s18, $0xb8;
	[tilespmem:$0x1E800] =	vst v63  }
0x55: {  	_ =	swait.ge [sflag:s22], $0x4000  }
0x56: {  	[sflag:s22] =	ssyncset.done $0x0  }
0x57: {  	s28 =	simm.s32 $0x1480;
	[sflag:s22] =	ssyncadd.s32 $0xFFFFC000  }
0x58: {  	[spmem:s2] =	stream.indirect.scatter.add.f32 [tilespmem:s20], [sflag:$0x3], $0x80, s28, s18, $0xb8;
	[tilespmem:$0x1E800] =	vst v63  }
0x59: {  	_ =	swait.ge [sflag:s16], $0x4000  }
0x5a: {  	s29 =	simm.s32 $0x800;
	s28 =	simm.s32 $0x100;
	[sflag:s16] =	ssyncset.done $0x0  }
.LBB2_2:
0x5b: {  	s30 =	sadd.s32 $0x80, s28  }
0x5c: {  	[sflag:s16] =	ssyncadd.s32 $0xFFFFC000;
	s31 =	smov.u32 s29;
	s0 =	sadd.s32 $0x400, s29  }
0x5d: {  	[tilespmem:s20], [sflag:$0x2] =	stream.indirect.gather [hbm4b:s4+s18], $0x80, s30, s18, $0xb8;
	[tilespmem:$0x1E800] =	vst v63  }
0x5e: {  	p1 =	sne.s32 s29, $0x4800;
	_ =	swait.ge [sflag:s21], $0x4000  }
0x5f: {  	[sflag:s21] =	ssyncset.done $0x0  }
0x60: {  	s29 =	sadd.s32 $0x1400, s28;
	[sflag:s21] =	ssyncadd.s32 $0xFFFFC000  }
0x61: {  	[spmem:s2] =	stream.indirect.scatter.add.f32 [tilespmem:s19], [sflag:$0x3], $0x80, s29, s18, $0xb8;
	[tilespmem:$0x1E800] =	vst v63  }
0x62: {  	_ =	swait.ge [sflag:s16], $0x4000  }
0x63: {  	[sflag:s16] =	ssyncset.done $0x0  }
0x64: {  	s29 =	sadd.s32 $0x100, s28;
	[sflag:s16] =	ssyncadd.s32 $0xFFFFC000  }
0x65: {  	[tilespmem:s19], [sflag:$0x1] =	stream.indirect.gather [hbm4b:s4+s18], $0x80, s29, s18, $0xb8;
	[tilespmem:$0x1E800] =	vst v63  }
0x66: {  	_ =	swait.ge [sflag:s22], $0x4000  }
.Ltmp2:
0x67: {  	[sflag:s22] =	ssyncset.done $0x0;
	(pc) =	sbr.rel @p1 .LBB2_2-.Ltmp2, $4  }
0x68: {  	s28 =	sadd.s32 $0x1480, s28;
	[sflag:s22] =	ssyncadd.s32 $0xFFFFC000  }
0x69: {  	[spmem:s2] =	stream.indirect.scatter.add.f32 [tilespmem:s20], [sflag:$0x3], $0x80, s28, s18, $0xb8;
	[tilespmem:$0x1E800] =	vst v63  }
0x6a: {  	_ =	swait.ge [sflag:s16], $0x4000  }
0x6b: {  	s29 =	smov.u32 s0;
	s28 =	sshra.s32 s31, $0x2;
	[sflag:s16] =	ssyncset.done $0x0  }
0x6c: {  	s0 =	sadd.s32 $0x80, s28;
	[sflag:s16] =	ssyncadd.s32 $0xFFFFC000  }
0x6d: {  	[tilespmem:s20], [sflag:$0x2] =	stream.indirect.gather [hbm4b:s4+s18], $0x80, s0, s18, $0xb8;
	[tilespmem:$0x1E800] =	vst v63  }
0x6e: {  	_ =	swait.ge [sflag:s21], $0x4000  }
0x6f: {  	[sflag:s21] =	ssyncset.done $0x0  }
0x70: {  	s29 =	sadd.s32 $0x1400, s28;
	[sflag:s21] =	ssyncadd.s32 $0xFFFFC000  }
0x71: {  	[spmem:s2] =	stream.indirect.scatter.add.f32 [tilespmem:s19], [sflag:$0x3], $0x80, s29, s18, $0xb8;
	[tilespmem:$0x1E800] =	vst v63  }
0x72: {  	_ =	swait.ge [sflag:s16], $0x4000  }
0x73: {  	[sflag:s16] =	ssyncset.done $0x0  }
0x74: {  	s30 =	sadd.s32 $0x100, s28;
	[sflag:s16] =	ssyncadd.s32 $0xFFFFC000  }
0x75: {  	[tilespmem:s19], [sflag:$0x1] =	stream.indirect.gather [hbm4b:s4+s18], $0x80, s30, s18, $0xb8;
	[tilespmem:$0x1E800] =	vst v63  }
0x76: {  	_ =	swait.ge [sflag:s22], $0x4000  }
0x77: {  	[sflag:s22] =	ssyncset.done $0x0  }
0x78: {  	s31 =	sadd.s32 $0x1480, s28;
	[sflag:s22] =	ssyncadd.s32 $0xFFFFC000  }
0x79: {  	[spmem:s2] =	stream.indirect.scatter.add.f32 [tilespmem:s20], [sflag:$0x3], $0x80, s31, s18, $0xb8;
	[tilespmem:$0x1E800] =	vst v63  }
0x7a: {  	_ =	swait.ge [sflag:s16], $0x4000  }
0x7b: {  	[sflag:s16] =	ssyncset.done $0x0  }
0x7c: {  	[sflag:s16] =	ssyncadd.s32 $0xFFFFC000  }
0x7d: {  	[tilespmem:s20], [sflag:$0x2] =	stream.indirect.gather [hbm4b:s4+s18], $0x80, s23, s18, $0xb8;
	[tilespmem:$0x1E800] =	vst v63  }
0x7e: {  	_ =	swait.ge [sflag:s21], $0x4000  }
0x7f: {  	[sflag:s21] =	ssyncset.done $0x0  }
0x80: {  	[sflag:s21] =	ssyncadd.s32 $0xFFFFC000  }
0x81: {  	[spmem:s2] =	stream.indirect.scatter.add.f32 [tilespmem:s19], [sflag:$0x3], $0x80, s24, s18, $0xb8;
	[tilespmem:$0x1E800] =	vst v63  }
0x82: {  	_ =	swait.ge [sflag:s16], $0x4000  }
0x83: {  	[sflag:s16] =	ssyncset.done $0x0  }
0x84: {  	[sflag:s16] =	ssyncadd.s32 $0xFFFFC000  }
0x85: {  	_ =	swait.ge [sflag:s22], $0x4000  }
0x86: {  	[sflag:s22] =	ssyncset.done $0x0  }
.Ltmp3:
0x87: {  	[sflag:s22] =	ssyncadd.s32 $0xFFFFC000;
	(pc) =	sbr.rel @p0 .LBB2_9-.Ltmp3, $4  }
0x88: {  	[spmem:s2] =	stream.indirect.scatter.add.f32 [tilespmem:s20], [sflag:$0x3], $0x80, s25, s18, $0xb8;
	[tilespmem:$0x1E800] =	vst v63  }
0x89: {  	_ =	swait.ge [sflag:s16], $0x4000  }
0x8a: {  	[sflag:s16] =	ssyncset.done $0x0  }
0x8b: {  	[sflag:s16] =	ssyncadd.s32 $0xFFFFC000  }
0x8c: {  	s0 =	simm.s32 $0x0  }
0x8d: {  	[tilespmem:s0], [sflag:$0x3] =	stream.linear.gather [hbm4b:s9+s0], $0x1400, $0x38;
	[tilespmem:$0x1E800] =	vst v63  }
0x8e: {  	_ =	swait.ge [sflag:s16], $0x1400  }
0x8f: {  	[sflag:s16] =	ssyncset.done $0x0  }
0x90: {  	[sflag:s16] =	ssyncadd.s32 $0xFFFFEC00  }
0x91: {  	[tilespmem:s17], [sflag:$0x3] =	stream.linear.gather [hbm4b:s10+s0], $0x1400, $0x38;
	[tilespmem:$0x1E800] =	vst v63  }
0x92: {  	_ =	swait.ge [sflag:s16], $0x1400  }
0x93: {  	[sflag:s16] =	ssyncset.done $0x0  }
0x94: {  	[sflag:s16] =	ssyncadd.s32 $0xFFFFEC00  }
0x95: {  	[tilespmem:s19], [sflag:$0x1] =	stream.indirect.gather [hbm4b:s4+s18], $0x80, s0, s18, $0xb8;
	[tilespmem:$0x1E800] =	vst v63  }
0x96: {  	s30 =	simm.s32 $0x80  }
0x97: {  	[tilespmem:s20], [sflag:$0x2] =	stream.indirect.gather [hbm4b:s4+s18], $0x80, s30, s18, $0xb8;
	[tilespmem:$0x1E800] =	vst v63  }
0x98: {  	_ =	swait.ge [sflag:s21], $0x4000  }
0x99: {  	[sflag:s21] =	ssyncset.done $0x0  }
0x9a: {  	s31 =	simm.s32 $0x1400;
	[sflag:s21] =	ssyncadd.s32 $0xFFFFC000  }
0x9b: {  	[spmem:s2] =	stream.indirect.scatter.add.f32 [tilespmem:s19], [sflag:$0x3], $0x80, s31, s18, $0xb8;
	[tilespmem:$0x1E800] =	vst v63  }
0x9c: {  	_ =	swait.ge [sflag:s16], $0x4000  }
0x9d: {  	[sflag:s16] =	ssyncset.done $0x0  }
0x9e: {  	s30 =	simm.s32 $0x100;
	[sflag:s16] =	ssyncadd.s32 $0xFFFFC000  }
0x9f: {  	[tilespmem:s19], [sflag:$0x1] =	stream.indirect.gather [hbm4b:s4+s18], $0x80, s30, s18, $0xb8;
	[tilespmem:$0x1E800] =	vst v63  }
0xa0: {  	_ =	swait.ge [sflag:s22], $0x4000  }
0xa1: {  	[sflag:s22] =	ssyncset.done $0x0  }
0xa2: {  	s31 =	simm.s32 $0x1480;
	[sflag:s22] =	ssyncadd.s32 $0xFFFFC000  }
0xa3: {  	[spmem:s2] =	stream.indirect.scatter.add.f32 [tilespmem:s20], [sflag:$0x3], $0x80, s31, s18, $0xb8;
	[tilespmem:$0x1E800] =	vst v63  }
0xa4: {  	_ =	swait.ge [sflag:s16], $0x4000  }
0xa5: {  	s29 =	simm.s32 $0x800;
	s28 =	simm.s32 $0x100;
	[sflag:s16] =	ssyncset.done $0x0  }
.LBB2_5:
0xa6: {  	s0 =	sadd.s32 $0x80, s28  }
0xa7: {  	[sflag:s16] =	ssyncadd.s32 $0xFFFFC000;
	s30 =	smov.u32 s29;
	s31 =	sadd.s32 $0x400, s29  }
0xa8: {  	[tilespmem:s20], [sflag:$0x2] =	stream.indirect.gather [hbm4b:s4+s18], $0x80, s0, s18, $0xb8;
	[tilespmem:$0x1E800] =	vst v63  }
0xa9: {  	p1 =	sne.s32 s29, $0x4800;
	_ =	swait.ge [sflag:s21], $0x4000  }
0xaa: {  	[sflag:s21] =	ssyncset.done $0x0  }
0xab: {  	s0 =	sadd.s32 $0x1400, s28;
	[sflag:s21] =	ssyncadd.s32 $0xFFFFC000  }
0xac: {  	[spmem:s2] =	stream.indirect.scatter.add.f32 [tilespmem:s19], [sflag:$0x3], $0x80, s0, s18, $0xb8;
	[tilespmem:$0x1E800] =	vst v63  }
0xad: {  	_ =	swait.ge [sflag:s16], $0x4000  }
0xae: {  	[sflag:s16] =	ssyncset.done $0x0  }
0xaf: {  	s0 =	sadd.s32 $0x100, s28;
	[sflag:s16] =	ssyncadd.s32 $0xFFFFC000  }
0xb0: {  	[tilespmem:s19], [sflag:$0x1] =	stream.indirect.gather [hbm4b:s4+s18], $0x80, s0, s18, $0xb8;
	[tilespmem:$0x1E800] =	vst v63  }
0xb1: {  	_ =	swait.ge [sflag:s22], $0x4000  }
.Ltmp4:
0xb2: {  	[sflag:s22] =	ssyncset.done $0x0;
	(pc) =	sbr.rel @p1 .LBB2_5-.Ltmp4, $4  }
0xb3: {  	s0 =	sadd.s32 $0x1480, s28;
	[sflag:s22] =	ssyncadd.s32 $0xFFFFC000  }
0xb4: {  	[spmem:s2] =	stream.indirect.scatter.add.f32 [tilespmem:s20], [sflag:$0x3], $0x80, s0, s18, $0xb8;
	[tilespmem:$0x1E800] =	vst v63  }
0xb5: {  	_ =	swait.ge [sflag:s16], $0x4000  }
0xb6: {  	s29 =	smov.u32 s31;
	s28 =	sshra.s32 s30, $0x2;
	[sflag:s16] =	ssyncset.done $0x0  }
0xb7: {  	s0 =	sadd.s32 $0x80, s28;
	[sflag:s16] =	ssyncadd.s32 $0xFFFFC000  }
0xb8: {  	[tilespmem:s20], [sflag:$0x2] =	stream.indirect.gather [hbm4b:s4+s18], $0x80, s0, s18, $0xb8;
	[tilespmem:$0x1E800] =	vst v63  }
0xb9: {  	_ =	swait.ge [sflag:s21], $0x4000  }
0xba: {  	[sflag:s21] =	ssyncset.done $0x0  }
0xbb: {  	s30 =	sadd.s32 $0x1400, s28;
	[sflag:s21] =	ssyncadd.s32 $0xFFFFC000  }
0xbc: {  	[spmem:s2] =	stream.indirect.scatter.add.f32 [tilespmem:s19], [sflag:$0x3], $0x80, s30, s18, $0xb8;
	[tilespmem:$0x1E800] =	vst v63  }
0xbd: {  	_ =	swait.ge [sflag:s16], $0x4000  }
0xbe: {  	[sflag:s16] =	ssyncset.done $0x0  }
0xbf: {  	s31 =	sadd.s32 $0x100, s28;
	[sflag:s16] =	ssyncadd.s32 $0xFFFFC000  }
0xc0: {  	[tilespmem:s19], [sflag:$0x1] =	stream.indirect.gather [hbm4b:s4+s18], $0x80, s31, s18, $0xb8;
	[tilespmem:$0x1E800] =	vst v63  }
0xc1: {  	_ =	swait.ge [sflag:s22], $0x4000  }
0xc2: {  	[sflag:s22] =	ssyncset.done $0x0  }
0xc3: {  	s30 =	sadd.s32 $0x1480, s28;
	[sflag:s22] =	ssyncadd.s32 $0xFFFFC000  }
0xc4: {  	[spmem:s2] =	stream.indirect.scatter.add.f32 [tilespmem:s20], [sflag:$0x3], $0x80, s30, s18, $0xb8;
	[tilespmem:$0x1E800] =	vst v63  }
0xc5: {  	_ =	swait.ge [sflag:s16], $0x4000  }
0xc6: {  	[sflag:s16] =	ssyncset.done $0x0  }
0xc7: {  	[sflag:s16] =	ssyncadd.s32 $0xFFFFC000  }
0xc8: {  	[tilespmem:s20], [sflag:$0x2] =	stream.indirect.gather [hbm4b:s4+s18], $0x80, s23, s18, $0xb8;
	[tilespmem:$0x1E800] =	vst v63  }
0xc9: {  	_ =	swait.ge [sflag:s21], $0x4000  }
0xca: {  	[sflag:s21] =	ssyncset.done $0x0  }
0xcb: {  	[sflag:s21] =	ssyncadd.s32 $0xFFFFC000  }
0xcc: {  	[spmem:s2] =	stream.indirect.scatter.add.f32 [tilespmem:s19], [sflag:$0x3], $0x80, s24, s18, $0xb8;
	[tilespmem:$0x1E800] =	vst v63  }
0xcd: {  	_ =	swait.ge [sflag:s16], $0x4000  }
0xce: {  	[sflag:s16] =	ssyncset.done $0x0  }
0xcf: {  	[sflag:s16] =	ssyncadd.s32 $0xFFFFC000  }
0xd0: {  	_ =	swait.ge [sflag:s22], $0x4000  }
0xd1: {  	[sflag:s22] =	ssyncset.done $0x0  }
0xd2: {  	[sflag:s22] =	ssyncadd.s32 $0xFFFFC000  }
0xd3: {  	[spmem:s2] =	stream.indirect.scatter.add.f32 [tilespmem:s20], [sflag:$0x3], $0x80, s25, s18, $0xb8;
	[tilespmem:$0x1E800] =	vst v63  }
0xd4: {  	_ =	swait.ge [sflag:s16], $0x4000  }
0xd5: {  	[sflag:s16] =	ssyncset.done $0x0  }
0xd6: {  	s31 =	simm.s32 $0x0;
	[sflag:s16] =	ssyncadd.s32 $0xFFFFC000  }
0xd7: {  	[tilespmem:s31], [sflag:$0x3] =	stream.linear.gather [hbm4b:s11+s31], $0x1400, $0x38;
	[tilespmem:$0x1E800] =	vst v63  }
0xd8: {  	_ =	swait.ge [sflag:s16], $0x1400  }
0xd9: {  	[sflag:s16] =	ssyncset.done $0x0  }
0xda: {  	[sflag:s16] =	ssyncadd.s32 $0xFFFFEC00  }
0xdb: {  	[tilespmem:s17], [sflag:$0x3] =	stream.linear.gather [hbm4b:s12+s31], $0x1400, $0x38;
	[tilespmem:$0x1E800] =	vst v63  }
0xdc: {  	_ =	swait.ge [sflag:s16], $0x1400  }
0xdd: {  	[sflag:s16] =	ssyncset.done $0x0  }
0xde: {  	[sflag:s16] =	ssyncadd.s32 $0xFFFFEC00  }
0xdf: {  	[tilespmem:s19], [sflag:$0x1] =	stream.indirect.gather [hbm4b:s4+s18], $0x80, s31, s18, $0xb8;
	[tilespmem:$0x1E800] =	vst v63  }
0xe0: {  	s30 =	simm.s32 $0x80  }
0xe1: {  	[tilespmem:s20], [sflag:$0x2] =	stream.indirect.gather [hbm4b:s4+s18], $0x80, s30, s18, $0xb8;
	[tilespmem:$0x1E800] =	vst v63  }
0xe2: {  	_ =	swait.ge [sflag:s21], $0x4000  }
0xe3: {  	[sflag:s21] =	ssyncset.done $0x0  }
0xe4: {  	s31 =	simm.s32 $0x1400;
	[sflag:s21] =	ssyncadd.s32 $0xFFFFC000  }
0xe5: {  	[spmem:s2] =	stream.indirect.scatter.add.f32 [tilespmem:s19], [sflag:$0x3], $0x80, s31, s18, $0xb8;
	[tilespmem:$0x1E800] =	vst v63  }
0xe6: {  	_ =	swait.ge [sflag:s16], $0x4000  }
0xe7: {  	[sflag:s16] =	ssyncset.done $0x0  }
0xe8: {  	s30 =	simm.s32 $0x100;
	[sflag:s16] =	ssyncadd.s32 $0xFFFFC000  }
0xe9: {  	[tilespmem:s19], [sflag:$0x1] =	stream.indirect.gather [hbm4b:s4+s18], $0x80, s30, s18, $0xb8;
	[tilespmem:$0x1E800] =	vst v63  }
0xea: {  	_ =	swait.ge [sflag:s22], $0x4000  }
0xeb: {  	[sflag:s22] =	ssyncset.done $0x0  }
0xec: {  	s31 =	simm.s32 $0x1480;
	[sflag:s22] =	ssyncadd.s32 $0xFFFFC000  }
0xed: {  	[spmem:s2] =	stream.indirect.scatter.add.f32 [tilespmem:s20], [sflag:$0x3], $0x80, s31, s18, $0xb8;
	[tilespmem:$0x1E800] =	vst v63  }
0xee: {  	_ =	swait.ge [sflag:s16], $0x4000  }
0xef: {  	s29 =	simm.s32 $0x800;
	s28 =	simm.s32 $0x100;
	[sflag:s16] =	ssyncset.done $0x0  }
.LBB2_7:
0xf0: {  	s0 =	sadd.s32 $0x80, s28  }
0xf1: {  	[sflag:s16] =	ssyncadd.s32 $0xFFFFC000;
	s30 =	smov.u32 s29;
	s31 =	sadd.s32 $0x400, s29  }
0xf2: {  	[tilespmem:s20], [sflag:$0x2] =	stream.indirect.gather [hbm4b:s4+s18], $0x80, s0, s18, $0xb8;
	[tilespmem:$0x1E800] =	vst v63  }
0xf3: {  	p1 =	sne.s32 s29, $0x4800;
	_ =	swait.ge [sflag:s21], $0x4000  }
0xf4: {  	[sflag:s21] =	ssyncset.done $0x0  }
0xf5: {  	s0 =	sadd.s32 $0x1400, s28;
	[sflag:s21] =	ssyncadd.s32 $0xFFFFC000  }
0xf6: {  	[spmem:s2] =	stream.indirect.scatter.add.f32 [tilespmem:s19], [sflag:$0x3], $0x80, s0, s18, $0xb8;
	[tilespmem:$0x1E800] =	vst v63  }
0xf7: {  	_ =	swait.ge [sflag:s16], $0x4000  }
0xf8: {  	[sflag:s16] =	ssyncset.done $0x0  }
0xf9: {  	s0 =	sadd.s32 $0x100, s28;
	[sflag:s16] =	ssyncadd.s32 $0xFFFFC000  }
0xfa: {  	[tilespmem:s19], [sflag:$0x1] =	stream.indirect.gather [hbm4b:s4+s18], $0x80, s0, s18, $0xb8;
	[tilespmem:$0x1E800] =	vst v63  }
0xfb: {  	_ =	swait.ge [sflag:s22], $0x4000  }
.Ltmp5:
0xfc: {  	[sflag:s22] =	ssyncset.done $0x0;
	(pc) =	sbr.rel @p1 .LBB2_7-.Ltmp5, $4  }
0xfd: {  	s0 =	sadd.s32 $0x1480, s28;
	[sflag:s22] =	ssyncadd.s32 $0xFFFFC000  }
0xfe: {  	[spmem:s2] =	stream.indirect.scatter.add.f32 [tilespmem:s20], [sflag:$0x3], $0x80, s0, s18, $0xb8;
	[tilespmem:$0x1E800] =	vst v63  }
0xff: {  	_ =	swait.ge [sflag:s16], $0x4000  }
0x100: {  	s29 =	smov.u32 s31;
	s28 =	sshra.s32 s30, $0x2;
	[sflag:s16] =	ssyncset.done $0x0  }
.Ltmp6:
0x101: {  	_ = 	snop;
	(pc) =	sbr.rel .LBB2_8-.Ltmp6, $1  }
0x102: {  	_ =	sdelay $0x3  }
.LBB2_10:
0x103: {  	_ =	sfence.sel $0x180000  }
0x104: {  	[bflag:$0x0] =	sbarrier.arrive $0xFFFF  }
0x105: {  	_ =	strace $0x9000004A  }
0x106: {  	[bflag:$0x2] =	sbarrier.arrive $0xFFFF  }
0x107: {  	p0 =	sne.s32 s1, $0x0;
	s0 =	rddreg [dreg:$0x2]  }
0x108: {  	s0 =	sadd.s32 @!p0 $0x100000, s0  }
0x109: {  	[sflag:s0] =	ssyncadd.tile.s32 @!p0 $0x1;
	_ =	shalt  }
.Lfunc_end2:
_tile_overlayer_lowered:
.L_overlay_start_2:
0x10a: {  	(tag) =	ssettag $0x2  }
0x10b: {  	s0 =	rddreg [dreg:$0x0];
	s2 =	stileid.u32  }
0x10c: {  	s1 =	rddreg [dreg:$0x1];
	p0 =	sne.s32 s2, $0x0  }
0x10d: {  	s3 =	rddreg [dreg:$0x2];
	[bflag:$0x3] =	sbarrier.arrive $0xFFFF;
	s2 =	simm.s32 @!p0 $0x1C03  }
0x10e: {  	[timem:s3], [sflag:s2] =	dma.local @!p0 [hbm:s0], s1  }
0x10f: {  	s0 =	simm.s32 @!p0 $0x3  }
0x110: {  	_ =	swait.ge @!p0 [sflag:s0], s1  }
0x111: {  	s1 =	ssub.s32 @!p0 $0x0, s1;
	[sflag:s0] =	ssyncset.done @!p0 $0x0  }
0x112: {  	[sflag:s0] =	ssyncadd.s32 @!p0 s1  }
0x113: {  	[bflag:$0x3] =	sbarrier.arrive $0xFFFF  }
0x114: {  	_ =	shalt  }

// kernel: kernel.16.cloned.1.call-start
scs
__scs_entry_jumppad:
0x0: {  	(pc) =	sbr.rel $0x88, $3  }
0x1: {  	(tag) =	ssettag $0x0;
	lr =	simm.s32 $0x1  }
0x2: {  	[smem:$0x3F94] =	sst lr;
	_ =	strace $0xD0000000  }
0x3: {  	_ = 	snop  }
0x4: {  	_ = 	snop  }
0x5: {  	_ = 	snop  }
0x6: {  	_ = 	snop  }
0x7: {  	_ = 	snop  }
__scs_overlays_trampoline_lowered:
0x8: {  	[smem:$0x3FA3] =	sst s0  }
0x9: {  	[smem:$0x3FA4] =	sst s1  }
0xa: {  	[smem:$0x3FA5] =	sst s2  }
0xb: {  	[smem:$0x3FA6] =	sst s3  }
0xc: {  	[smem:$0x3FA7] =	sst s4  }
0xd: {  	[smem:$0x3FA8] =	sst s5  }
0xe: {  	[smem:$0x3FA9] =	sst s6  }
0xf: {  	[smem:$0x3FAA] =	sst s7  }
0x10: {  	[smem:$0x3FAB] =	sst s8  }
0x11: {  	[smem:$0x3FAC] =	sst s9;
	s0 =	simm.s32 @!p0 $0x0  }
0x12: {  	s1 =	sld [smem:$0x3F92];
	s0 =	simm.s32 @p0 $0x1  }
0x13: {  	[smem:$0x3FAD] =	sst s0;
	s0 =	simm.s32 @!p1 $0x0  }
0x14: {  	s2 =	sld [smem:$0x3F91];
	s0 =	simm.s32 @p1 $0x1  }
0x15: {  	[smem:$0x3FAE] =	sst s0;
	s0 =	simm.s32 @!p2 $0x0  }
0x16: {  	s3 =	sld [smem:$0x3FDB];
	s0 =	simm.s32 @p2 $0x1  }
0x17: {  	s4 =	simm.s32 $0x1BF5;
	[smem:$0x3FB0] =	sst s0  }
0x18: {  	s0 =	sld [smem:$0x3F93];
	_ =	swait.ge [sflag:s4], $0x0  }
0x19: {  	s7 =	sld [smem:$0x3F94]  }
0x1a: {  	s8 =	sadd.s32 $0xFFFFE003, lr  }
0x1b: {  	s9 =	sadd.s32 $0xFFFFFEF7, lr;
	s5 =	simm.s32 $0xFFFFFFFF;
	p2 =	slt.u32 s8, $0xFFFFF086  }
0x1c: {  	p1 =	slt.u32 s9, $0xF7A;
	s5 =	simm.s32 @!p2 $0x0  }
0x1d: {  	s5 =	simm.s32 @p1 $0x1;
	p0 =	seq.s32 s7, s2  }
0x1e: {  	s7 =	smul.u32 @!p0 $0xF7A, s2;
	p2 =	seq.s32 @!p0 s5, $0x0  }
0x1f: {  	s9 =	smul.u32 $0xF7A, s1;
	s8 =	simm.s32 @!p0 $0x1BF5;
	p2 =	por !p2, p0  }
0x20: {  	[sflag:s8] =	ssyncset.s32 @!p0 $0xFFFFF086;
	s6 =	sadd.s32 @!p0 s3, s7;
	s7 =	simm.s32 @!p0 $0x108  }
0x21: {  	s3 =	sadd.s32 s3, s9;
	s6 =	sadd.s32 @!p0 $0x88, s6;
	s7 =	simm.s32 @p2 $0x1082  }
0x22: {  	[simem:s7], [sflag:s8] =	dma.local @!p0 [hbm:s6], $0xF7A  }
0x23: {  	s9 =	sor.u32 $0xD0000000, s2;
	s6 =	simm.s32 $0x108;
	_ =	swait.ge @!p0 [sflag:s8], $0x0  }
0x24: {  	s3 =	sadd.s32 $0x88, s3;
	s6 =	simm.s32 @!p1 $0x1082;
	[sflag:s4] =	ssyncset.s32 $0xFFFFF086  }
0x25: {  	[simem:s6], [sflag:s4] =	dma.local [hbm:s3], $0xF7A  }
0x26: {  	[smem:$0x3F94] =	sst s1;
	(tag) =	ssettag s2;
	_ =	strace s9  }
0x27: {  	s1 =	sld [smem:$0x3FA4]  }
0x28: {  	s2 =	sld [smem:$0x3FA5]  }
0x29: {  	s4 =	sld [smem:$0x3FA7]  }
0x2a: {  	p0 =	seq.s32 s5, $0x0;
	s5 =	sld [smem:$0x3FA8]  }
0x2b: {  	s6 =	sld [smem:$0x3FA9]  }
0x2c: {  	s7 =	sld [smem:$0x3FAA]  }
0x2d: {  	s3 =	simm.s32 $0x108;
	s8 =	sld [smem:$0x3FAB]  }
0x2e: {  	s3 =	simm.s32 @!p0 $0x1082;
	s9 =	sld [smem:$0x3FAC]  }
0x2f: {  	lr =	sadd.s32 s0, s3;
	s0 =	sld [smem:$0x3FA3]  }
0x30: {  	s3 =	sld [smem:$0x3FA6]  }
0x31: {  	[smem:$0x3FAF] =	sst s10  }
0x32: {  	s10 =	sld [smem:$0x3FAD];
	_ =	sdelay $0x3  }
0x33: {  	p0 =	seq.s32 s10, $0x1;
	s10 =	sld [smem:$0x3FAF];
	_ =	sdelay $0x3  }
0x34: {  	[smem:$0x3FAF] =	sst s10  }
0x35: {  	s10 =	sld [smem:$0x3FAE];
	_ =	sdelay $0x3  }
0x36: {  	p1 =	seq.s32 s10, $0x1;
	s10 =	sld [smem:$0x3FAF];
	_ =	sdelay $0x3  }
0x37: {  	[smem:$0x3FAF] =	sst s10  }
0x38: {  	s10 =	sld [smem:$0x3FB0]  }
0x39: {  	_ = 	snop;
	(pc) =	sbr.ind lr, $3  }
0x3a: {  	_ = 	snop  }
0x3b: {  	_ = 	snop  }
0x3c: {  	p2 =	seq.s32 s10, $0x1;
	s10 =	sld [smem:$0x3FAF]  }
0x3d: {  	_ =	shalt  }
0x3e: {  	_ =	shalt  }
0x3f: {  	_ =	shalt  }
0x40: {  	_ =	shalt  }
0x41: {  	_ =	shalt  }
0x42: {  	_ =	shalt  }
0x43: {  	_ =	shalt  }
0x44: {  	_ =	shalt  }
0x45: {  	_ =	shalt  }
0x46: {  	_ =	shalt  }
0x47: {  	_ =	shalt  }
0x48: {  	_ =	shalt  }
0x49: {  	_ =	shalt  }
0x4a: {  	_ =	shalt  }
0x4b: {  	_ =	shalt  }
0x4c: {  	_ =	shalt  }
0x4d: {  	_ =	shalt  }
0x4e: {  	_ =	shalt  }
0x4f: {  	_ =	shalt  }
0x50: {  	_ =	shalt  }
0x51: {  	_ =	shalt  }
0x52: {  	_ =	shalt  }
0x53: {  	_ =	shalt  }
0x54: {  	_ =	shalt  }
0x55: {  	_ =	shalt  }
0x56: {  	_ =	shalt  }
0x57: {  	_ =	shalt  }
0x58: {  	_ =	shalt  }
0x59: {  	_ =	shalt  }
0x5a: {  	_ =	shalt  }
0x5b: {  	_ =	shalt  }
0x5c: {  	_ =	shalt  }
0x5d: {  	_ =	shalt  }
0x5e: {  	_ =	shalt  }
0x5f: {  	_ =	shalt  }
0x60: {  	_ =	shalt  }
0x61: {  	_ =	shalt  }
0x62: {  	_ =	shalt  }
0x63: {  	_ =	shalt  }
0x64: {  	_ =	shalt  }
0x65: {  	_ =	shalt  }
0x66: {  	_ =	shalt  }
0x67: {  	_ =	shalt  }
0x68: {  	_ =	shalt  }
0x69: {  	_ =	shalt  }
0x6a: {  	_ =	shalt  }
0x6b: {  	_ =	shalt  }
0x6c: {  	_ =	shalt  }
0x6d: {  	_ =	shalt  }
0x6e: {  	_ =	shalt  }
0x6f: {  	_ =	shalt  }
0x70: {  	_ =	shalt  }
0x71: {  	_ =	shalt  }
0x72: {  	_ =	shalt  }
0x73: {  	_ =	shalt  }
0x74: {  	_ =	shalt  }
0x75: {  	_ =	shalt  }
0x76: {  	_ =	shalt  }
0x77: {  	_ =	shalt  }
0x78: {  	_ =	shalt  }
0x79: {  	_ =	shalt  }
0x7a: {  	_ =	shalt  }
0x7b: {  	_ =	shalt  }
0x7c: {  	_ =	shalt  }
0x7d: {  	_ =	shalt  }
0x7e: {  	_ =	shalt  }
0x7f: {  	_ =	shalt  }
0x80: {  	_ =	shalt  }
0x81: {  	_ =	shalt  }
0x82: {  	_ =	shalt  }
0x83: {  	_ =	shalt  }
0x84: {  	_ =	shalt  }
0x85: {  	_ =	shalt  }
0x86: {  	_ =	shalt  }
0x87: {  	_ =	shalt  }
.Lfunc_end0:
.L_simem_size_0:
called_computation.2_lowered:
.L_overlay_start_0:
0x88: {  	s2 =	sld [smem:$0x3FD9]  }
0x89: {  	s3 =	sld [smem:$0x3FFE];
	_ =	sdelay $0x1  }
0x8a: {  	s1 =	srdreg.scid  }
0x8b: {  	s0 =	sand.u32 $0x1, s1  }
0x8c: {  	s16 =	sshll.u32 s0, $0xA;
	s2 =	sadd.s32 s3, s2  }
0x8d: {  	s2 =	sadd.s32 s2, s16  }
0x8e: {  	[smem:$0x3FBB] =	sst s2  }
0x8f: {  	_ = 	snop  }
0x90: {  	(tm) =	ssettm $0x1  }
0x91: {  	s17 =	sld [smem:$0x3FFB];
	_ =	sdelay $0x3  }
0x92: {  	_ =	strace s17  }
0x93: {  	s2 =	sld [smem:$0x3FFC];
	_ =	sdelay $0x3  }
0x94: {  	_ =	strace s2  }
0x95: {  	s2 =	sld [smem:$0x3FFD];
	_ =	sdelay $0x3  }
0x96: {  	_ =	strace s2  }
0x97: {  	_ =	strace $0x8FFFFFFF  }
0x98: {  	s18 =	sld [smem:$0x3FDB];
	_ =	sdelay $0x1  }
0x99: {  	s19 =	simm.s32 $_scs_section_size  }
0x9a: {  	s4 =	simm.s32 $_size__tile_overlayer_lowered;
	s5 =	simm.s32 $_tile_overlayer_lowered  }
0x9b: {  	s22 =	simm.s32 $0x1BFF;
	s21 =	sshll.u32 s5, $0x1;
	s2 =	sadd.s32 s19, s18  }
0x9c: {  	s6 =	simm.s32 $0x0;
	s20 =	sshll.u32 s4, $0x1;
	s4 =	sadd.s32 s21, s2  }
0x9d: {  	[timem:s6], [sflag:s22] =	dma.local [hbm:s4], s20  }
0x9e: {  	_ =	swait.ge [sflag:s22], s20  }
0x9f: {  	s3 =	ssub.s32 $0x0, s20;
	[sflag:s22] =	ssyncset.done $0x0  }
0xa0: {  	[sflag:s22] =	ssyncadd.s32 s3;
	_ =	sdelay $0x1  }
0xa1: {  	s23 =	simm.s32 $0x1B8B  }
0xa2: {  	_ =	swait.ge [sflag:s23], $0x1  }
0xa3: {  	[sflag:s23] =	ssyncset.done $0x0  }
0xa4: {  	s25 =	simm.s32 $0x1B8E;
	s24 =	sld [smem:$0x3FFE];
	[sflag:s23] =	ssyncadd.s32 $0xFFFFFFFF  }
0xa5: {  	s26 =	simm.s32 $execute0_lowered;
	[smem:$0x3FD2] =	sst s25  }
0xa6: {  	s4 =	sshll.u32 s26, $0x1;
	_ =	strace $0x8000004C;
	[dreg:$0x1] =	wrdreg $0xFFFFFFFF  }
0xa7: {  	s28 =	simm.s32 $_size_execute0_lowered;
	s2 =	sadd.s32 s2, s4;
	[dreg:$0x0] =	wrdreg $0x0  }
0xa8: {  	s4 =	sshll.u32 s28, $0x1;
	[dreg:$0x2] =	wrdreg s2  }
0xa9: {  	[dreg:$0x3] =	wrdreg s4  }
0xaa: {  	[dreg:$0x4] =	wrdreg $0xC0  }
0xab: {  	_ =	task [dreg:s6], $0x5FFFF  }
0xac: {  	[dreg:$0x1] =	wrdreg $0xFFFFFFFF  }
0xad: {  	[dreg:$0x0] =	wrdreg $0x60  }
0xae: {  	[dreg:$0x2] =	wrdreg s24  }
0xaf: {  	[dreg:$0x3] =	wrdreg $0xA8000  }
0xb0: {  	[dreg:$0x4] =	wrdreg $0x9  }
0xb1: {  	_ =	task.clear_ibuf [dreg:s6], $0x5FFFF;
	_ =	strace $0x9000004C  }
0xb2: {  	s29 =	simm.s32 $0x9;
	_ =	strace $0x8000004E  }
0xb3: {  	_ =	swait.ge [sflag:s29], $0x1  }
0xb4: {  	[sflag:s29] =	ssyncadd.s32 $0xFFFFFFFF  }
0xb5: {  	_ =	strace $0x9000004E  }
0xb6: {  	_ =	sfence  }
0xb7: {  	s30 =	sld [smem:$0x0];
	_ =	sdelay $0x2  }
0xb8: {  	s31 =	sshll.u32 s1, $0xD;
	s1 =	sshrl.u32 s1, $0x2  }
0xb9: {  	s3 =	sand.u32 $0x4000, s31;
	s1 =	sadd.s32 s1, s30  }
0xba: {  	s0 =	sor.u32 s3, s0;
	s1 =	sshll.u32 s1, $0x11  }
0xbb: {  	s0 =	sor.u32 s1, s0  }
0xbc: {  	s0 =	sadd.s32 $0x8F2B, s0  }
0xbd: {  	[sflag:s0] =	ssyncadd.remote.s32 $0x1  }
0xbe: {  	_ =	sfence.sel $0xFFFF  }
0xbf: {  	[dreg:$0x0] =	wrdreg $0xFFFFFFFF;
	(pc) =	sbr.abs _section_cstart, $3  }
0xc0: {  	[dreg:$0x1] =	wrdreg $0xFFFFFFFF  }
0xc1: {  	_ =	task.clear_ibuf [dreg:s6], $0x2FFFF;
	_ =	strace $0x9FFFFFFF  }
0xc2: {  	(tm) =	ssettm $0x7FFFFFFF  }
0xc3: {  	_ =	shalt  }
tec
execute0_lowered:
.L_overlay_start_1:
0x0: {  	(tag) =	ssettag $0x1  }
0x1: {  	s5 =	rddreg [dreg:$0x0]  }
0x2: {  	s2 =	rddreg [dreg:$0x1]  }
0x3: {  	s3 =	simm.s32 $0x0;
	s1 =	stileid.u32;
	s4 =	srdreg.scid  }
0x4: {  	s18 =	simm.s32 $0x80;
	s19 =	simm.s32 $0x2800;
	s20 =	simm.s32 $0x6800  }
0x5: {  	s21 =	simm.s32 $0x1;
	s22 =	simm.s32 $0x2;
	s6 =	smul.u32 $0x14000, s1  }
0x6: {  	[smem:$0x7FF] =	sst s3;
	s23 =	sand.u32 $0x1, s4;
	s9 =	smul.u32 $0x50000, s1  }
0x7: {  	s4 =	sadd.s32 $0x3FE00, s5;
	s11 =	sadd.s32 $0x3E00, s5;
	s26 =	smul.u32 $0x28, s1  }
0x8: {  	s12 =	sadd.s32 $0xDE00, s5;
	s29 =	smul.u32 $0x3C00, s1;
	s30 =	sshll.u32 s1, $0x6  }
0x9: {  	_ =	strace $0x8000004D;
	s7 =	smul.u32 $0x140000, s23;
	s24 =	ssub.s32 $0x2, s23  }
0xa: {  	p0 =	seq.s32 s23, $0x0;
	s8 =	sshrl.u32 s6, $0x3;
	s25 =	sshrl.u32 s24, $0x1  }
0xb: {  	s28 =	sshrl.u32 s9, $0x2;
	s10 =	sshrl.u32 s29, $0x3;
	s8 =	sadd.s32 s8, s5  }
0xc: {  	s6 =	sadd.s32 s6, s7;
	s14 =	ssub.s32 s24, s25;
	s7 =	smul.u32 $0x78, s1  }
0xd: {  	s15 =	sadd.s32 s28, s2;
	s16 =	sadd.s32 $0x280, s10;
	s17 =	sadd.s32 $0x500, s10  }
0xe: {  	s24 =	simm.s32 $0x2700;
	s25 =	simm.s32 $0x2780;
	s6 =	sshrl.u32 s6, $0x3  }
0xf: {  	s9 =	sadd.s32 s11, s16;
	s10 =	sadd.s32 s12, s16;
	s14 =	smax.u32 s14, $0x1  }
0x10: {  	s15 =	sshrl.u32 s15, $0x3;
	s16 =	simm.s32 $0x3;
	s13 =	sadd.s32 s6, s5  }
.Ltmp0:
0x11: {  	s6 =	sadd.s32 $0x780, s26;
	s5 =	sadd.s32 $0x17E00, s8;
	(pc) =	sbr.rel .LBB2_1-.Ltmp0, $4  }
0x12: {  	s26 =	simm.s32 $0x0;
	s6 =	smov.u32 @p0 s7;
	s13 =	sadd.s32 $0x67E00, s13  }
0x13: {  	p0 =	sne.s32 s23, $0x0;
	s23 =	simm.s32 $0x1380;
	s31 =	sshll.u32 s6, $0x4  }
0x14: {  	s6 =	sor.u32 $0x1C03, s30;
	s7 =	sadd.s32 s11, s31;
	s8 =	sadd.s32 s12, s31  }
0x15: {  	s11 =	sadd.s32 s11, s17;
	s12 =	sadd.s32 s12, s17;
	s17 =	simm.s32 $0x1400  }
.LBB2_8:
0x16: {  	s0 =	sadd.s32 $0x80, s28;
	[sflag:s16] =	ssyncadd.s32 $0xFFFFC000  }
0x17: {  	[tilespmem:s20], [sflag:$0x2] =	stream.indirect.gather [hbm4b:s4+s18], $0x80, s0, s18, $0xb8;
	[tilespmem:$0x1E800] =	vst v63  }
0x18: {  	_ =	swait.ge [sflag:s21], $0x4000  }
0x19: {  	[sflag:s21] =	ssyncset.done $0x0  }
0x1a: {  	s29 =	sadd.s32 $0x1400, s28;
	[sflag:s21] =	ssyncadd.s32 $0xFFFFC000  }
0x1b: {  	[spmem:s2] =	stream.indirect.scatter.add.f32 [tilespmem:s19], [sflag:$0x3], $0x80, s29, s18, $0xb8;
	[tilespmem:$0x1E800] =	vst v63  }
0x1c: {  	_ =	swait.ge [sflag:s16], $0x4000  }
0x1d: {  	[sflag:s16] =	ssyncset.done $0x0  }
0x1e: {  	s30 =	sadd.s32 $0x100, s28;
	[sflag:s16] =	ssyncadd.s32 $0xFFFFC000  }
0x1f: {  	[tilespmem:s19], [sflag:$0x1] =	stream.indirect.gather [hbm4b:s4+s18], $0x80, s30, s18, $0xb8;
	[tilespmem:$0x1E800] =	vst v63  }
0x20: {  	_ =	swait.ge [sflag:s22], $0x4000  }
0x21: {  	[sflag:s22] =	ssyncset.done $0x0  }
0x22: {  	s31 =	sadd.s32 $0x1480, s28;
	[sflag:s22] =	ssyncadd.s32 $0xFFFFC000  }
0x23: {  	[spmem:s2] =	stream.indirect.scatter.add.f32 [tilespmem:s20], [sflag:$0x3], $0x80, s31, s18, $0xb8;
	[tilespmem:$0x1E800] =	vst v63  }
0x24: {  	_ =	swait.ge [sflag:s16], $0x4000  }
0x25: {  	[sflag:s16] =	ssyncset.done $0x0  }
0x26: {  	[sflag:s16] =	ssyncadd.s32 $0xFFFFC000  }
0x27: {  	[tilespmem:s20], [sflag:$0x2] =	stream.indirect.gather [hbm4b:s4+s18], $0x80, s23, s18, $0xb8;
	[tilespmem:$0x1E800] =	vst v63  }
0x28: {  	_ =	swait.ge [sflag:s21], $0x4000  }
0x29: {  	[sflag:s21] =	ssyncset.done $0x0  }
0x2a: {  	[sflag:s21] =	ssyncadd.s32 $0xFFFFC000  }
0x2b: {  	[spmem:s2] =	stream.indirect.scatter.add.f32 [tilespmem:s19], [sflag:$0x3], $0x80, s24, s18, $0xb8;
	[tilespmem:$0x1E800] =	vst v63  }
0x2c: {  	_ =	swait.ge [sflag:s16], $0x4000  }
0x2d: {  	[sflag:s16] =	ssyncset.done $0x0  }
0x2e: {  	[sflag:s16] =	ssyncadd.s32 $0xFFFFC000  }
0x2f: {  	_ =	swait.ge [sflag:s22], $0x4000  }
0x30: {  	[sflag:s22] =	ssyncset.done $0x0  }
0x31: {  	[sflag:s22] =	ssyncadd.s32 $0xFFFFC000  }
0x32: {  	[spmem:s2] =	stream.indirect.scatter.add.f32 [tilespmem:s20], [sflag:$0x3], $0x80, s25, s18, $0xb8;
	[tilespmem:$0x1E800] =	vst v63  }
0x33: {  	_ =	swait.ge [sflag:s16], $0x4000  }
0x34: {  	[sflag:s16] =	ssyncset.done $0x0  }
0x35: {  	[sflag:s16] =	ssyncadd.s32 $0xFFFFC000  }
.LBB2_9:
0x36: {  	s26 =	sadd.s32 $0x1, s26  }
0x37: {  	p1 =	sne.s32 s26, s14  }
.Ltmp1:
0x38: {  	[bflag:$0x0] =	sbarrier.arrive $0xFFFF;
	(pc) =	sbr.rel @!p1 .LBB2_10-.Ltmp1, $4  }
0x39: {  	[hbm:s13], [sflag:s6] =	dma.local [spmem:s15], $0x2800  }
0x3a: {  	_ =	swait.ge [sflag:s16], $0x2800  }
0x3b: {  	[sflag:s16] =	ssyncset.done $0x0  }
0x3c: {  	[sflag:s16] =	ssyncadd.s32 $0xFFFFD800  }
.LBB2_1:
0x3d: {  	[spmem:s15], [sflag:s6] =	dma.local [hbm:s5], $0x2800  }
0x3e: {  	_ =	swait.ge [sflag:s16], $0x2800  }
0x3f: {  	[sflag:s16] =	ssyncset.done $0x0  }
0x40: {  	[sflag:s16] =	ssyncadd.s32 $0xFFFFD800  }
0x41: {  	[bflag:$0x0] =	sbarrier.arrive $0xFFFF  }
0x42: {  	[tilespmem:s3], [sflag:$0x3] =	stream.linear.gather [hbm4b:s7+s3], $0x1400, $0x38;
	[tilespmem:$0x1E800] =	vst v63  }
0x43: {  	_ =	swait.ge [sflag:s16], $0x1400  }
0x44: {  	[sflag:s16] =	ssyncset.done $0x0  }
0x45: {  	[sflag:s16] =	ssyncadd.s32 $0xFFFFEC00  }
0x46: {  	[tilespmem:s17], [sflag:$0x3] =	stream.linear.gather [hbm4b:s8+s3], $0x1400, $0x38;
	[tilespmem:$0x1E800] =	vst v63  }
0x47: {  	_ =	swait.ge [sflag:s16], $0x1400  }
0x48: {  	[sflag:s16] =	ssyncset.done $0x0  }
0x49: {  	[sflag:s16] =	ssyncadd.s32 $0xFFFFEC00  }
0x4a: {  	[tilespmem:s19], [sflag:$0x1] =	stream.indirect.gather [hbm4b:s4+s18], $0x80, s3, s18, $0xb8;
	[tilespmem:$0x1E800] =	vst v63  }
0x4b: {  	s28 =	simm.s32 $0x80  }
0x4c: {  	[tilespmem:s20], [sflag:$0x2] =	stream.indirect.gather [hbm4b:s4+s18], $0x80, s28, s18, $0xb8;
	[tilespmem:$0x1E800] =	vst v63  }
0x4d: {  	_ =	swait.ge [sflag:s21], $0x4000  }
0x4e: {  	[sflag:s21] =	ssyncset.done $0x0  }
0x4f: {  	s28 =	simm.s32 $0x1400;
	[sflag:s21] =	ssyncadd.s32 $0xFFFFC000  }
0x50: {  	[spmem:s2] =	stream.indirect.scatter.add.f32 [tilespmem:s19], [sflag:$0x3], $0x80, s28, s18, $0xb8;
	[tilespmem:$0x1E800] =	vst v63  }
0x51: {  	_ =	swait.ge [sflag:s16], $0x4000  }
0x52: {  	[sflag:s16] =	ssyncset.done $0x0  }
0x53: {  	s28 =	simm.s32 $0x100;
	[sflag:s16] =	ssyncadd.s32 $0xFFFFC000  }
0x54: {  	[tilespmem:s19], [sflag:$0x1] =	stream.indirect.gather [hbm4b:s4+s18], $0x80, s28, s18, $0xb8;
	[tilespmem:$0x1E800] =	vst v63  }
0x55: {  	_ =	swait.ge [sflag:s22], $0x4000  }
0x56: {  	[sflag:s22] =	ssyncset.done $0x0  }
0x57: {  	s28 =	simm.s32 $0x1480;
	[sflag:s22] =	ssyncadd.s32 $0xFFFFC000  }
0x58: {  	[spmem:s2] =	stream.indirect.scatter.add.f32 [tilespmem:s20], [sflag:$0x3], $0x80, s28, s18, $0xb8;
	[tilespmem:$0x1E800] =	vst v63  }
0x59: {  	_ =	swait.ge [sflag:s16], $0x4000  }
0x5a: {  	s29 =	simm.s32 $0x800;
	s28 =	simm.s32 $0x100;
	[sflag:s16] =	ssyncset.done $0x0  }
.LBB2_2:
0x5b: {  	s30 =	sadd.s32 $0x80, s28  }
0x5c: {  	[sflag:s16] =	ssyncadd.s32 $0xFFFFC000;
	s31 =	smov.u32 s29;
	s0 =	sadd.s32 $0x400, s29  }
0x5d: {  	[tilespmem:s20], [sflag:$0x2] =	stream.indirect.gather [hbm4b:s4+s18], $0x80, s30, s18, $0xb8;
	[tilespmem:$0x1E800] =	vst v63  }
0x5e: {  	p1 =	sne.s32 s29, $0x4800;
	_ =	swait.ge [sflag:s21], $0x4000  }
0x5f: {  	[sflag:s21] =	ssyncset.done $0x0  }
0x60: {  	s29 =	sadd.s32 $0x1400, s28;
	[sflag:s21] =	ssyncadd.s32 $0xFFFFC000  }
0x61: {  	[spmem:s2] =	stream.indirect.scatter.add.f32 [tilespmem:s19], [sflag:$0x3], $0x80, s29, s18, $0xb8;
	[tilespmem:$0x1E800] =	vst v63  }
0x62: {  	_ =	swait.ge [sflag:s16], $0x4000  }
0x63: {  	[sflag:s16] =	ssyncset.done $0x0  }
0x64: {  	s29 =	sadd.s32 $0x100, s28;
	[sflag:s16] =	ssyncadd.s32 $0xFFFFC000  }
0x65: {  	[tilespmem:s19], [sflag:$0x1] =	stream.indirect.gather [hbm4b:s4+s18], $0x80, s29, s18, $0xb8;
	[tilespmem:$0x1E800] =	vst v63  }
0x66: {  	_ =	swait.ge [sflag:s22], $0x4000  }
.Ltmp2:
0x67: {  	[sflag:s22] =	ssyncset.done $0x0;
	(pc) =	sbr.rel @p1 .LBB2_2-.Ltmp2, $4  }
0x68: {  	s28 =	sadd.s32 $0x1480, s28;
	[sflag:s22] =	ssyncadd.s32 $0xFFFFC000  }
0x69: {  	[spmem:s2] =	stream.indirect.scatter.add.f32 [tilespmem:s20], [sflag:$0x3], $0x80, s28, s18, $0xb8;
	[tilespmem:$0x1E800] =	vst v63  }
0x6a: {  	_ =	swait.ge [sflag:s16], $0x4000  }
0x6b: {  	s29 =	smov.u32 s0;
	s28 =	sshra.s32 s31, $0x2;
	[sflag:s16] =	ssyncset.done $0x0  }
0x6c: {  	s0 =	sadd.s32 $0x80, s28;
	[sflag:s16] =	ssyncadd.s32 $0xFFFFC000  }
0x6d: {  	[tilespmem:s20], [sflag:$0x2] =	stream.indirect.gather [hbm4b:s4+s18], $0x80, s0, s18, $0xb8;
	[tilespmem:$0x1E800] =	vst v63  }
0x6e: {  	_ =	swait.ge [sflag:s21], $0x4000  }
0x6f: {  	[sflag:s21] =	ssyncset.done $0x0  }
0x70: {  	s29 =	sadd.s32 $0x1400, s28;
	[sflag:s21] =	ssyncadd.s32 $0xFFFFC000  }
0x71: {  	[spmem:s2] =	stream.indirect.scatter.add.f32 [tilespmem:s19], [sflag:$0x3], $0x80, s29, s18, $0xb8;
	[tilespmem:$0x1E800] =	vst v63  }
0x72: {  	_ =	swait.ge [sflag:s16], $0x4000  }
0x73: {  	[sflag:s16] =	ssyncset.done $0x0  }
0x74: {  	s30 =	sadd.s32 $0x100, s28;
	[sflag:s16] =	ssyncadd.s32 $0xFFFFC000  }
0x75: {  	[tilespmem:s19], [sflag:$0x1] =	stream.indirect.gather [hbm4b:s4+s18], $0x80, s30, s18, $0xb8;
	[tilespmem:$0x1E800] =	vst v63  }
0x76: {  	_ =	swait.ge [sflag:s22], $0x4000  }
0x77: {  	[sflag:s22] =	ssyncset.done $0x0  }
0x78: {  	s31 =	sadd.s32 $0x1480, s28;
	[sflag:s22] =	ssyncadd.s32 $0xFFFFC000  }
0x79: {  	[spmem:s2] =	stream.indirect.scatter.add.f32 [tilespmem:s20], [sflag:$0x3], $0x80, s31, s18, $0xb8;
	[tilespmem:$0x1E800] =	vst v63  }
0x7a: {  	_ =	swait.ge [sflag:s16], $0x4000  }
0x7b: {  	[sflag:s16] =	ssyncset.done $0x0  }
0x7c: {  	[sflag:s16] =	ssyncadd.s32 $0xFFFFC000  }
0x7d: {  	[tilespmem:s20], [sflag:$0x2] =	stream.indirect.gather [hbm4b:s4+s18], $0x80, s23, s18, $0xb8;
	[tilespmem:$0x1E800] =	vst v63  }
0x7e: {  	_ =	swait.ge [sflag:s21], $0x4000  }
0x7f: {  	[sflag:s21] =	ssyncset.done $0x0  }
0x80: {  	[sflag:s21] =	ssyncadd.s32 $0xFFFFC000  }
0x81: {  	[spmem:s2] =	stream.indirect.scatter.add.f32 [tilespmem:s19], [sflag:$0x3], $0x80, s24, s18, $0xb8;
	[tilespmem:$0x1E800] =	vst v63  }
0x82: {  	_ =	swait.ge [sflag:s16], $0x4000  }
0x83: {  	[sflag:s16] =	ssyncset.done $0x0  }
0x84: {  	[sflag:s16] =	ssyncadd.s32 $0xFFFFC000  }
0x85: {  	_ =	swait.ge [sflag:s22], $0x4000  }
0x86: {  	[sflag:s22] =	ssyncset.done $0x0  }
.Ltmp3:
0x87: {  	[sflag:s22] =	ssyncadd.s32 $0xFFFFC000;
	(pc) =	sbr.rel @p0 .LBB2_9-.Ltmp3, $4  }
0x88: {  	[spmem:s2] =	stream.indirect.scatter.add.f32 [tilespmem:s20], [sflag:$0x3], $0x80, s25, s18, $0xb8;
	[tilespmem:$0x1E800] =	vst v63  }
0x89: {  	_ =	swait.ge [sflag:s16], $0x4000  }
0x8a: {  	[sflag:s16] =	ssyncset.done $0x0  }
0x8b: {  	[sflag:s16] =	ssyncadd.s32 $0xFFFFC000  }
0x8c: {  	s0 =	simm.s32 $0x0  }
0x8d: {  	[tilespmem:s0], [sflag:$0x3] =	stream.linear.gather [hbm4b:s9+s0], $0x1400, $0x38;
	[tilespmem:$0x1E800] =	vst v63  }
0x8e: {  	_ =	swait.ge [sflag:s16], $0x1400  }
0x8f: {  	[sflag:s16] =	ssyncset.done $0x0  }
0x90: {  	[sflag:s16] =	ssyncadd.s32 $0xFFFFEC00  }
0x91: {  	[tilespmem:s17], [sflag:$0x3] =	stream.linear.gather [hbm4b:s10+s0], $0x1400, $0x38;
	[tilespmem:$0x1E800] =	vst v63  }
0x92: {  	_ =	swait.ge [sflag:s16], $0x1400  }
0x93: {  	[sflag:s16] =	ssyncset.done $0x0  }
0x94: {  	[sflag:s16] =	ssyncadd.s32 $0xFFFFEC00  }
0x95: {  	[tilespmem:s19], [sflag:$0x1] =	stream.indirect.gather [hbm4b:s4+s18], $0x80, s0, s18, $0xb8;
	[tilespmem:$0x1E800] =	vst v63  }
0x96: {  	s30 =	simm.s32 $0x80  }
0x97: {  	[tilespmem:s20], [sflag:$0x2] =	stream.indirect.gather [hbm4b:s4+s18], $0x80, s30, s18, $0xb8;
	[tilespmem:$0x1E800] =	vst v63  }
0x98: {  	_ =	swait.ge [sflag:s21], $0x4000  }
0x99: {  	[sflag:s21] =	ssyncset.done $0x0  }
0x9a: {  	s31 =	simm.s32 $0x1400;
	[sflag:s21] =	ssyncadd.s32 $0xFFFFC000  }
0x9b: {  	[spmem:s2] =	stream.indirect.scatter.add.f32 [tilespmem:s19], [sflag:$0x3], $0x80, s31, s18, $0xb8;
	[tilespmem:$0x1E800] =	vst v63  }
0x9c: {  	_ =	swait.ge [sflag:s16], $0x4000  }
0x9d: {  	[sflag:s16] =	ssyncset.done $0x0  }
0x9e: {  	s30 =	simm.s32 $0x100;
	[sflag:s16] =	ssyncadd.s32 $0xFFFFC000  }
0x9f: {  	[tilespmem:s19], [sflag:$0x1] =	stream.indirect.gather [hbm4b:s4+s18], $0x80, s30, s18, $0xb8;
	[tilespmem:$0x1E800] =	vst v63  }
0xa0: {  	_ =	swait.ge [sflag:s22], $0x4000  }
0xa1: {  	[sflag:s22] =	ssyncset.done $0x0  }
0xa2: {  	s31 =	simm.s32 $0x1480;
	[sflag:s22] =	ssyncadd.s32 $0xFFFFC000  }
0xa3: {  	[spmem:s2] =	stream.indirect.scatter.add.f32 [tilespmem:s20], [sflag:$0x3], $0x80, s31, s18, $0xb8;
	[tilespmem:$0x1E800] =	vst v63  }
0xa4: {  	_ =	swait.ge [sflag:s16], $0x4000  }
0xa5: {  	s29 =	simm.s32 $0x800;
	s28 =	simm.s32 $0x100;
	[sflag:s16] =	ssyncset.done $0x0  }
.LBB2_5:
0xa6: {  	s0 =	sadd.s32 $0x80, s28  }
0xa7: {  	[sflag:s16] =	ssyncadd.s32 $0xFFFFC000;
	s30 =	smov.u32 s29;
	s31 =	sadd.s32 $0x400, s29  }
0xa8: {  	[tilespmem:s20], [sflag:$0x2] =	stream.indirect.gather [hbm4b:s4+s18], $0x80, s0, s18, $0xb8;
	[tilespmem:$0x1E800] =	vst v63  }
0xa9: {  	p1 =	sne.s32 s29, $0x4800;
	_ =	swait.ge [sflag:s21], $0x4000  }
0xaa: {  	[sflag:s21] =	ssyncset.done $0x0  }
0xab: {  	s0 =	sadd.s32 $0x1400, s28;
	[sflag:s21] =	ssyncadd.s32 $0xFFFFC000  }
0xac: {  	[spmem:s2] =	stream.indirect.scatter.add.f32 [tilespmem:s19], [sflag:$0x3], $0x80, s0, s18, $0xb8;
	[tilespmem:$0x1E800] =	vst v63  }
0xad: {  	_ =	swait.ge [sflag:s16], $0x4000  }
0xae: {  	[sflag:s16] =	ssyncset.done $0x0  }
0xaf: {  	s0 =	sadd.s32 $0x100, s28;
	[sflag:s16] =	ssyncadd.s32 $0xFFFFC000  }
0xb0: {  	[tilespmem:s19], [sflag:$0x1] =	stream.indirect.gather [hbm4b:s4+s18], $0x80, s0, s18, $0xb8;
	[tilespmem:$0x1E800] =	vst v63  }
0xb1: {  	_ =	swait.ge [sflag:s22], $0x4000  }
.Ltmp4:
0xb2: {  	[sflag:s22] =	ssyncset.done $0x0;
	(pc) =	sbr.rel @p1 .LBB2_5-.Ltmp4, $4  }
0xb3: {  	s0 =	sadd.s32 $0x1480, s28;
	[sflag:s22] =	ssyncadd.s32 $0xFFFFC000  }
0xb4: {  	[spmem:s2] =	stream.indirect.scatter.add.f32 [tilespmem:s20], [sflag:$0x3], $0x80, s0, s18, $0xb8;
	[tilespmem:$0x1E800] =	vst v63  }
0xb5: {  	_ =	swait.ge [sflag:s16], $0x4000  }
0xb6: {  	s29 =	smov.u32 s31;
	s28 =	sshra.s32 s30, $0x2;
	[sflag:s16] =	ssyncset.done $0x0  }
0xb7: {  	s0 =	sadd.s32 $0x80, s28;
	[sflag:s16] =	ssyncadd.s32 $0xFFFFC000  }
0xb8: {  	[tilespmem:s20], [sflag:$0x2] =	stream.indirect.gather [hbm4b:s4+s18], $0x80, s0, s18, $0xb8;
	[tilespmem:$0x1E800] =	vst v63  }
0xb9: {  	_ =	swait.ge [sflag:s21], $0x4000  }
0xba: {  	[sflag:s21] =	ssyncset.done $0x0  }
0xbb: {  	s30 =	sadd.s32 $0x1400, s28;
	[sflag:s21] =	ssyncadd.s32 $0xFFFFC000  }
0xbc: {  	[spmem:s2] =	stream.indirect.scatter.add.f32 [tilespmem:s19], [sflag:$0x3], $0x80, s30, s18, $0xb8;
	[tilespmem:$0x1E800] =	vst v63  }
0xbd: {  	_ =	swait.ge [sflag:s16], $0x4000  }
0xbe: {  	[sflag:s16] =	ssyncset.done $0x0  }
0xbf: {  	s31 =	sadd.s32 $0x100, s28;
	[sflag:s16] =	ssyncadd.s32 $0xFFFFC000  }
0xc0: {  	[tilespmem:s19], [sflag:$0x1] =	stream.indirect.gather [hbm4b:s4+s18], $0x80, s31, s18, $0xb8;
	[tilespmem:$0x1E800] =	vst v63  }
0xc1: {  	_ =	swait.ge [sflag:s22], $0x4000  }
0xc2: {  	[sflag:s22] =	ssyncset.done $0x0  }
0xc3: {  	s30 =	sadd.s32 $0x1480, s28;
	[sflag:s22] =	ssyncadd.s32 $0xFFFFC000  }
0xc4: {  	[spmem:s2] =	stream.indirect.scatter.add.f32 [tilespmem:s20], [sflag:$0x3], $0x80, s30, s18, $0xb8;
	[tilespmem:$0x1E800] =	vst v63  }
0xc5: {  	_ =	swait.ge [sflag:s16], $0x4000  }
0xc6: {  	[sflag:s16] =	ssyncset.done $0x0  }
0xc7: {  	[sflag:s16] =	ssyncadd.s32 $0xFFFFC000  }
0xc8: {  	[tilespmem:s20], [sflag:$0x2] =	stream.indirect.gather [hbm4b:s4+s18], $0x80, s23, s18, $0xb8;
	[tilespmem:$0x1E800] =	vst v63  }
0xc9: {  	_ =	swait.ge [sflag:s21], $0x4000  }
0xca: {  	[sflag:s21] =	ssyncset.done $0x0  }
0xcb: {  	[sflag:s21] =	ssyncadd.s32 $0xFFFFC000  }
0xcc: {  	[spmem:s2] =	stream.indirect.scatter.add.f32 [tilespmem:s19], [sflag:$0x3], $0x80, s24, s18, $0xb8;
	[tilespmem:$0x1E800] =	vst v63  }
0xcd: {  	_ =	swait.ge [sflag:s16], $0x4000  }
0xce: {  	[sflag:s16] =	ssyncset.done $0x0  }
0xcf: {  	[sflag:s16] =	ssyncadd.s32 $0xFFFFC000  }
0xd0: {  	_ =	swait.ge [sflag:s22], $0x4000  }
0xd1: {  	[sflag:s22] =	ssyncset.done $0x0  }
0xd2: {  	[sflag:s22] =	ssyncadd.s32 $0xFFFFC000  }
0xd3: {  	[spmem:s2] =	stream.indirect.scatter.add.f32 [tilespmem:s20], [sflag:$0x3], $0x80, s25, s18, $0xb8;
	[tilespmem:$0x1E800] =	vst v63  }
0xd4: {  	_ =	swait.ge [sflag:s16], $0x4000  }
0xd5: {  	[sflag:s16] =	ssyncset.done $0x0  }
0xd6: {  	s31 =	simm.s32 $0x0;
	[sflag:s16] =	ssyncadd.s32 $0xFFFFC000  }
0xd7: {  	[tilespmem:s31], [sflag:$0x3] =	stream.linear.gather [hbm4b:s11+s31], $0x1400, $0x38;
	[tilespmem:$0x1E800] =	vst v63  }
0xd8: {  	_ =	swait.ge [sflag:s16], $0x1400  }
0xd9: {  	[sflag:s16] =	ssyncset.done $0x0  }
0xda: {  	[sflag:s16] =	ssyncadd.s32 $0xFFFFEC00  }
0xdb: {  	[tilespmem:s17], [sflag:$0x3] =	stream.linear.gather [hbm4b:s12+s31], $0x1400, $0x38;
	[tilespmem:$0x1E800] =	vst v63  }
0xdc: {  	_ =	swait.ge [sflag:s16], $0x1400  }
0xdd: {  	[sflag:s16] =	ssyncset.done $0x0  }
0xde: {  	[sflag:s16] =	ssyncadd.s32 $0xFFFFEC00  }
0xdf: {  	[tilespmem:s19], [sflag:$0x1] =	stream.indirect.gather [hbm4b:s4+s18], $0x80, s31, s18, $0xb8;
	[tilespmem:$0x1E800] =	vst v63  }
0xe0: {  	s30 =	simm.s32 $0x80  }
0xe1: {  	[tilespmem:s20], [sflag:$0x2] =	stream.indirect.gather [hbm4b:s4+s18], $0x80, s30, s18, $0xb8;
	[tilespmem:$0x1E800] =	vst v63  }
0xe2: {  	_ =	swait.ge [sflag:s21], $0x4000  }
0xe3: {  	[sflag:s21] =	ssyncset.done $0x0  }
0xe4: {  	s31 =	simm.s32 $0x1400;
	[sflag:s21] =	ssyncadd.s32 $0xFFFFC000  }
0xe5: {  	[spmem:s2] =	stream.indirect.scatter.add.f32 [tilespmem:s19], [sflag:$0x3], $0x80, s31, s18, $0xb8;
	[tilespmem:$0x1E800] =	vst v63  }
0xe6: {  	_ =	swait.ge [sflag:s16], $0x4000  }
0xe7: {  	[sflag:s16] =	ssyncset.done $0x0  }
0xe8: {  	s30 =	simm.s32 $0x100;
	[sflag:s16] =	ssyncadd.s32 $0xFFFFC000  }
0xe9: {  	[tilespmem:s19], [sflag:$0x1] =	stream.indirect.gather [hbm4b:s4+s18], $0x80, s30, s18, $0xb8;
	[tilespmem:$0x1E800] =	vst v63  }
0xea: {  	_ =	swait.ge [sflag:s22], $0x4000  }
0xeb: {  	[sflag:s22] =	ssyncset.done $0x0  }
0xec: {  	s31 =	simm.s32 $0x1480;
	[sflag:s22] =	ssyncadd.s32 $0xFFFFC000  }
0xed: {  	[spmem:s2] =	stream.indirect.scatter.add.f32 [tilespmem:s20], [sflag:$0x3], $0x80, s31, s18, $0xb8;
	[tilespmem:$0x1E800] =	vst v63  }
0xee: {  	_ =	swait.ge [sflag:s16], $0x4000  }
0xef: {  	s29 =	simm.s32 $0x800;
	s28 =	simm.s32 $0x100;
	[sflag:s16] =	ssyncset.done $0x0  }
.LBB2_7:
0xf0: {  	s0 =	sadd.s32 $0x80, s28  }
0xf1: {  	[sflag:s16] =	ssyncadd.s32 $0xFFFFC000;
	s30 =	smov.u32 s29;
	s31 =	sadd.s32 $0x400, s29  }
0xf2: {  	[tilespmem:s20], [sflag:$0x2] =	stream.indirect.gather [hbm4b:s4+s18], $0x80, s0, s18, $0xb8;
	[tilespmem:$0x1E800] =	vst v63  }
0xf3: {  	p1 =	sne.s32 s29, $0x4800;
	_ =	swait.ge [sflag:s21], $0x4000  }
0xf4: {  	[sflag:s21] =	ssyncset.done $0x0  }
0xf5: {  	s0 =	sadd.s32 $0x1400, s28;
	[sflag:s21] =	ssyncadd.s32 $0xFFFFC000  }
0xf6: {  	[spmem:s2] =	stream.indirect.scatter.add.f32 [tilespmem:s19], [sflag:$0x3], $0x80, s0, s18, $0xb8;
	[tilespmem:$0x1E800] =	vst v63  }
0xf7: {  	_ =	swait.ge [sflag:s16], $0x4000  }
0xf8: {  	[sflag:s16] =	ssyncset.done $0x0  }
0xf9: {  	s0 =	sadd.s32 $0x100, s28;
	[sflag:s16] =	ssyncadd.s32 $0xFFFFC000  }
0xfa: {  	[tilespmem:s19], [sflag:$0x1] =	stream.indirect.gather [hbm4b:s4+s18], $0x80, s0, s18, $0xb8;
	[tilespmem:$0x1E800] =	vst v63  }
0xfb: {  	_ =	swait.ge [sflag:s22], $0x4000  }
.Ltmp5:
0xfc: {  	[sflag:s22] =	ssyncset.done $0x0;
	(pc) =	sbr.rel @p1 .LBB2_7-.Ltmp5, $4  }
0xfd: {  	s0 =	sadd.s32 $0x1480, s28;
	[sflag:s22] =	ssyncadd.s32 $0xFFFFC000  }
0xfe: {  	[spmem:s2] =	stream.indirect.scatter.add.f32 [tilespmem:s20], [sflag:$0x3], $0x80, s0, s18, $0xb8;
	[tilespmem:$0x1E800] =	vst v63  }
0xff: {  	_ =	swait.ge [sflag:s16], $0x4000  }
0x100: {  	s29 =	smov.u32 s31;
	s28 =	sshra.s32 s30, $0x2;
	[sflag:s16] =	ssyncset.done $0x0  }
.Ltmp6:
0x101: {  	_ = 	snop;
	(pc) =	sbr.rel .LBB2_8-.Ltmp6, $1  }
0x102: {  	_ =	sdelay $0x3  }
.LBB2_10:
0x103: {  	_ =	sfence.sel $0x180000  }
0x104: {  	[bflag:$0x0] =	sbarrier.arrive $0xFFFF  }
0x105: {  	_ =	strace $0x9000004D  }
0x106: {  	[bflag:$0x2] =	sbarrier.arrive $0xFFFF  }
0x107: {  	p0 =	sne.s32 s1, $0x0;
	s0 =	rddreg [dreg:$0x2]  }
0x108: {  	s0 =	sadd.s32 @!p0 $0x100000, s0  }
0x109: {  	[sflag:s0] =	ssyncadd.tile.s32 @!p0 $0x1;
	_ =	shalt  }
.Lfunc_end2:
_tile_overlayer_lowered:
.L_overlay_start_2:
0x10a: {  	(tag) =	ssettag $0x2  }
0x10b: {  	s0 =	rddreg [dreg:$0x0];
	s2 =	stileid.u32  }
0x10c: {  	s1 =	rddreg [dreg:$0x1];
	p0 =	sne.s32 s2, $0x0  }
0x10d: {  	s3 =	rddreg [dreg:$0x2];
	[bflag:$0x3] =	sbarrier.arrive $0xFFFF;
	s2 =	simm.s32 @!p0 $0x1C03  }
0x10e: {  	[timem:s3], [sflag:s2] =	dma.local @!p0 [hbm:s0], s1  }
0x10f: {  	s0 =	simm.s32 @!p0 $0x3  }
0x110: {  	_ =	swait.ge @!p0 [sflag:s0], s1  }
0x111: {  	s1 =	ssub.s32 @!p0 $0x0, s1;
	[sflag:s0] =	ssyncset.done @!p0 $0x0  }
0x112: {  	[sflag:s0] =	ssyncadd.s32 @!p0 s1  }
0x113: {  	[bflag:$0x3] =	sbarrier.arrive $0xFFFF  }
0x114: {  	_ =	shalt  }

// kernel: kernel.19.cloned.1.call-start
scs
__scs_entry_jumppad:
0x0: {  	(pc) =	sbr.rel $0x88, $3  }
0x1: {  	(tag) =	ssettag $0x0;
	lr =	simm.s32 $0x1  }
0x2: {  	[smem:$0x3F94] =	sst lr;
	_ =	strace $0xD0000000  }
0x3: {  	_ = 	snop  }
0x4: {  	_ = 	snop  }
0x5: {  	_ = 	snop  }
0x6: {  	_ = 	snop  }
0x7: {  	_ = 	snop  }
__scs_overlays_trampoline_lowered:
0x8: {  	[smem:$0x3FA3] =	sst s0  }
0x9: {  	[smem:$0x3FA4] =	sst s1  }
0xa: {  	[smem:$0x3FA5] =	sst s2  }
0xb: {  	[smem:$0x3FA6] =	sst s3  }
0xc: {  	[smem:$0x3FA7] =	sst s4  }
0xd: {  	[smem:$0x3FA8] =	sst s5  }
0xe: {  	[smem:$0x3FA9] =	sst s6  }
0xf: {  	[smem:$0x3FAA] =	sst s7  }
0x10: {  	[smem:$0x3FAB] =	sst s8  }
0x11: {  	[smem:$0x3FAC] =	sst s9;
	s0 =	simm.s32 @!p0 $0x0  }
0x12: {  	s1 =	sld [smem:$0x3F92];
	s0 =	simm.s32 @p0 $0x1  }
0x13: {  	[smem:$0x3FAD] =	sst s0;
	s0 =	simm.s32 @!p1 $0x0  }
0x14: {  	s2 =	sld [smem:$0x3F91];
	s0 =	simm.s32 @p1 $0x1  }
0x15: {  	[smem:$0x3FAE] =	sst s0;
	s0 =	simm.s32 @!p2 $0x0  }
0x16: {  	s3 =	sld [smem:$0x3FDB];
	s0 =	simm.s32 @p2 $0x1  }
0x17: {  	s4 =	simm.s32 $0x1BF5;
	[smem:$0x3FB0] =	sst s0  }
0x18: {  	s0 =	sld [smem:$0x3F93];
	_ =	swait.ge [sflag:s4], $0x0  }
0x19: {  	s7 =	sld [smem:$0x3F94]  }
0x1a: {  	s8 =	sadd.s32 $0xFFFFE003, lr  }
0x1b: {  	s9 =	sadd.s32 $0xFFFFFEF7, lr;
	s5 =	simm.s32 $0xFFFFFFFF;
	p2 =	slt.u32 s8, $0xFFFFF086  }
0x1c: {  	p1 =	slt.u32 s9, $0xF7A;
	s5 =	simm.s32 @!p2 $0x0  }
0x1d: {  	s5 =	simm.s32 @p1 $0x1;
	p0 =	seq.s32 s7, s2  }
0x1e: {  	s7 =	smul.u32 @!p0 $0xF7A, s2;
	p2 =	seq.s32 @!p0 s5, $0x0  }
0x1f: {  	s9 =	smul.u32 $0xF7A, s1;
	s8 =	simm.s32 @!p0 $0x1BF5;
	p2 =	por !p2, p0  }
0x20: {  	[sflag:s8] =	ssyncset.s32 @!p0 $0xFFFFF086;
	s6 =	sadd.s32 @!p0 s3, s7;
	s7 =	simm.s32 @!p0 $0x108  }
0x21: {  	s3 =	sadd.s32 s3, s9;
	s6 =	sadd.s32 @!p0 $0x88, s6;
	s7 =	simm.s32 @p2 $0x1082  }
0x22: {  	[simem:s7], [sflag:s8] =	dma.local @!p0 [hbm:s6], $0xF7A  }
0x23: {  	s9 =	sor.u32 $0xD0000000, s2;
	s6 =	simm.s32 $0x108;
	_ =	swait.ge @!p0 [sflag:s8], $0x0  }
0x24: {  	s3 =	sadd.s32 $0x88, s3;
	s6 =	simm.s32 @!p1 $0x1082;
	[sflag:s4] =	ssyncset.s32 $0xFFFFF086  }
0x25: {  	[simem:s6], [sflag:s4] =	dma.local [hbm:s3], $0xF7A  }
0x26: {  	[smem:$0x3F94] =	sst s1;
	(tag) =	ssettag s2;
	_ =	strace s9  }
0x27: {  	s1 =	sld [smem:$0x3FA4]  }
0x28: {  	s2 =	sld [smem:$0x3FA5]  }
0x29: {  	s4 =	sld [smem:$0x3FA7]  }
0x2a: {  	p0 =	seq.s32 s5, $0x0;
	s5 =	sld [smem:$0x3FA8]  }
0x2b: {  	s6 =	sld [smem:$0x3FA9]  }
0x2c: {  	s7 =	sld [smem:$0x3FAA]  }
0x2d: {  	s3 =	simm.s32 $0x108;
	s8 =	sld [smem:$0x3FAB]  }
0x2e: {  	s3 =	simm.s32 @!p0 $0x1082;
	s9 =	sld [smem:$0x3FAC]  }
0x2f: {  	lr =	sadd.s32 s0, s3;
	s0 =	sld [smem:$0x3FA3]  }
0x30: {  	s3 =	sld [smem:$0x3FA6]  }
0x31: {  	[smem:$0x3FAF] =	sst s10  }
0x32: {  	s10 =	sld [smem:$0x3FAD];
	_ =	sdelay $0x3  }
0x33: {  	p0 =	seq.s32 s10, $0x1;
	s10 =	sld [smem:$0x3FAF];
	_ =	sdelay $0x3  }
0x34: {  	[smem:$0x3FAF] =	sst s10  }
0x35: {  	s10 =	sld [smem:$0x3FAE];
	_ =	sdelay $0x3  }
0x36: {  	p1 =	seq.s32 s10, $0x1;
	s10 =	sld [smem:$0x3FAF];
	_ =	sdelay $0x3  }
0x37: {  	[smem:$0x3FAF] =	sst s10  }
0x38: {  	s10 =	sld [smem:$0x3FB0]  }
0x39: {  	_ = 	snop;
	(pc) =	sbr.ind lr, $3  }
0x3a: {  	_ = 	snop  }
0x3b: {  	_ = 	snop  }
0x3c: {  	p2 =	seq.s32 s10, $0x1;
	s10 =	sld [smem:$0x3FAF]  }
0x3d: {  	_ =	shalt  }
0x3e: {  	_ =	shalt  }
0x3f: {  	_ =	shalt  }
0x40: {  	_ =	shalt  }
0x41: {  	_ =	shalt  }
0x42: {  	_ =	shalt  }
0x43: {  	_ =	shalt  }
0x44: {  	_ =	shalt  }
0x45: {  	_ =	shalt  }
0x46: {  	_ =	shalt  }
0x47: {  	_ =	shalt  }
0x48: {  	_ =	shalt  }
0x49: {  	_ =	shalt  }
0x4a: {  	_ =	shalt  }
0x4b: {  	_ =	shalt  }
0x4c: {  	_ =	shalt  }
0x4d: {  	_ =	shalt  }
0x4e: {  	_ =	shalt  }
0x4f: {  	_ =	shalt  }
0x50: {  	_ =	shalt  }
0x51: {  	_ =	shalt  }
0x52: {  	_ =	shalt  }
0x53: {  	_ =	shalt  }
0x54: {  	_ =	shalt  }
0x55: {  	_ =	shalt  }
0x56: {  	_ =	shalt  }
0x57: {  	_ =	shalt  }
0x58: {  	_ =	shalt  }
0x59: {  	_ =	shalt  }
0x5a: {  	_ =	shalt  }
0x5b: {  	_ =	shalt  }
0x5c: {  	_ =	shalt  }
0x5d: {  	_ =	shalt  }
0x5e: {  	_ =	shalt  }
0x5f: {  	_ =	shalt  }
0x60: {  	_ =	shalt  }
0x61: {  	_ =	shalt  }
0x62: {  	_ =	shalt  }
0x63: {  	_ =	shalt  }
0x64: {  	_ =	shalt  }
0x65: {  	_ =	shalt  }
0x66: {  	_ =	shalt  }
0x67: {  	_ =	shalt  }
0x68: {  	_ =	shalt  }
0x69: {  	_ =	shalt  }
0x6a: {  	_ =	shalt  }
0x6b: {  	_ =	shalt  }
0x6c: {  	_ =	shalt  }
0x6d: {  	_ =	shalt  }
0x6e: {  	_ =	shalt  }
0x6f: {  	_ =	shalt  }
0x70: {  	_ =	shalt  }
0x71: {  	_ =	shalt  }
0x72: {  	_ =	shalt  }
0x73: {  	_ =	shalt  }
0x74: {  	_ =	shalt  }
0x75: {  	_ =	shalt  }
0x76: {  	_ =	shalt  }
0x77: {  	_ =	shalt  }
0x78: {  	_ =	shalt  }
0x79: {  	_ =	shalt  }
0x7a: {  	_ =	shalt  }
0x7b: {  	_ =	shalt  }
0x7c: {  	_ =	shalt  }
0x7d: {  	_ =	shalt  }
0x7e: {  	_ =	shalt  }
0x7f: {  	_ =	shalt  }
0x80: {  	_ =	shalt  }
0x81: {  	_ =	shalt  }
0x82: {  	_ =	shalt  }
0x83: {  	_ =	shalt  }
0x84: {  	_ =	shalt  }
0x85: {  	_ =	shalt  }
0x86: {  	_ =	shalt  }
0x87: {  	_ =	shalt  }
.Lfunc_end0:
.L_simem_size_0:
called_computation.3_lowered:
.L_overlay_start_0:
0x88: {  	s2 =	sld [smem:$0x3FD9]  }
0x89: {  	s3 =	sld [smem:$0x3FFE];
	_ =	sdelay $0x1  }
0x8a: {  	s1 =	srdreg.scid  }
0x8b: {  	s0 =	sand.u32 $0x1, s1  }
0x8c: {  	s16 =	sshll.u32 s0, $0xA;
	s2 =	sadd.s32 s3, s2  }
0x8d: {  	s2 =	sadd.s32 s2, s16  }
0x8e: {  	[smem:$0x3FBB] =	sst s2  }
0x8f: {  	_ = 	snop  }
0x90: {  	(tm) =	ssettm $0x1  }
0x91: {  	s17 =	sld [smem:$0x3FFB];
	_ =	sdelay $0x3  }
0x92: {  	_ =	strace s17  }
0x93: {  	s2 =	sld [smem:$0x3FFC];
	_ =	sdelay $0x3  }
0x94: {  	_ =	strace s2  }
0x95: {  	s2 =	sld [smem:$0x3FFD];
	_ =	sdelay $0x3  }
0x96: {  	_ =	strace s2  }
0x97: {  	_ =	strace $0x8FFFFFFF  }
0x98: {  	s18 =	sld [smem:$0x3FDB];
	_ =	sdelay $0x1  }
0x99: {  	s19 =	simm.s32 $_scs_section_size  }
0x9a: {  	s4 =	simm.s32 $_size__tile_overlayer_lowered;
	s5 =	simm.s32 $_tile_overlayer_lowered  }
0x9b: {  	s22 =	simm.s32 $0x1BFF;
	s21 =	sshll.u32 s5, $0x1;
	s2 =	sadd.s32 s19, s18  }
0x9c: {  	s6 =	simm.s32 $0x0;
	s20 =	sshll.u32 s4, $0x1;
	s4 =	sadd.s32 s21, s2  }
0x9d: {  	[timem:s6], [sflag:s22] =	dma.local [hbm:s4], s20  }
0x9e: {  	_ =	swait.ge [sflag:s22], s20  }
0x9f: {  	s3 =	ssub.s32 $0x0, s20;
	[sflag:s22] =	ssyncset.done $0x0  }
0xa0: {  	[sflag:s22] =	ssyncadd.s32 s3;
	_ =	sdelay $0x1  }
0xa1: {  	s23 =	simm.s32 $0x1B8B  }
0xa2: {  	_ =	swait.ge [sflag:s23], $0x1  }
0xa3: {  	[sflag:s23] =	ssyncset.done $0x0  }
0xa4: {  	s25 =	simm.s32 $0x1B8E;
	s24 =	sld [smem:$0x3FFE];
	[sflag:s23] =	ssyncadd.s32 $0xFFFFFFFF  }
0xa5: {  	s26 =	simm.s32 $execute0_lowered;
	[smem:$0x3FD2] =	sst s25  }
0xa6: {  	s4 =	sshll.u32 s26, $0x1;
	_ =	strace $0x8000004F;
	[dreg:$0x1] =	wrdreg $0xFFFFFFFF  }
0xa7: {  	s28 =	simm.s32 $_size_execute0_lowered;
	s2 =	sadd.s32 s2, s4;
	[dreg:$0x0] =	wrdreg $0x0  }
0xa8: {  	s4 =	sshll.u32 s28, $0x1;
	[dreg:$0x2] =	wrdreg s2  }
0xa9: {  	[dreg:$0x3] =	wrdreg s4  }
0xaa: {  	[dreg:$0x4] =	wrdreg $0xC0  }
0xab: {  	_ =	task [dreg:s6], $0x5FFFF  }
0xac: {  	[dreg:$0x1] =	wrdreg $0xFFFFFFFF  }
0xad: {  	[dreg:$0x0] =	wrdreg $0x60  }
0xae: {  	[dreg:$0x2] =	wrdreg s24  }
0xaf: {  	[dreg:$0x3] =	wrdreg $0xA8000  }
0xb0: {  	[dreg:$0x4] =	wrdreg $0x9  }
0xb1: {  	_ =	task.clear_ibuf [dreg:s6], $0x5FFFF;
	_ =	strace $0x9000004F  }
0xb2: {  	s29 =	simm.s32 $0x9;
	_ =	strace $0x80000051  }
0xb3: {  	_ =	swait.ge [sflag:s29], $0x1  }
0xb4: {  	[sflag:s29] =	ssyncadd.s32 $0xFFFFFFFF  }
0xb5: {  	_ =	strace $0x90000051  }
0xb6: {  	_ =	sfence  }
0xb7: {  	s30 =	sld [smem:$0x0];
	_ =	sdelay $0x2  }
0xb8: {  	s31 =	sshll.u32 s1, $0xD;
	s1 =	sshrl.u32 s1, $0x2  }
0xb9: {  	s3 =	sand.u32 $0x4000, s31;
	s1 =	sadd.s32 s1, s30  }
0xba: {  	s0 =	sor.u32 s3, s0;
	s1 =	sshll.u32 s1, $0x11  }
0xbb: {  	s0 =	sor.u32 s1, s0  }
0xbc: {  	s0 =	sadd.s32 $0x8F2B, s0  }
0xbd: {  	[sflag:s0] =	ssyncadd.remote.s32 $0x1  }
0xbe: {  	_ =	sfence.sel $0xFFFF  }
0xbf: {  	[dreg:$0x0] =	wrdreg $0xFFFFFFFF;
	(pc) =	sbr.abs _section_cstart, $3  }
0xc0: {  	[dreg:$0x1] =	wrdreg $0xFFFFFFFF  }
0xc1: {  	_ =	task.clear_ibuf [dreg:s6], $0x2FFFF;
	_ =	strace $0x9FFFFFFF  }
0xc2: {  	(tm) =	ssettm $0x7FFFFFFF  }
0xc3: {  	_ =	shalt  }
tec
execute0_lowered:
.L_overlay_start_1:
0x0: {  	(tag) =	ssettag $0x1  }
0x1: {  	s5 =	rddreg [dreg:$0x0]  }
0x2: {  	s2 =	rddreg [dreg:$0x1]  }
0x3: {  	s3 =	simm.s32 $0x0;
	s1 =	stileid.u32;
	s4 =	srdreg.scid  }
0x4: {  	s18 =	simm.s32 $0x80;
	s19 =	simm.s32 $0x2800;
	s20 =	simm.s32 $0x6800  }
0x5: {  	s21 =	simm.s32 $0x1;
	s22 =	simm.s32 $0x2;
	s6 =	smul.u32 $0x14000, s1  }
0x6: {  	[smem:$0x7FF] =	sst s3;
	s23 =	sand.u32 $0x1, s4;
	s9 =	smul.u32 $0x50000, s1  }
0x7: {  	s4 =	sadd.s32 $0x3FE00, s5;
	s11 =	sadd.s32 $0x3E00, s5;
	s26 =	smul.u32 $0x28, s1  }
0x8: {  	s12 =	sadd.s32 $0xDE00, s5;
	s29 =	smul.u32 $0x3C00, s1;
	s30 =	sshll.u32 s1, $0x6  }
0x9: {  	_ =	strace $0x80000050;
	s7 =	smul.u32 $0x140000, s23;
	s24 =	ssub.s32 $0x2, s23  }
0xa: {  	p0 =	seq.s32 s23, $0x0;
	s8 =	sshrl.u32 s6, $0x3;
	s25 =	sshrl.u32 s24, $0x1  }
0xb: {  	s28 =	sshrl.u32 s9, $0x2;
	s10 =	sshrl.u32 s29, $0x3;
	s8 =	sadd.s32 s8, s5  }
0xc: {  	s6 =	sadd.s32 s6, s7;
	s14 =	ssub.s32 s24, s25;
	s7 =	smul.u32 $0x78, s1  }
0xd: {  	s15 =	sadd.s32 s28, s2;
	s16 =	sadd.s32 $0x280, s10;
	s17 =	sadd.s32 $0x500, s10  }
0xe: {  	s24 =	simm.s32 $0x2700;
	s25 =	simm.s32 $0x2780;
	s6 =	sshrl.u32 s6, $0x3  }
0xf: {  	s9 =	sadd.s32 s11, s16;
	s10 =	sadd.s32 s12, s16;
	s14 =	smax.u32 s14, $0x1  }
0x10: {  	s15 =	sshrl.u32 s15, $0x3;
	s16 =	simm.s32 $0x3;
	s13 =	sadd.s32 s6, s5  }
.Ltmp0:
0x11: {  	s6 =	sadd.s32 $0x780, s26;
	s5 =	sadd.s32 $0x17E00, s8;
	(pc) =	sbr.rel .LBB2_1-.Ltmp0, $4  }
0x12: {  	s26 =	simm.s32 $0x0;
	s6 =	smov.u32 @p0 s7;
	s13 =	sadd.s32 $0x67E00, s13  }
0x13: {  	p0 =	sne.s32 s23, $0x0;
	s23 =	simm.s32 $0x1380;
	s31 =	sshll.u32 s6, $0x4  }
0x14: {  	s6 =	sor.u32 $0x1C03, s30;
	s7 =	sadd.s32 s11, s31;
	s8 =	sadd.s32 s12, s31  }
0x15: {  	s11 =	sadd.s32 s11, s17;
	s12 =	sadd.s32 s12, s17;
	s17 =	simm.s32 $0x1400  }
.LBB2_8:
0x16: {  	s0 =	sadd.s32 $0x80, s28;
	[sflag:s16] =	ssyncadd.s32 $0xFFFFC000  }
0x17: {  	[tilespmem:s20], [sflag:$0x2] =	stream.indirect.gather [hbm4b:s4+s18], $0x80, s0, s18, $0xb8;
	[tilespmem:$0x1E800] =	vst v63  }
0x18: {  	_ =	swait.ge [sflag:s21], $0x4000  }
0x19: {  	[sflag:s21] =	ssyncset.done $0x0  }
0x1a: {  	s29 =	sadd.s32 $0x1400, s28;
	[sflag:s21] =	ssyncadd.s32 $0xFFFFC000  }
0x1b: {  	[spmem:s2] =	stream.indirect.scatter.add.f32 [tilespmem:s19], [sflag:$0x3], $0x80, s29, s18, $0xb8;
	[tilespmem:$0x1E800] =	vst v63  }
0x1c: {  	_ =	swait.ge [sflag:s16], $0x4000  }
0x1d: {  	[sflag:s16] =	ssyncset.done $0x0  }
0x1e: {  	s30 =	sadd.s32 $0x100, s28;
	[sflag:s16] =	ssyncadd.s32 $0xFFFFC000  }
0x1f: {  	[tilespmem:s19], [sflag:$0x1] =	stream.indirect.gather [hbm4b:s4+s18], $0x80, s30, s18, $0xb8;
	[tilespmem:$0x1E800] =	vst v63  }
0x20: {  	_ =	swait.ge [sflag:s22], $0x4000  }
0x21: {  	[sflag:s22] =	ssyncset.done $0x0  }
0x22: {  	s31 =	sadd.s32 $0x1480, s28;
	[sflag:s22] =	ssyncadd.s32 $0xFFFFC000  }
0x23: {  	[spmem:s2] =	stream.indirect.scatter.add.f32 [tilespmem:s20], [sflag:$0x3], $0x80, s31, s18, $0xb8;
	[tilespmem:$0x1E800] =	vst v63  }
0x24: {  	_ =	swait.ge [sflag:s16], $0x4000  }
0x25: {  	[sflag:s16] =	ssyncset.done $0x0  }
0x26: {  	[sflag:s16] =	ssyncadd.s32 $0xFFFFC000  }
0x27: {  	[tilespmem:s20], [sflag:$0x2] =	stream.indirect.gather [hbm4b:s4+s18], $0x80, s23, s18, $0xb8;
	[tilespmem:$0x1E800] =	vst v63  }
0x28: {  	_ =	swait.ge [sflag:s21], $0x4000  }
0x29: {  	[sflag:s21] =	ssyncset.done $0x0  }
0x2a: {  	[sflag:s21] =	ssyncadd.s32 $0xFFFFC000  }
0x2b: {  	[spmem:s2] =	stream.indirect.scatter.add.f32 [tilespmem:s19], [sflag:$0x3], $0x80, s24, s18, $0xb8;
	[tilespmem:$0x1E800] =	vst v63  }
0x2c: {  	_ =	swait.ge [sflag:s16], $0x4000  }
0x2d: {  	[sflag:s16] =	ssyncset.done $0x0  }
0x2e: {  	[sflag:s16] =	ssyncadd.s32 $0xFFFFC000  }
0x2f: {  	_ =	swait.ge [sflag:s22], $0x4000  }
0x30: {  	[sflag:s22] =	ssyncset.done $0x0  }
0x31: {  	[sflag:s22] =	ssyncadd.s32 $0xFFFFC000  }
0x32: {  	[spmem:s2] =	stream.indirect.scatter.add.f32 [tilespmem:s20], [sflag:$0x3], $0x80, s25, s18, $0xb8;
	[tilespmem:$0x1E800] =	vst v63  }
0x33: {  	_ =	swait.ge [sflag:s16], $0x4000  }
0x34: {  	[sflag:s16] =	ssyncset.done $0x0  }
0x35: {  	[sflag:s16] =	ssyncadd.s32 $0xFFFFC000  }
.LBB2_9:
0x36: {  	s26 =	sadd.s32 $0x1, s26  }
0x37: {  	p1 =	sne.s32 s26, s14  }
.Ltmp1:
0x38: {  	[bflag:$0x0] =	sbarrier.arrive $0xFFFF;
	(pc) =	sbr.rel @!p1 .LBB2_10-.Ltmp1, $4  }
0x39: {  	[hbm:s13], [sflag:s6] =	dma.local [spmem:s15], $0x2800  }
0x3a: {  	_ =	swait.ge [sflag:s16], $0x2800  }
0x3b: {  	[sflag:s16] =	ssyncset.done $0x0  }
0x3c: {  	[sflag:s16] =	ssyncadd.s32 $0xFFFFD800  }
.LBB2_1:
0x3d: {  	[spmem:s15], [sflag:s6] =	dma.local [hbm:s5], $0x2800  }
0x3e: {  	_ =	swait.ge [sflag:s16], $0x2800  }
0x3f: {  	[sflag:s16] =	ssyncset.done $0x0  }
0x40: {  	[sflag:s16] =	ssyncadd.s32 $0xFFFFD800  }
0x41: {  	[bflag:$0x0] =	sbarrier.arrive $0xFFFF  }
0x42: {  	[tilespmem:s3], [sflag:$0x3] =	stream.linear.gather [hbm4b:s7+s3], $0x1400, $0x38;
	[tilespmem:$0x1E800] =	vst v63  }
0x43: {  	_ =	swait.ge [sflag:s16], $0x1400  }
0x44: {  	[sflag:s16] =	ssyncset.done $0x0  }
0x45: {  	[sflag:s16] =	ssyncadd.s32 $0xFFFFEC00  }
0x46: {  	[tilespmem:s17], [sflag:$0x3] =	stream.linear.gather [hbm4b:s8+s3], $0x1400, $0x38;
	[tilespmem:$0x1E800] =	vst v63  }
0x47: {  	_ =	swait.ge [sflag:s16], $0x1400  }
0x48: {  	[sflag:s16] =	ssyncset.done $0x0  }
0x49: {  	[sflag:s16] =	ssyncadd.s32 $0xFFFFEC00  }
0x4a: {  	[tilespmem:s19], [sflag:$0x1] =	stream.indirect.gather [hbm4b:s4+s18], $0x80, s3, s18, $0xb8;
	[tilespmem:$0x1E800] =	vst v63  }
0x4b: {  	s28 =	simm.s32 $0x80  }
0x4c: {  	[tilespmem:s20], [sflag:$0x2] =	stream.indirect.gather [hbm4b:s4+s18], $0x80, s28, s18, $0xb8;
	[tilespmem:$0x1E800] =	vst v63  }
0x4d: {  	_ =	swait.ge [sflag:s21], $0x4000  }
0x4e: {  	[sflag:s21] =	ssyncset.done $0x0  }
0x4f: {  	s28 =	simm.s32 $0x1400;
	[sflag:s21] =	ssyncadd.s32 $0xFFFFC000  }
0x50: {  	[spmem:s2] =	stream.indirect.scatter.add.f32 [tilespmem:s19], [sflag:$0x3], $0x80, s28, s18, $0xb8;
	[tilespmem:$0x1E800] =	vst v63  }
0x51: {  	_ =	swait.ge [sflag:s16], $0x4000  }
0x52: {  	[sflag:s16] =	ssyncset.done $0x0  }
0x53: {  	s28 =	simm.s32 $0x100;
	[sflag:s16] =	ssyncadd.s32 $0xFFFFC000  }
0x54: {  	[tilespmem:s19], [sflag:$0x1] =	stream.indirect.gather [hbm4b:s4+s18], $0x80, s28, s18, $0xb8;
	[tilespmem:$0x1E800] =	vst v63  }
0x55: {  	_ =	swait.ge [sflag:s22], $0x4000  }
0x56: {  	[sflag:s22] =	ssyncset.done $0x0  }
0x57: {  	s28 =	simm.s32 $0x1480;
	[sflag:s22] =	ssyncadd.s32 $0xFFFFC000  }
0x58: {  	[spmem:s2] =	stream.indirect.scatter.add.f32 [tilespmem:s20], [sflag:$0x3], $0x80, s28, s18, $0xb8;
	[tilespmem:$0x1E800] =	vst v63  }
0x59: {  	_ =	swait.ge [sflag:s16], $0x4000  }
0x5a: {  	s29 =	simm.s32 $0x800;
	s28 =	simm.s32 $0x100;
	[sflag:s16] =	ssyncset.done $0x0  }
.LBB2_2:
0x5b: {  	s30 =	sadd.s32 $0x80, s28  }
0x5c: {  	[sflag:s16] =	ssyncadd.s32 $0xFFFFC000;
	s31 =	smov.u32 s29;
	s0 =	sadd.s32 $0x400, s29  }
0x5d: {  	[tilespmem:s20], [sflag:$0x2] =	stream.indirect.gather [hbm4b:s4+s18], $0x80, s30, s18, $0xb8;
	[tilespmem:$0x1E800] =	vst v63  }
0x5e: {  	p1 =	sne.s32 s29, $0x4800;
	_ =	swait.ge [sflag:s21], $0x4000  }
0x5f: {  	[sflag:s21] =	ssyncset.done $0x0  }
0x60: {  	s29 =	sadd.s32 $0x1400, s28;
	[sflag:s21] =	ssyncadd.s32 $0xFFFFC000  }
0x61: {  	[spmem:s2] =	stream.indirect.scatter.add.f32 [tilespmem:s19], [sflag:$0x3], $0x80, s29, s18, $0xb8;
	[tilespmem:$0x1E800] =	vst v63  }
0x62: {  	_ =	swait.ge [sflag:s16], $0x4000  }
0x63: {  	[sflag:s16] =	ssyncset.done $0x0  }
0x64: {  	s29 =	sadd.s32 $0x100, s28;
	[sflag:s16] =	ssyncadd.s32 $0xFFFFC000  }
0x65: {  	[tilespmem:s19], [sflag:$0x1] =	stream.indirect.gather [hbm4b:s4+s18], $0x80, s29, s18, $0xb8;
	[tilespmem:$0x1E800] =	vst v63  }
0x66: {  	_ =	swait.ge [sflag:s22], $0x4000  }
.Ltmp2:
0x67: {  	[sflag:s22] =	ssyncset.done $0x0;
	(pc) =	sbr.rel @p1 .LBB2_2-.Ltmp2, $4  }
0x68: {  	s28 =	sadd.s32 $0x1480, s28;
	[sflag:s22] =	ssyncadd.s32 $0xFFFFC000  }
0x69: {  	[spmem:s2] =	stream.indirect.scatter.add.f32 [tilespmem:s20], [sflag:$0x3], $0x80, s28, s18, $0xb8;
	[tilespmem:$0x1E800] =	vst v63  }
0x6a: {  	_ =	swait.ge [sflag:s16], $0x4000  }
0x6b: {  	s29 =	smov.u32 s0;
	s28 =	sshra.s32 s31, $0x2;
	[sflag:s16] =	ssyncset.done $0x0  }
0x6c: {  	s0 =	sadd.s32 $0x80, s28;
	[sflag:s16] =	ssyncadd.s32 $0xFFFFC000  }
0x6d: {  	[tilespmem:s20], [sflag:$0x2] =	stream.indirect.gather [hbm4b:s4+s18], $0x80, s0, s18, $0xb8;
	[tilespmem:$0x1E800] =	vst v63  }
0x6e: {  	_ =	swait.ge [sflag:s21], $0x4000  }
0x6f: {  	[sflag:s21] =	ssyncset.done $0x0  }
0x70: {  	s29 =	sadd.s32 $0x1400, s28;
	[sflag:s21] =	ssyncadd.s32 $0xFFFFC000  }
0x71: {  	[spmem:s2] =	stream.indirect.scatter.add.f32 [tilespmem:s19], [sflag:$0x3], $0x80, s29, s18, $0xb8;
	[tilespmem:$0x1E800] =	vst v63  }
0x72: {  	_ =	swait.ge [sflag:s16], $0x4000  }
0x73: {  	[sflag:s16] =	ssyncset.done $0x0  }
0x74: {  	s30 =	sadd.s32 $0x100, s28;
	[sflag:s16] =	ssyncadd.s32 $0xFFFFC000  }
0x75: {  	[tilespmem:s19], [sflag:$0x1] =	stream.indirect.gather [hbm4b:s4+s18], $0x80, s30, s18, $0xb8;
	[tilespmem:$0x1E800] =	vst v63  }
0x76: {  	_ =	swait.ge [sflag:s22], $0x4000  }
0x77: {  	[sflag:s22] =	ssyncset.done $0x0  }
0x78: {  	s31 =	sadd.s32 $0x1480, s28;
	[sflag:s22] =	ssyncadd.s32 $0xFFFFC000  }
0x79: {  	[spmem:s2] =	stream.indirect.scatter.add.f32 [tilespmem:s20], [sflag:$0x3], $0x80, s31, s18, $0xb8;
	[tilespmem:$0x1E800] =	vst v63  }
0x7a: {  	_ =	swait.ge [sflag:s16], $0x4000  }
0x7b: {  	[sflag:s16] =	ssyncset.done $0x0  }
0x7c: {  	[sflag:s16] =	ssyncadd.s32 $0xFFFFC000  }
0x7d: {  	[tilespmem:s20], [sflag:$0x2] =	stream.indirect.gather [hbm4b:s4+s18], $0x80, s23, s18, $0xb8;
	[tilespmem:$0x1E800] =	vst v63  }
0x7e: {  	_ =	swait.ge [sflag:s21], $0x4000  }
0x7f: {  	[sflag:s21] =	ssyncset.done $0x0  }
0x80: {  	[sflag:s21] =	ssyncadd.s32 $0xFFFFC000  }
0x81: {  	[spmem:s2] =	stream.indirect.scatter.add.f32 [tilespmem:s19], [sflag:$0x3], $0x80, s24, s18, $0xb8;
	[tilespmem:$0x1E800] =	vst v63  }
0x82: {  	_ =	swait.ge [sflag:s16], $0x4000  }
0x83: {  	[sflag:s16] =	ssyncset.done $0x0  }
0x84: {  	[sflag:s16] =	ssyncadd.s32 $0xFFFFC000  }
0x85: {  	_ =	swait.ge [sflag:s22], $0x4000  }
0x86: {  	[sflag:s22] =	ssyncset.done $0x0  }
.Ltmp3:
0x87: {  	[sflag:s22] =	ssyncadd.s32 $0xFFFFC000;
	(pc) =	sbr.rel @p0 .LBB2_9-.Ltmp3, $4  }
0x88: {  	[spmem:s2] =	stream.indirect.scatter.add.f32 [tilespmem:s20], [sflag:$0x3], $0x80, s25, s18, $0xb8;
	[tilespmem:$0x1E800] =	vst v63  }
0x89: {  	_ =	swait.ge [sflag:s16], $0x4000  }
0x8a: {  	[sflag:s16] =	ssyncset.done $0x0  }
0x8b: {  	[sflag:s16] =	ssyncadd.s32 $0xFFFFC000  }
0x8c: {  	s0 =	simm.s32 $0x0  }
0x8d: {  	[tilespmem:s0], [sflag:$0x3] =	stream.linear.gather [hbm4b:s9+s0], $0x1400, $0x38;
	[tilespmem:$0x1E800] =	vst v63  }
0x8e: {  	_ =	swait.ge [sflag:s16], $0x1400  }
0x8f: {  	[sflag:s16] =	ssyncset.done $0x0  }
0x90: {  	[sflag:s16] =	ssyncadd.s32 $0xFFFFEC00  }
0x91: {  	[tilespmem:s17], [sflag:$0x3] =	stream.linear.gather [hbm4b:s10+s0], $0x1400, $0x38;
	[tilespmem:$0x1E800] =	vst v63  }
0x92: {  	_ =	swait.ge [sflag:s16], $0x1400  }
0x93: {  	[sflag:s16] =	ssyncset.done $0x0  }
0x94: {  	[sflag:s16] =	ssyncadd.s32 $0xFFFFEC00  }
0x95: {  	[tilespmem:s19], [sflag:$0x1] =	stream.indirect.gather [hbm4b:s4+s18], $0x80, s0, s18, $0xb8;
	[tilespmem:$0x1E800] =	vst v63  }
0x96: {  	s30 =	simm.s32 $0x80  }
0x97: {  	[tilespmem:s20], [sflag:$0x2] =	stream.indirect.gather [hbm4b:s4+s18], $0x80, s30, s18, $0xb8;
	[tilespmem:$0x1E800] =	vst v63  }
0x98: {  	_ =	swait.ge [sflag:s21], $0x4000  }
0x99: {  	[sflag:s21] =	ssyncset.done $0x0  }
0x9a: {  	s31 =	simm.s32 $0x1400;
	[sflag:s21] =	ssyncadd.s32 $0xFFFFC000  }
0x9b: {  	[spmem:s2] =	stream.indirect.scatter.add.f32 [tilespmem:s19], [sflag:$0x3], $0x80, s31, s18, $0xb8;
	[tilespmem:$0x1E800] =	vst v63  }
0x9c: {  	_ =	swait.ge [sflag:s16], $0x4000  }
0x9d: {  	[sflag:s16] =	ssyncset.done $0x0  }
0x9e: {  	s30 =	simm.s32 $0x100;
	[sflag:s16] =	ssyncadd.s32 $0xFFFFC000  }
0x9f: {  	[tilespmem:s19], [sflag:$0x1] =	stream.indirect.gather [hbm4b:s4+s18], $0x80, s30, s18, $0xb8;
	[tilespmem:$0x1E800] =	vst v63  }
0xa0: {  	_ =	swait.ge [sflag:s22], $0x4000  }
0xa1: {  	[sflag:s22] =	ssyncset.done $0x0  }
0xa2: {  	s31 =	simm.s32 $0x1480;
	[sflag:s22] =	ssyncadd.s32 $0xFFFFC000  }
0xa3: {  	[spmem:s2] =	stream.indirect.scatter.add.f32 [tilespmem:s20], [sflag:$0x3], $0x80, s31, s18, $0xb8;
	[tilespmem:$0x1E800] =	vst v63  }
0xa4: {  	_ =	swait.ge [sflag:s16], $0x4000  }
0xa5: {  	s29 =	simm.s32 $0x800;
	s28 =	simm.s32 $0x100;
	[sflag:s16] =	ssyncset.done $0x0  }
.LBB2_5:
0xa6: {  	s0 =	sadd.s32 $0x80, s28  }
0xa7: {  	[sflag:s16] =	ssyncadd.s32 $0xFFFFC000;
	s30 =	smov.u32 s29;
	s31 =	sadd.s32 $0x400, s29  }
0xa8: {  	[tilespmem:s20], [sflag:$0x2] =	stream.indirect.gather [hbm4b:s4+s18], $0x80, s0, s18, $0xb8;
	[tilespmem:$0x1E800] =	vst v63  }
0xa9: {  	p1 =	sne.s32 s29, $0x4800;
	_ =	swait.ge [sflag:s21], $0x4000  }
0xaa: {  	[sflag:s21] =	ssyncset.done $0x0  }
0xab: {  	s0 =	sadd.s32 $0x1400, s28;
	[sflag:s21] =	ssyncadd.s32 $0xFFFFC000  }
0xac: {  	[spmem:s2] =	stream.indirect.scatter.add.f32 [tilespmem:s19], [sflag:$0x3], $0x80, s0, s18, $0xb8;
	[tilespmem:$0x1E800] =	vst v63  }
0xad: {  	_ =	swait.ge [sflag:s16], $0x4000  }
0xae: {  	[sflag:s16] =	ssyncset.done $0x0  }
0xaf: {  	s0 =	sadd.s32 $0x100, s28;
	[sflag:s16] =	ssyncadd.s32 $0xFFFFC000  }
0xb0: {  	[tilespmem:s19], [sflag:$0x1] =	stream.indirect.gather [hbm4b:s4+s18], $0x80, s0, s18, $0xb8;
	[tilespmem:$0x1E800] =	vst v63  }
0xb1: {  	_ =	swait.ge [sflag:s22], $0x4000  }
.Ltmp4:
0xb2: {  	[sflag:s22] =	ssyncset.done $0x0;
	(pc) =	sbr.rel @p1 .LBB2_5-.Ltmp4, $4  }
0xb3: {  	s0 =	sadd.s32 $0x1480, s28;
	[sflag:s22] =	ssyncadd.s32 $0xFFFFC000  }
0xb4: {  	[spmem:s2] =	stream.indirect.scatter.add.f32 [tilespmem:s20], [sflag:$0x3], $0x80, s0, s18, $0xb8;
	[tilespmem:$0x1E800] =	vst v63  }
0xb5: {  	_ =	swait.ge [sflag:s16], $0x4000  }
0xb6: {  	s29 =	smov.u32 s31;
	s28 =	sshra.s32 s30, $0x2;
	[sflag:s16] =	ssyncset.done $0x0  }
0xb7: {  	s0 =	sadd.s32 $0x80, s28;
	[sflag:s16] =	ssyncadd.s32 $0xFFFFC000  }
0xb8: {  	[tilespmem:s20], [sflag:$0x2] =	stream.indirect.gather [hbm4b:s4+s18], $0x80, s0, s18, $0xb8;
	[tilespmem:$0x1E800] =	vst v63  }
0xb9: {  	_ =	swait.ge [sflag:s21], $0x4000  }
0xba: {  	[sflag:s21] =	ssyncset.done $0x0  }
0xbb: {  	s30 =	sadd.s32 $0x1400, s28;
	[sflag:s21] =	ssyncadd.s32 $0xFFFFC000  }
0xbc: {  	[spmem:s2] =	stream.indirect.scatter.add.f32 [tilespmem:s19], [sflag:$0x3], $0x80, s30, s18, $0xb8;
	[tilespmem:$0x1E800] =	vst v63  }
0xbd: {  	_ =	swait.ge [sflag:s16], $0x4000  }
0xbe: {  	[sflag:s16] =	ssyncset.done $0x0  }
0xbf: {  	s31 =	sadd.s32 $0x100, s28;
	[sflag:s16] =	ssyncadd.s32 $0xFFFFC000  }
0xc0: {  	[tilespmem:s19], [sflag:$0x1] =	stream.indirect.gather [hbm4b:s4+s18], $0x80, s31, s18, $0xb8;
	[tilespmem:$0x1E800] =	vst v63  }
0xc1: {  	_ =	swait.ge [sflag:s22], $0x4000  }
0xc2: {  	[sflag:s22] =	ssyncset.done $0x0  }
0xc3: {  	s30 =	sadd.s32 $0x1480, s28;
	[sflag:s22] =	ssyncadd.s32 $0xFFFFC000  }
0xc4: {  	[spmem:s2] =	stream.indirect.scatter.add.f32 [tilespmem:s20], [sflag:$0x3], $0x80, s30, s18, $0xb8;
	[tilespmem:$0x1E800] =	vst v63  }
0xc5: {  	_ =	swait.ge [sflag:s16], $0x4000  }
0xc6: {  	[sflag:s16] =	ssyncset.done $0x0  }
0xc7: {  	[sflag:s16] =	ssyncadd.s32 $0xFFFFC000  }
0xc8: {  	[tilespmem:s20], [sflag:$0x2] =	stream.indirect.gather [hbm4b:s4+s18], $0x80, s23, s18, $0xb8;
	[tilespmem:$0x1E800] =	vst v63  }
0xc9: {  	_ =	swait.ge [sflag:s21], $0x4000  }
0xca: {  	[sflag:s21] =	ssyncset.done $0x0  }
0xcb: {  	[sflag:s21] =	ssyncadd.s32 $0xFFFFC000  }
0xcc: {  	[spmem:s2] =	stream.indirect.scatter.add.f32 [tilespmem:s19], [sflag:$0x3], $0x80, s24, s18, $0xb8;
	[tilespmem:$0x1E800] =	vst v63  }
0xcd: {  	_ =	swait.ge [sflag:s16], $0x4000  }
0xce: {  	[sflag:s16] =	ssyncset.done $0x0  }
0xcf: {  	[sflag:s16] =	ssyncadd.s32 $0xFFFFC000  }
0xd0: {  	_ =	swait.ge [sflag:s22], $0x4000  }
0xd1: {  	[sflag:s22] =	ssyncset.done $0x0  }
0xd2: {  	[sflag:s22] =	ssyncadd.s32 $0xFFFFC000  }
0xd3: {  	[spmem:s2] =	stream.indirect.scatter.add.f32 [tilespmem:s20], [sflag:$0x3], $0x80, s25, s18, $0xb8;
	[tilespmem:$0x1E800] =	vst v63  }
0xd4: {  	_ =	swait.ge [sflag:s16], $0x4000  }
0xd5: {  	[sflag:s16] =	ssyncset.done $0x0  }
0xd6: {  	s31 =	simm.s32 $0x0;
	[sflag:s16] =	ssyncadd.s32 $0xFFFFC000  }
0xd7: {  	[tilespmem:s31], [sflag:$0x3] =	stream.linear.gather [hbm4b:s11+s31], $0x1400, $0x38;
	[tilespmem:$0x1E800] =	vst v63  }
0xd8: {  	_ =	swait.ge [sflag:s16], $0x1400  }
0xd9: {  	[sflag:s16] =	ssyncset.done $0x0  }
0xda: {  	[sflag:s16] =	ssyncadd.s32 $0xFFFFEC00  }
0xdb: {  	[tilespmem:s17], [sflag:$0x3] =	stream.linear.gather [hbm4b:s12+s31], $0x1400, $0x38;
	[tilespmem:$0x1E800] =	vst v63  }
0xdc: {  	_ =	swait.ge [sflag:s16], $0x1400  }
0xdd: {  	[sflag:s16] =	ssyncset.done $0x0  }
0xde: {  	[sflag:s16] =	ssyncadd.s32 $0xFFFFEC00  }
0xdf: {  	[tilespmem:s19], [sflag:$0x1] =	stream.indirect.gather [hbm4b:s4+s18], $0x80, s31, s18, $0xb8;
	[tilespmem:$0x1E800] =	vst v63  }
0xe0: {  	s30 =	simm.s32 $0x80  }
0xe1: {  	[tilespmem:s20], [sflag:$0x2] =	stream.indirect.gather [hbm4b:s4+s18], $0x80, s30, s18, $0xb8;
	[tilespmem:$0x1E800] =	vst v63  }
0xe2: {  	_ =	swait.ge [sflag:s21], $0x4000  }
0xe3: {  	[sflag:s21] =	ssyncset.done $0x0  }
0xe4: {  	s31 =	simm.s32 $0x1400;
	[sflag:s21] =	ssyncadd.s32 $0xFFFFC000  }
0xe5: {  	[spmem:s2] =	stream.indirect.scatter.add.f32 [tilespmem:s19], [sflag:$0x3], $0x80, s31, s18, $0xb8;
	[tilespmem:$0x1E800] =	vst v63  }
0xe6: {  	_ =	swait.ge [sflag:s16], $0x4000  }
0xe7: {  	[sflag:s16] =	ssyncset.done $0x0  }
0xe8: {  	s30 =	simm.s32 $0x100;
	[sflag:s16] =	ssyncadd.s32 $0xFFFFC000  }
0xe9: {  	[tilespmem:s19], [sflag:$0x1] =	stream.indirect.gather [hbm4b:s4+s18], $0x80, s30, s18, $0xb8;
	[tilespmem:$0x1E800] =	vst v63  }
0xea: {  	_ =	swait.ge [sflag:s22], $0x4000  }
0xeb: {  	[sflag:s22] =	ssyncset.done $0x0  }
0xec: {  	s31 =	simm.s32 $0x1480;
	[sflag:s22] =	ssyncadd.s32 $0xFFFFC000  }
0xed: {  	[spmem:s2] =	stream.indirect.scatter.add.f32 [tilespmem:s20], [sflag:$0x3], $0x80, s31, s18, $0xb8;
	[tilespmem:$0x1E800] =	vst v63  }
0xee: {  	_ =	swait.ge [sflag:s16], $0x4000  }
0xef: {  	s29 =	simm.s32 $0x800;
	s28 =	simm.s32 $0x100;
	[sflag:s16] =	ssyncset.done $0x0  }
.LBB2_7:
0xf0: {  	s0 =	sadd.s32 $0x80, s28  }
0xf1: {  	[sflag:s16] =	ssyncadd.s32 $0xFFFFC000;
	s30 =	smov.u32 s29;
	s31 =	sadd.s32 $0x400, s29  }
0xf2: {  	[tilespmem:s20], [sflag:$0x2] =	stream.indirect.gather [hbm4b:s4+s18], $0x80, s0, s18, $0xb8;
	[tilespmem:$0x1E800] =	vst v63  }
0xf3: {  	p1 =	sne.s32 s29, $0x4800;
	_ =	swait.ge [sflag:s21], $0x4000  }
0xf4: {  	[sflag:s21] =	ssyncset.done $0x0  }
0xf5: {  	s0 =	sadd.s32 $0x1400, s28;
	[sflag:s21] =	ssyncadd.s32 $0xFFFFC000  }
0xf6: {  	[spmem:s2] =	stream.indirect.scatter.add.f32 [tilespmem:s19], [sflag:$0x3], $0x80, s0, s18, $0xb8;
	[tilespmem:$0x1E800] =	vst v63  }
0xf7: {  	_ =	swait.ge [sflag:s16], $0x4000  }
0xf8: {  	[sflag:s16] =	ssyncset.done $0x0  }
0xf9: {  	s0 =	sadd.s32 $0x100, s28;
	[sflag:s16] =	ssyncadd.s32 $0xFFFFC000  }
0xfa: {  	[tilespmem:s19], [sflag:$0x1] =	stream.indirect.gather [hbm4b:s4+s18], $0x80, s0, s18, $0xb8;
	[tilespmem:$0x1E800] =	vst v63  }
0xfb: {  	_ =	swait.ge [sflag:s22], $0x4000  }
.Ltmp5:
0xfc: {  	[sflag:s22] =	ssyncset.done $0x0;
	(pc) =	sbr.rel @p1 .LBB2_7-.Ltmp5, $4  }
0xfd: {  	s0 =	sadd.s32 $0x1480, s28;
	[sflag:s22] =	ssyncadd.s32 $0xFFFFC000  }
0xfe: {  	[spmem:s2] =	stream.indirect.scatter.add.f32 [tilespmem:s20], [sflag:$0x3], $0x80, s0, s18, $0xb8;
	[tilespmem:$0x1E800] =	vst v63  }
0xff: {  	_ =	swait.ge [sflag:s16], $0x4000  }
0x100: {  	s29 =	smov.u32 s31;
	s28 =	sshra.s32 s30, $0x2;
	[sflag:s16] =	ssyncset.done $0x0  }
.Ltmp6:
0x101: {  	_ = 	snop;
	(pc) =	sbr.rel .LBB2_8-.Ltmp6, $1  }
0x102: {  	_ =	sdelay $0x3  }
.LBB2_10:
0x103: {  	_ =	sfence.sel $0x180000  }
0x104: {  	[bflag:$0x0] =	sbarrier.arrive $0xFFFF  }
0x105: {  	_ =	strace $0x90000050  }
0x106: {  	[bflag:$0x2] =	sbarrier.arrive $0xFFFF  }
0x107: {  	p0 =	sne.s32 s1, $0x0;
	s0 =	rddreg [dreg:$0x2]  }
0x108: {  	s0 =	sadd.s32 @!p0 $0x100000, s0  }
0x109: {  	[sflag:s0] =	ssyncadd.tile.s32 @!p0 $0x1;
	_ =	shalt  }
.Lfunc_end2:
_tile_overlayer_lowered:
.L_overlay_start_2:
0x10a: {  	(tag) =	ssettag $0x2  }
0x10b: {  	s0 =	rddreg [dreg:$0x0];
	s2 =	stileid.u32  }
0x10c: {  	s1 =	rddreg [dreg:$0x1];
	p0 =	sne.s32 s2, $0x0  }
0x10d: {  	s3 =	rddreg [dreg:$0x2];
	[bflag:$0x3] =	sbarrier.arrive $0xFFFF;
	s2 =	simm.s32 @!p0 $0x1C03  }
0x10e: {  	[timem:s3], [sflag:s2] =	dma.local @!p0 [hbm:s0], s1  }
0x10f: {  	s0 =	simm.s32 @!p0 $0x3  }
0x110: {  	_ =	swait.ge @!p0 [sflag:s0], s1  }
0x111: {  	s1 =	ssub.s32 @!p0 $0x0, s1;
	[sflag:s0] =	ssyncset.done @!p0 $0x0  }
0x112: {  	[sflag:s0] =	ssyncadd.s32 @!p0 s1  }
0x113: {  	[bflag:$0x3] =	sbarrier.arrive $0xFFFF  }
0x114: {  	_ =	shalt  }

</sc_bundles>
